<compile_context>
chip_gen: v7x
topology: tpu7x:2x2x1
jax: 0.10.2.dev20260603
libtpu: 0.0.44.dev20260713+nightly
codegen_flags: <defaults>
</compile_context>

<pallas_src>
import functools

import jax
import jax.numpy as jnp
from jax import lax
from jax.experimental import pallas as pl
from jax.experimental.pallas import tpu as pltpu
from jax.experimental.pallas import tpu_sc as plsc

N = 10000
NP = 10240
D = 128
E = 320000
NC = 2
NS = 16
NW = NC * NS
EPW = E // NW
EPW2 = 10240
CH = 128
NCHUNK = EPW2 // CH
G = 10
NGRP = NCHUNK // G
RPT = NP // NS
DEGW = 16
L = 16
HR = NP // D

_mesh = plsc.VectorSubcoreMesh(core_axis_name="c", subcore_axis_name="s")


@functools.partial(
    pl.kernel,
    mesh=_mesh,
    out_type=jax.ShapeDtypeStruct((NC, NP // 8, D), jnp.float32),
    scratch_types=[
        pltpu.VMEM((EPW2 // D, D), jnp.int32),
        pltpu.VMEM((HR, D), jnp.float32),
        pltpu.VMEM((HR,), jnp.int32),
        pltpu.VMEM((HR, D), jnp.float32),
        pltpu.VMEM((HR, D), jnp.float32),
        pltpu.VMEM_SHARED((HR, D), jnp.float32),
        pltpu.VMEM_SHARED((NP // 8, D), jnp.float32),
    ],
    compiler_params=pltpu.CompilerParams(needs_layout_passes=False),
)
def _deg_call(dst2d_hbm, zeros_hbm, out_hbm, idx_v, hist_v, iota_v, red_v,
              bcast_v, acc_sh, stage_sh):
    cid = lax.axis_index("c")
    sid = lax.axis_index("s")
    wid = cid * NS + sid
    pltpu.sync_copy(dst2d_hbm.at[wid], idx_v)

    @pl.when(sid == 0)
    def _():
        pltpu.sync_copy(zeros_hbm.at[pl.ds(0, HR)], acc_sh)

    for k in range(HR // L):
        iota_v[pl.ds(k * L, L)] = lax.iota(jnp.int32, L) + (k * L)

    def z16(i, carry):
        for k in range(D // L):
            hist_v[i, pl.ds(k * L, L)] = jnp.zeros((L,), jnp.float32)
        return carry

    lax.fori_loop(0, HR, z16, 0)

    ones16 = jnp.full((L,), 1.0, jnp.float32)

    def body(i, carry):
        for k in range(D // L):
            idx16 = idx_v[i, pl.ds(k * L, L)]
            hi = lax.shift_right_logical(idx16, 7)
            lo = lax.bitwise_and(idx16, 127)
            plsc.addupdate_scatter(hist_v, [hi, lo], ones16)
        return carry

    lax.fori_loop(0, EPW2 // D, body, 0)
    plsc.subcore_barrier()
    pltpu.sync_copy(hist_v, acc_sh.at[iota_v], add=True)
    plsc.subcore_barrier()
    pltpu.sync_copy(acc_sh, red_v)

    def bbody(i, carry):
        n0 = sid * RPT + i * L
        v = red_v[n0 // D, pl.ds(n0 % D, L)]
        for l in range(L):
            f = (i * L + l) * DEGW
            bcast_v[f // D, pl.ds(f % D, L)] = jnp.full((L,), v[l],
                                                        jnp.float32)
        return carry

    lax.fori_loop(0, RPT // L, bbody, 0)
    pltpu.sync_copy(bcast_v, stage_sh.at[pl.ds(sid * HR, HR)])
    plsc.subcore_barrier()

    @pl.when(sid == 0)
    def _():
        pltpu.sync_copy(stage_sh, out_hbm.at[cid])


CHS = 80
NCHS = EPW // CHS


NBODY = NCHS - 1


@functools.partial(
    pl.kernel,
    mesh=_mesh,
    out_type=jax.ShapeDtypeStruct((NC, NP, D), jnp.float32),
    scratch_types=[
        pltpu.VMEM((4, CHS), jnp.int32),
        pltpu.VMEM((NCHS, CHS), jnp.int32),
        pltpu.VMEM((2, CHS, D), jnp.float32),
        pltpu.VMEM_SHARED((NP, D), jnp.float32),
        pltpu.SemaphoreType.DMA,
        pltpu.SemaphoreType.DMA,
    ],
)
def _scatter_call(tab_hbm, src1d_hbm, dst3d_hbm, zeros_hbm, out_hbm,
                  si_v, didx_v, rows_v, acc_sh, semg0, semg1):
    semg = (semg0, semg1)
    cid = lax.axis_index("c")
    sid = lax.axis_index("s")
    wid = cid * NS + sid
    pltpu.sync_copy(zeros_hbm, acc_sh.at[pl.ds(sid * RPT, RPT)])
    pltpu.sync_copy(dst3d_hbm.at[wid], didx_v)
    base0 = wid * EPW
    pltpu.sync_copy(src1d_hbm.at[pl.ds(base0, CHS)], si_v.at[0])
    pltpu.sync_copy(src1d_hbm.at[pl.ds(base0 + CHS, CHS)], si_v.at[1])
    plsc.subcore_barrier()

    pltpu.async_copy(tab_hbm.at[si_v.at[0]], rows_v.at[0], semg[0])
    pltpu.async_copy(tab_hbm.at[si_v.at[1]], rows_v.at[1], semg[1])

    def body(k, carry):
        for j in range(4):
            c = k * 4 + j
            b = j % 2
            s = (j + 2) % 4

            @pl.when(c + 2 < NCHS)
            def _():
                pltpu.sync_copy(
                    src1d_hbm.at[pl.ds(base0 + (c + 2) * CHS, CHS)],
                    si_v.at[s])

            pltpu.make_async_copy(tab_hbm.at[si_v.at[0]], rows_v.at[b],
                                  semg[b]).wait()
            pltpu.sync_copy(rows_v.at[b], acc_sh.at[didx_v.at[c]], add=True)

            @pl.when(c + 2 < NCHS)
            def _():
                pltpu.async_copy(tab_hbm.at[si_v.at[s]], rows_v.at[b],
                                 semg[b])
        return carry

    lax.fori_loop(0, NBODY // 4, body, 0)
    pltpu.make_async_copy(tab_hbm.at[si_v.at[0]], rows_v.at[0],
                          semg[0]).wait()
    pltpu.sync_copy(rows_v.at[0], acc_sh.at[didx_v.at[NCHS - 1]], add=True)
    plsc.subcore_barrier()
    pltpu.sync_copy(acc_sh.at[pl.ds(sid * RPT, RPT)],
                    out_hbm.at[cid, pl.ds(sid * RPT, RPT)])


BLK = 400


def _dis_from(degp_ref):
    deg = degp_ref[0, :, 0:1] + degp_ref[1, :, 0:1]
    return jnp.where(deg > 0, lax.rsqrt(deg), 0.0)


def _mm_scale_body(x_ref, w_ref, degp_ref, o_ref):
    dis = _dis_from(degp_ref)
    xw = jnp.dot(x_ref[...], w_ref[...],
                 preferred_element_type=jnp.float32,
                 precision=lax.Precision.HIGHEST)
    o_ref[...] = xw * dis


def _combine_mm_body(p_ref, degp_ref, b_ref, w_ref, o_ref):
    dis = _dis_from(degp_ref)
    h = jnp.maximum((p_ref[0] + p_ref[1]) * dis + b_ref[...], 0.0)
    o_ref[...] = jnp.dot(h, w_ref[...],
                         preferred_element_type=jnp.float32,
                         precision=lax.Precision.HIGHEST) * dis


def _final_body(p_ref, degp_ref, b_ref, o_ref):
    dis = _dis_from(degp_ref)
    o_ref[...] = (p_ref[0] + p_ref[1]) * dis + b_ref[...]


_mm_scale = pl.pallas_call(
    _mm_scale_body,
    grid=(N // BLK,),
    in_specs=[
        pl.BlockSpec((BLK, D), lambda i: (i, 0)),
        pl.BlockSpec((D, D), lambda i: (0, 0)),
        pl.BlockSpec((NC, BLK, DEGW), lambda i: (0, i, 0)),
    ],
    out_specs=pl.BlockSpec((BLK, D), lambda i: (i, 0)),
    out_shape=jax.ShapeDtypeStruct((N, D), jnp.float32),
)

_combine_mm = pl.pallas_call(
    _combine_mm_body,
    grid=(N // BLK,),
    in_specs=[
        pl.BlockSpec((NC, BLK, D), lambda i: (0, i, 0)),
        pl.BlockSpec((NC, BLK, DEGW), lambda i: (0, i, 0)),
        pl.BlockSpec((1, D), lambda i: (0, 0)),
        pl.BlockSpec((D, D), lambda i: (0, 0)),
    ],
    out_specs=pl.BlockSpec((BLK, D), lambda i: (i, 0)),
    out_shape=jax.ShapeDtypeStruct((N, D), jnp.float32),
)

_final = pl.pallas_call(
    _final_body,
    grid=(N // BLK,),
    in_specs=[
        pl.BlockSpec((NC, BLK, D), lambda i: (0, i, 0)),
        pl.BlockSpec((NC, BLK, DEGW), lambda i: (0, i, 0)),
        pl.BlockSpec((1, D), lambda i: (0, 0)),
    ],
    out_specs=pl.BlockSpec((BLK, D), lambda i: (i, 0)),
    out_shape=jax.ShapeDtypeStruct((N, D), jnp.float32),
)


def kernel(x, edge_index, W1, b1, W2, b2):
    src = edge_index[0].astype(jnp.int32).reshape(NW, EPW)
    dst = edge_index[1].astype(jnp.int32).reshape(NW, EPW)
    padn = EPW2 - EPW
    srcp = jnp.concatenate(
        [src, jnp.zeros((NW, padn), jnp.int32)], axis=1)
    pad_rows = N + jnp.arange(padn, dtype=jnp.int32)
    dstp = jnp.concatenate(
        [dst, jnp.broadcast_to(pad_rows, (NW, padn))], axis=1)
    src1d = edge_index[0].astype(jnp.int32)
    dst3d = edge_index[1].astype(jnp.int32).reshape(NW, NCHS, CHS)
    dst2d = dstp.reshape(NW, EPW2 // D, D)
    zeros_d = jnp.zeros((RPT, D), jnp.float32)
    b1r = b1.reshape(1, D)
    b2r = b2.reshape(1, D)

    degp = _deg_call(dst2d, zeros_d).reshape(NC, NP, DEGW)
    xws1 = _mm_scale(x, W1, degp)
    p1 = _scatter_call(xws1, src1d, dst3d, zeros_d)
    xws2 = _combine_mm(p1, degp, b1r, W2)
    p2 = _scatter_call(xws2, src1d, dst3d, zeros_d)
    return _final(p2, degp, b2r)

# --- scband reference (transcript-rebuilt; emitter-appended) ---
"""Pipeline reference for scband-gcn2-16887811408593 (READ-ONLY COPY).

The authoritative reference and input builder live on the scoring server;
editing this copy changes nothing except your own understanding.
"""

import jax, jax.numpy as jnp
import numpy as np

N_NODES = 10000
IN_DIM = 128
HIDDEN_DIM = 128
OUT_DIM = 128


def _gcn_conv(x, edge_index, W, b, n_nodes):
    # PyG GCNConv with normalize=True, add_self_loops=False
    src = edge_index[0]
    dst = edge_index[1]
    xw = x @ W
    deg = jnp.zeros((n_nodes,), dtype=x.dtype).at[dst].add(1.0)
    deg_inv_sqrt = jnp.where(deg > 0, deg ** -0.5, 0.0)
    norm = deg_inv_sqrt[src] * deg_inv_sqrt[dst]
    msg = xw[src] * norm[:, None]
    out = jnp.zeros((n_nodes, xw.shape[1]), dtype=x.dtype).at[dst].add(msg)
    return out + b


def setup_inputs(seed: int = 0) -> dict:
    key = jax.random.key(seed)
    k1, k2, k3, k4, k5, k6 = jax.random.split(key, 6)
    x = jax.random.normal(k1, (N_NODES, IN_DIM), dtype=jnp.float32)
    edge_index = jax.random.randint(k2, (2, 320000), 0, N_NODES, dtype=jnp.int64)
    s1 = (1.0 / IN_DIM) ** 0.5
    s2 = (1.0 / HIDDEN_DIM) ** 0.5
    W1 = jax.random.uniform(k3, (IN_DIM, HIDDEN_DIM), jnp.float32, -s1, s1)
    b1 = jax.random.uniform(k4, (HIDDEN_DIM,), jnp.float32, -s1, s1)
    W2 = jax.random.uniform(k5, (HIDDEN_DIM, OUT_DIM), jnp.float32, -s2, s2)
    b2 = jax.random.uniform(k6, (OUT_DIM,), jnp.float32, -s2, s2)
    return {"x": x, "edge_index": edge_index, "W1": W1, "b1": b1, "W2": W2, "b2": b2}


def reference(x, edge_index, W1, b1, W2, b2):
    n_nodes = x.shape[0]
    h = _gcn_conv(x, edge_index, W1, b1, n_nodes)
    h = jax.nn.relu(h)
    # dropout is identity in eval mode
    out = _gcn_conv(h, edge_index, W2, b2, n_nodes)
    return out

if __name__ == "__main__":
    import jax
    _d = setup_inputs()
    print(jax.jit(kernel)(*tuple(_d.values())))

</pallas_src>

<mosaic_0001>
#map = affine_map<(d0, d1) -> (0, 0)>
#map1 = affine_map<(d0, d1) -> (0)>
#map2 = affine_map<(d0, d1) -> (0, 0, 0)>
module attributes {stable_mosaic.version = 14 : i64} {
  func.func @_scatter_call(%arg0: i32, %arg1: i32, %arg2: memref<10000x128xf32, #tpu.memory_space<hbm>>, %arg3: memref<320000xi32, #tpu.memory_space<hbm>>, %arg4: memref<32x125x80xi32, #tpu.memory_space<hbm>>, %arg5: memref<640x128xf32, #tpu.memory_space<hbm>>, %arg6: memref<2x10240x128xf32, #tpu.memory_space<hbm>>, %arg7: memref<4x80xi32, #tpu.memory_space<vmem>>, %arg8: memref<125x80xi32, #tpu.memory_space<vmem>>, %arg9: memref<2x80x128xf32, #tpu.memory_space<vmem>>, %arg10: memref<10240x128xf32, #tpu.memory_space<vmem_shared>>, %arg11: memref<!tpu.dma_semaphore, #tpu.memory_space<semaphore_mem>>, %arg12: memref<!tpu.dma_semaphore, #tpu.memory_space<semaphore_mem>>) attributes {dimension_semantics = [#tpu.dimension_semantics<core_parallel>, #tpu.dimension_semantics<subcore_parallel>], iteration_bounds = array<i64: 2, 16>, scalar_prefetch = 0 : i64, scratch_operands = 6 : i64, tpu.core_type = #tpu.core_type<sc_vector_subcore>, window_params = [{transform_indices = #map}, {transform_indices = #map1}, {transform_indices = #map2}, {transform_indices = #map}, {transform_indices = #map2}]} {
    %mul3A = arith.constant 16 : i32
    %mul3A_0 = arith.muli %arg0, %mul3A : i32
    %add3A = arith.addi %mul3A_0, %arg1 : i32
    %mul3A_1 = arith.constant 640 : i32
    %mul3A_2 = arith.muli %arg1, %mul3A_1 : i32
    "tpu.region"() ({
      %run_scoped3A_54 = tpu.sem_alloc : memref<!tpu.dma_semaphore, #tpu.memory_space<semaphore_mem>>
      %dma_start3A_55 = arith.constant 0 : i32
      %dma_start3A_56 = tpu.memref_slice %arg10[%mul3A_2, %dma_start3A_55] : memref<10240x128xf32, #tpu.memory_space<vmem_shared>> -> memref<640x128xf32, #tpu.memory_space<vmem_shared>>
      tpu.enqueue_dma source(%arg5 : memref<640x128xf32, #tpu.memory_space<hbm>>) target(%dma_start3A_56 : memref<640x128xf32, #tpu.memory_space<vmem_shared>>) target_semaphore(%run_scoped3A_54 : memref<!tpu.dma_semaphore, #tpu.memory_space<semaphore_mem>>)
      %dma_wait3A_57 = arith.constant 0 : i32
      %dma_wait3A_58 = tpu.memref_slice %arg10[%mul3A_2, %dma_wait3A_57] : memref<10240x128xf32, #tpu.memory_space<vmem_shared>> -> memref<640x128xf32, #tpu.memory_space<vmem_shared>>
      tpu.wait_dma2 semaphore(%run_scoped3A_54 : memref<!tpu.dma_semaphore, #tpu.memory_space<semaphore_mem>>) src(%arg5 : memref<640x128xf32, #tpu.memory_space<hbm>>) dst(%dma_wait3A_58 : memref<640x128xf32, #tpu.memory_space<vmem_shared>>)
      tpu.yield
    }) : () -> ()
    "tpu.region"() ({
      %run_scoped3A_54 = tpu.sem_alloc : memref<!tpu.dma_semaphore, #tpu.memory_space<semaphore_mem>>
      %dma_start3A_55 = arith.constant 0 : i32
      %dma_start3A_56 = arith.constant 0 : i32
      %dma_start3A_57 = tpu.memref_slice %arg4[%add3A, %dma_start3A_55, %dma_start3A_56] : memref<32x125x80xi32, #tpu.memory_space<hbm>> -> memref<1x125x80xi32, #tpu.memory_space<hbm>>
      %dma_start3A_58 = tpu.memref_squeeze %dma_start3A_57 : memref<1x125x80xi32, #tpu.memory_space<hbm>> -> memref<125x80xi32, #tpu.memory_space<hbm>>
      %dma_start3A_59 = arith.constant 0 : i32
      %dma_start3A_60 = arith.constant 0 : i32
      %dma_start3A_61 = tpu.memref_slice %arg4[%add3A, %dma_start3A_59, %dma_start3A_60] : memref<32x125x80xi32, #tpu.memory_space<hbm>> -> memref<1x125x80xi32, #tpu.memory_space<hbm>>
      %dma_start3A_62 = tpu.memref_squeeze %dma_start3A_61 : memref<1x125x80xi32, #tpu.memory_space<hbm>> -> memref<125x80xi32, #tpu.memory_space<hbm>>
      tpu.enqueue_dma source(%dma_start3A_62 : memref<125x80xi32, #tpu.memory_space<hbm>>) target(%arg8 : memref<125x80xi32, #tpu.memory_space<vmem>>) target_semaphore(%run_scoped3A_54 : memref<!tpu.dma_semaphore, #tpu.memory_space<semaphore_mem>>)
      %dma_wait3A_63 = arith.constant 0 : i32
      %dma_wait3A_64 = arith.constant 0 : i32
      %dma_wait3A_65 = tpu.memref_slice %arg4[%add3A, %dma_wait3A_63, %dma_wait3A_64] : memref<32x125x80xi32, #tpu.memory_space<hbm>> -> memref<1x125x80xi32, #tpu.memory_space<hbm>>
      %dma_wait3A_66 = tpu.memref_squeeze %dma_wait3A_65 : memref<1x125x80xi32, #tpu.memory_space<hbm>> -> memref<125x80xi32, #tpu.memory_space<hbm>>
      %dma_wait3A_67 = arith.constant 0 : i32
      %dma_wait3A_68 = arith.constant 0 : i32
      %dma_wait3A_69 = tpu.memref_slice %arg4[%add3A, %dma_wait3A_67, %dma_wait3A_68] : memref<32x125x80xi32, #tpu.memory_space<hbm>> -> memref<1x125x80xi32, #tpu.memory_space<hbm>>
      %dma_wait3A_70 = tpu.memref_squeeze %dma_wait3A_69 : memref<1x125x80xi32, #tpu.memory_space<hbm>> -> memref<125x80xi32, #tpu.memory_space<hbm>>
      tpu.wait_dma2 semaphore(%run_scoped3A_54 : memref<!tpu.dma_semaphore, #tpu.memory_space<semaphore_mem>>) src(%dma_wait3A_70 : memref<125x80xi32, #tpu.memory_space<hbm>>) dst(%arg8 : memref<125x80xi32, #tpu.memory_space<vmem>>)
      tpu.yield
    }) : () -> ()
    %mul3A_3 = arith.constant 10000 : i32
    %mul3A_4 = arith.muli %add3A, %mul3A_3 : i32
    %run_scoped3A = arith.constant 0 : i32
    "tpu.region"() ({
      %run_scoped3A_54 = tpu.sem_alloc : memref<!tpu.dma_semaphore, #tpu.memory_space<semaphore_mem>>
      %dma_start3A_55 = arith.constant 0 : i32
      %dma_start3A_56 = tpu.memref_slice %arg7[%run_scoped3A, %dma_start3A_55] : memref<4x80xi32, #tpu.memory_space<vmem>> -> memref<1x80xi32, #tpu.memory_space<vmem>>
      %dma_start3A_57 = tpu.memref_squeeze %dma_start3A_56 : memref<1x80xi32, #tpu.memory_space<vmem>> -> memref<80xi32, #tpu.memory_space<vmem>>
      %dma_start3A_58 = tpu.memref_slice %arg3[%mul3A_4] : memref<320000xi32, #tpu.memory_space<hbm>> -> memref<80xi32, #tpu.memory_space<hbm>>
      %dma_start3A_59 = arith.constant 0 : i32
      %dma_start3A_60 = tpu.memref_slice %arg7[%run_scoped3A, %dma_start3A_59] : memref<4x80xi32, #tpu.memory_space<vmem>> -> memref<1x80xi32, #tpu.memory_space<vmem>>
      %dma_start3A_61 = tpu.memref_squeeze %dma_start3A_60 : memref<1x80xi32, #tpu.memory_space<vmem>> -> memref<80xi32, #tpu.memory_space<vmem>>
      %dma_start3A_62 = tpu.memref_slice %arg3[%mul3A_4] : memref<320000xi32, #tpu.memory_space<hbm>> -> memref<80xi32, #tpu.memory_space<hbm>>
      tpu.enqueue_dma source(%dma_start3A_62 : memref<80xi32, #tpu.memory_space<hbm>>) target(%dma_start3A_61 : memref<80xi32, #tpu.memory_space<vmem>>) target_semaphore(%run_scoped3A_54 : memref<!tpu.dma_semaphore, #tpu.memory_space<semaphore_mem>>)
      %dma_wait3A_63 = arith.constant 0 : i32
      %dma_wait3A_64 = tpu.memref_slice %arg7[%run_scoped3A, %dma_wait3A_63] : memref<4x80xi32, #tpu.memory_space<vmem>> -> memref<1x80xi32, #tpu.memory_space<vmem>>
      %dma_wait3A_65 = tpu.memref_squeeze %dma_wait3A_64 : memref<1x80xi32, #tpu.memory_space<vmem>> -> memref<80xi32, #tpu.memory_space<vmem>>
      %dma_wait3A_66 = tpu.memref_slice %arg3[%mul3A_4] : memref<320000xi32, #tpu.memory_space<hbm>> -> memref<80xi32, #tpu.memory_space<hbm>>
      %dma_wait3A_67 = arith.constant 0 : i32
      %dma_wait3A_68 = tpu.memref_slice %arg7[%run_scoped3A, %dma_wait3A_67] : memref<4x80xi32, #tpu.memory_space<vmem>> -> memref<1x80xi32, #tpu.memory_space<vmem>>
      %dma_wait3A_69 = tpu.memref_squeeze %dma_wait3A_68 : memref<1x80xi32, #tpu.memory_space<vmem>> -> memref<80xi32, #tpu.memory_space<vmem>>
      %dma_wait3A_70 = tpu.memref_slice %arg3[%mul3A_4] : memref<320000xi32, #tpu.memory_space<hbm>> -> memref<80xi32, #tpu.memory_space<hbm>>
      tpu.wait_dma2 semaphore(%run_scoped3A_54 : memref<!tpu.dma_semaphore, #tpu.memory_space<semaphore_mem>>) src(%dma_wait3A_70 : memref<80xi32, #tpu.memory_space<hbm>>) dst(%dma_wait3A_69 : memref<80xi32, #tpu.memory_space<vmem>>)
      tpu.yield
    }) : () -> ()
    %add3A_5 = arith.constant 80 : i32
    %add3A_6 = arith.addi %mul3A_4, %add3A_5 : i32
    %run_scoped3A_7 = arith.constant 1 : i32
    "tpu.region"() ({
      %run_scoped3A_54 = tpu.sem_alloc : memref<!tpu.dma_semaphore, #tpu.memory_space<semaphore_mem>>
      %dma_start3A_55 = arith.constant 0 : i32
      %dma_start3A_56 = tpu.memref_slice %arg7[%run_scoped3A_7, %dma_start3A_55] : memref<4x80xi32, #tpu.memory_space<vmem>> -> memref<1x80xi32, #tpu.memory_space<vmem>>
      %dma_start3A_57 = tpu.memref_squeeze %dma_start3A_56 : memref<1x80xi32, #tpu.memory_space<vmem>> -> memref<80xi32, #tpu.memory_space<vmem>>
      %dma_start3A_58 = tpu.memref_slice %arg3[%add3A_6] : memref<320000xi32, #tpu.memory_space<hbm>> -> memref<80xi32, #tpu.memory_space<hbm>>
      %dma_start3A_59 = arith.constant 0 : i32
      %dma_start3A_60 = tpu.memref_slice %arg7[%run_scoped3A_7, %dma_start3A_59] : memref<4x80xi32, #tpu.memory_space<vmem>> -> memref<1x80xi32, #tpu.memory_space<vmem>>
      %dma_start3A_61 = tpu.memref_squeeze %dma_start3A_60 : memref<1x80xi32, #tpu.memory_space<vmem>> -> memref<80xi32, #tpu.memory_space<vmem>>
      %dma_start3A_62 = tpu.memref_slice %arg3[%add3A_6] : memref<320000xi32, #tpu.memory_space<hbm>> -> memref<80xi32, #tpu.memory_space<hbm>>
      tpu.enqueue_dma source(%dma_start3A_62 : memref<80xi32, #tpu.memory_space<hbm>>) target(%dma_start3A_61 : memref<80xi32, #tpu.memory_space<vmem>>) target_semaphore(%run_scoped3A_54 : memref<!tpu.dma_semaphore, #tpu.memory_space<semaphore_mem>>)
      %dma_wait3A_63 = arith.constant 0 : i32
      %dma_wait3A_64 = tpu.memref_slice %arg7[%run_scoped3A_7, %dma_wait3A_63] : memref<4x80xi32, #tpu.memory_space<vmem>> -> memref<1x80xi32, #tpu.memory_space<vmem>>
      %dma_wait3A_65 = tpu.memref_squeeze %dma_wait3A_64 : memref<1x80xi32, #tpu.memory_space<vmem>> -> memref<80xi32, #tpu.memory_space<vmem>>
      %dma_wait3A_66 = tpu.memref_slice %arg3[%add3A_6] : memref<320000xi32, #tpu.memory_space<hbm>> -> memref<80xi32, #tpu.memory_space<hbm>>
      %dma_wait3A_67 = arith.constant 0 : i32
      %dma_wait3A_68 = tpu.memref_slice %arg7[%run_scoped3A_7, %dma_wait3A_67] : memref<4x80xi32, #tpu.memory_space<vmem>> -> memref<1x80xi32, #tpu.memory_space<vmem>>
      %dma_wait3A_69 = tpu.memref_squeeze %dma_wait3A_68 : memref<1x80xi32, #tpu.memory_space<vmem>> -> memref<80xi32, #tpu.memory_space<vmem>>
      %dma_wait3A_70 = tpu.memref_slice %arg3[%add3A_6] : memref<320000xi32, #tpu.memory_space<hbm>> -> memref<80xi32, #tpu.memory_space<hbm>>
      tpu.wait_dma2 semaphore(%run_scoped3A_54 : memref<!tpu.dma_semaphore, #tpu.memory_space<semaphore_mem>>) src(%dma_wait3A_70 : memref<80xi32, #tpu.memory_space<hbm>>) dst(%dma_wait3A_69 : memref<80xi32, #tpu.memory_space<vmem>>)
      tpu.yield
    }) : () -> ()
    %barrier3A = arith.constant 0 : index
    tpu.barrier barrier_id(%barrier3A)
    %dma_start3A = arith.constant 0 : i32
    %dma_start3A_8 = arith.constant 0 : i32
    %dma_start3A_9 = arith.constant 0 : i32
    %dma_start3A_10 = arith.constant 0 : i32
    %dma_start3A_11 = tpu.memref_slice %arg9[%dma_start3A_8, %dma_start3A_9, %dma_start3A_10] : memref<2x80x128xf32, #tpu.memory_space<vmem>> -> memref<1x80x128xf32, #tpu.memory_space<vmem>>
    %dma_start3A_12 = tpu.memref_squeeze %dma_start3A_11 : memref<1x80x128xf32, #tpu.memory_space<vmem>> -> memref<80x128xf32, #tpu.memory_space<vmem>>
    %dma_start3A_13 = arith.constant 0 : i32
    %dma_start3A_14 = tpu.memref_slice %arg7[%dma_start3A, %dma_start3A_13] : memref<4x80xi32, #tpu.memory_space<vmem>> -> memref<1x80xi32, #tpu.memory_space<vmem>>
    %dma_start3A_15 = tpu.memref_squeeze %dma_start3A_14 : memref<1x80xi32, #tpu.memory_space<vmem>> -> memref<80xi32, #tpu.memory_space<vmem>>
    %dma_start3A_16 = arith.constant 0 : i32
    %dma_start3A_17 = arith.constant 0 : i32
    %dma_start3A_18 = tpu.memref_slice %arg2[%dma_start3A_16, %dma_start3A_17] : memref<10000x128xf32, #tpu.memory_space<hbm>> -> memref<10000x128xf32, #tpu.memory_space<hbm>>
    tpu.enqueue_indirect_dma source(%dma_start3A_18 : memref<10000x128xf32, #tpu.memory_space<hbm>>) target(%dma_start3A_12 : memref<80x128xf32, #tpu.memory_space<vmem>>) offsets(%dma_start3A_15 : memref<80xi32, #tpu.memory_space<vmem>>) semaphore(%arg11 : memref<!tpu.dma_semaphore, #tpu.memory_space<semaphore_mem>>)
    %dma_start3A_19 = arith.constant 1 : i32
    %dma_start3A_20 = arith.constant 1 : i32
    %dma_start3A_21 = arith.constant 0 : i32
    %dma_start3A_22 = arith.constant 0 : i32
    %dma_start3A_23 = tpu.memref_slice %arg9[%dma_start3A_20, %dma_start3A_21, %dma_start3A_22] : memref<2x80x128xf32, #tpu.memory_space<vmem>> -> memref<1x80x128xf32, #tpu.memory_space<vmem>>
    %dma_start3A_24 = tpu.memref_squeeze %dma_start3A_23 : memref<1x80x128xf32, #tpu.memory_space<vmem>> -> memref<80x128xf32, #tpu.memory_space<vmem>>
    %dma_start3A_25 = arith.constant 0 : i32
    %dma_start3A_26 = tpu.memref_slice %arg7[%dma_start3A_19, %dma_start3A_25] : memref<4x80xi32, #tpu.memory_space<vmem>> -> memref<1x80xi32, #tpu.memory_space<vmem>>
    %dma_start3A_27 = tpu.memref_squeeze %dma_start3A_26 : memref<1x80xi32, #tpu.memory_space<vmem>> -> memref<80xi32, #tpu.memory_space<vmem>>
    %dma_start3A_28 = arith.constant 0 : i32
    %dma_start3A_29 = arith.constant 0 : i32
    %dma_start3A_30 = tpu.memref_slice %arg2[%dma_start3A_28, %dma_start3A_29] : memref<10000x128xf32, #tpu.memory_space<hbm>> -> memref<10000x128xf32, #tpu.memory_space<hbm>>
    tpu.enqueue_indirect_dma source(%dma_start3A_30 : memref<10000x128xf32, #tpu.memory_space<hbm>>) target(%dma_start3A_24 : memref<80x128xf32, #tpu.memory_space<vmem>>) offsets(%dma_start3A_27 : memref<80xi32, #tpu.memory_space<vmem>>) semaphore(%arg12 : memref<!tpu.dma_semaphore, #tpu.memory_space<semaphore_mem>>)
    %scan3A = arith.constant 0 : i32
    %scan3A_31 = arith.constant 0 : i32
    %scan3A_32 = arith.constant 31 : i32
    %scan3A_33 = arith.addi %scan3A_31, %scan3A_32 : i32
    %scan3A_34 = arith.constant 1 : i32
    scf.for %scan3A_54 = %scan3A_31 to %scan3A_33 step %scan3A_34  : i32 {
      %mul3A_55 = arith.constant 4 : i32
      %mul3A_56 = arith.muli %scan3A_54, %mul3A_55 : i32
      %add3A_57 = arith.constant 0 : i32
      %add3A_58 = arith.addi %mul3A_56, %add3A_57 : i32
      %add3A_59 = arith.constant 2 : i32
      %add3A_60 = arith.addi %add3A_58, %add3A_59 : i32
      %lt3A = arith.constant 125 : i32
      %lt3A_61 = arith.cmpi slt, %add3A_60, %lt3A : i32
      %convert_element_type3A = arith.extui %lt3A_61 : i1 to i32
      %cond3A = arith.constant 0 : i32
      %cond3A_62 = arith.cmpi ne, %convert_element_type3A, %cond3A : i32
      scf.if %cond3A_62 {
        %add3A_176 = arith.constant 2 : i32
        %add3A_177 = arith.addi %add3A_58, %add3A_176 : i32
        %mul3A_178 = arith.constant 80 : i32
        %mul3A_179 = arith.muli %add3A_177, %mul3A_178 : i32
        %add3A_180 = arith.addi %mul3A_4, %mul3A_179 : i32
        %run_scoped3A_181 = arith.constant 2 : i32
        "tpu.region"() ({
          %run_scoped3A_182 = tpu.sem_alloc : memref<!tpu.dma_semaphore, #tpu.memory_space<semaphore_mem>>
          %dma_start3A_183 = arith.constant 0 : i32
          %dma_start3A_184 = tpu.memref_slice %arg7[%run_scoped3A_181, %dma_start3A_183] : memref<4x80xi32, #tpu.memory_space<vmem>> -> memref<1x80xi32, #tpu.memory_space<vmem>>
          %dma_start3A_185 = tpu.memref_squeeze %dma_start3A_184 : memref<1x80xi32, #tpu.memory_space<vmem>> -> memref<80xi32, #tpu.memory_space<vmem>>
          %dma_start3A_186 = tpu.memref_slice %arg3[%add3A_180] : memref<320000xi32, #tpu.memory_space<hbm>> -> memref<80xi32, #tpu.memory_space<hbm>>
          %dma_start3A_187 = arith.constant 0 : i32
          %dma_start3A_188 = tpu.memref_slice %arg7[%run_scoped3A_181, %dma_start3A_187] : memref<4x80xi32, #tpu.memory_space<vmem>> -> memref<1x80xi32, #tpu.memory_space<vmem>>
          %dma_start3A_189 = tpu.memref_squeeze %dma_start3A_188 : memref<1x80xi32, #tpu.memory_space<vmem>> -> memref<80xi32, #tpu.memory_space<vmem>>
          %dma_start3A_190 = tpu.memref_slice %arg3[%add3A_180] : memref<320000xi32, #tpu.memory_space<hbm>> -> memref<80xi32, #tpu.memory_space<hbm>>
          tpu.enqueue_dma source(%dma_start3A_190 : memref<80xi32, #tpu.memory_space<hbm>>) target(%dma_start3A_189 : memref<80xi32, #tpu.memory_space<vmem>>) target_semaphore(%run_scoped3A_182 : memref<!tpu.dma_semaphore, #tpu.memory_space<semaphore_mem>>)
          %dma_wait3A_191 = arith.constant 0 : i32
          %dma_wait3A_192 = tpu.memref_slice %arg7[%run_scoped3A_181, %dma_wait3A_191] : memref<4x80xi32, #tpu.memory_space<vmem>> -> memref<1x80xi32, #tpu.memory_space<vmem>>
          %dma_wait3A_193 = tpu.memref_squeeze %dma_wait3A_192 : memref<1x80xi32, #tpu.memory_space<vmem>> -> memref<80xi32, #tpu.memory_space<vmem>>
          %dma_wait3A_194 = tpu.memref_slice %arg3[%add3A_180] : memref<320000xi32, #tpu.memory_space<hbm>> -> memref<80xi32, #tpu.memory_space<hbm>>
          %dma_wait3A_195 = arith.constant 0 : i32
          %dma_wait3A_196 = tpu.memref_slice %arg7[%run_scoped3A_181, %dma_wait3A_195] : memref<4x80xi32, #tpu.memory_space<vmem>> -> memref<1x80xi32, #tpu.memory_space<vmem>>
          %dma_wait3A_197 = tpu.memref_squeeze %dma_wait3A_196 : memref<1x80xi32, #tpu.memory_space<vmem>> -> memref<80xi32, #tpu.memory_space<vmem>>
          %dma_wait3A_198 = tpu.memref_slice %arg3[%add3A_180] : memref<320000xi32, #tpu.memory_space<hbm>> -> memref<80xi32, #tpu.memory_space<hbm>>
          tpu.wait_dma2 semaphore(%run_scoped3A_182 : memref<!tpu.dma_semaphore, #tpu.memory_space<semaphore_mem>>) src(%dma_wait3A_198 : memref<80xi32, #tpu.memory_space<hbm>>) dst(%dma_wait3A_197 : memref<80xi32, #tpu.memory_space<vmem>>)
          tpu.yield
        }) : () -> ()
      } else {
      }
      %dma_wait3A_63 = arith.constant 0 : i32
      %dma_wait3A_64 = arith.constant 0 : i32
      %dma_wait3A_65 = arith.constant 0 : i32
      %dma_wait3A_66 = arith.constant 0 : i32
      %dma_wait3A_67 = tpu.memref_slice %arg9[%dma_wait3A_64, %dma_wait3A_65, %dma_wait3A_66] : memref<2x80x128xf32, #tpu.memory_space<vmem>> -> memref<1x80x128xf32, #tpu.memory_space<vmem>>
      %dma_wait3A_68 = tpu.memref_squeeze %dma_wait3A_67 : memref<1x80x128xf32, #tpu.memory_space<vmem>> -> memref<80x128xf32, #tpu.memory_space<vmem>>
      %dma_wait3A_69 = arith.constant 0 : i32
      %dma_wait3A_70 = tpu.memref_slice %arg7[%dma_wait3A_63, %dma_wait3A_69] : memref<4x80xi32, #tpu.memory_space<vmem>> -> memref<1x80xi32, #tpu.memory_space<vmem>>
      %dma_wait3A_71 = tpu.memref_squeeze %dma_wait3A_70 : memref<1x80xi32, #tpu.memory_space<vmem>> -> memref<80xi32, #tpu.memory_space<vmem>>
      %dma_wait3A_72 = arith.constant 0 : i32
      %dma_wait3A_73 = arith.constant 0 : i32
      %dma_wait3A_74 = tpu.memref_slice %arg2[%dma_wait3A_72, %dma_wait3A_73] : memref<10000x128xf32, #tpu.memory_space<hbm>> -> memref<10000x128xf32, #tpu.memory_space<hbm>>
      tpu.wait_indirect_dma semaphore(%arg11 : memref<!tpu.dma_semaphore, #tpu.memory_space<semaphore_mem>>) src(%dma_wait3A_74 : memref<10000x128xf32, #tpu.memory_space<hbm>>) dst(%dma_wait3A_68 : memref<80x128xf32, #tpu.memory_space<vmem>>)
      %run_scoped3A_75 = arith.constant 0 : i32
      "tpu.region"() ({
        %run_scoped3A_176 = tpu.sem_alloc : memref<!tpu.dma_semaphore, #tpu.memory_space<semaphore_mem>>
        %dma_start3A_177 = arith.constant 0 : i32
        %dma_start3A_178 = arith.constant 0 : i32
        %dma_start3A_179 = tpu.memref_slice %arg9[%run_scoped3A_75, %dma_start3A_177, %dma_start3A_178] : memref<2x80x128xf32, #tpu.memory_space<vmem>> -> memref<1x80x128xf32, #tpu.memory_space<vmem>>
        %dma_start3A_180 = tpu.memref_squeeze %dma_start3A_179 : memref<1x80x128xf32, #tpu.memory_space<vmem>> -> memref<80x128xf32, #tpu.memory_space<vmem>>
        %dma_start3A_181 = arith.constant 0 : i32
        %dma_start3A_182 = tpu.memref_slice %arg8[%add3A_58, %dma_start3A_181] : memref<125x80xi32, #tpu.memory_space<vmem>> -> memref<1x80xi32, #tpu.memory_space<vmem>>
        %dma_start3A_183 = tpu.memref_squeeze %dma_start3A_182 : memref<1x80xi32, #tpu.memory_space<vmem>> -> memref<80xi32, #tpu.memory_space<vmem>>
        %dma_start3A_184 = arith.constant 0 : i32
        %dma_start3A_185 = arith.constant 0 : i32
        %dma_start3A_186 = tpu.memref_slice %arg10[%dma_start3A_184, %dma_start3A_185] : memref<10240x128xf32, #tpu.memory_space<vmem_shared>> -> memref<10240x128xf32, #tpu.memory_space<vmem_shared>>
        tpu.enqueue_indirect_dma source(%dma_start3A_180 : memref<80x128xf32, #tpu.memory_space<vmem>>) target(%dma_start3A_186 : memref<10240x128xf32, #tpu.memory_space<vmem_shared>>) offsets(%dma_start3A_183 : memref<80xi32, #tpu.memory_space<vmem>>) semaphore(%run_scoped3A_176 : memref<!tpu.dma_semaphore, #tpu.memory_space<semaphore_mem>>) {add = true}
        %dma_wait3A_187 = arith.constant 0 : i32
        %dma_wait3A_188 = arith.constant 0 : i32
        %dma_wait3A_189 = tpu.memref_slice %arg9[%run_scoped3A_75, %dma_wait3A_187, %dma_wait3A_188] : memref<2x80x128xf32, #tpu.memory_space<vmem>> -> memref<1x80x128xf32, #tpu.memory_space<vmem>>
        %dma_wait3A_190 = tpu.memref_squeeze %dma_wait3A_189 : memref<1x80x128xf32, #tpu.memory_space<vmem>> -> memref<80x128xf32, #tpu.memory_space<vmem>>
        %dma_wait3A_191 = arith.constant 0 : i32
        %dma_wait3A_192 = tpu.memref_slice %arg8[%add3A_58, %dma_wait3A_191] : memref<125x80xi32, #tpu.memory_space<vmem>> -> memref<1x80xi32, #tpu.memory_space<vmem>>
        %dma_wait3A_193 = tpu.memref_squeeze %dma_wait3A_192 : memref<1x80xi32, #tpu.memory_space<vmem>> -> memref<80xi32, #tpu.memory_space<vmem>>
        %dma_wait3A_194 = arith.constant 0 : i32
        %dma_wait3A_195 = arith.constant 0 : i32
        %dma_wait3A_196 = tpu.memref_slice %arg10[%dma_wait3A_194, %dma_wait3A_195] : memref<10240x128xf32, #tpu.memory_space<vmem_shared>> -> memref<10240x128xf32, #tpu.memory_space<vmem_shared>>
        tpu.wait_indirect_dma semaphore(%run_scoped3A_176 : memref<!tpu.dma_semaphore, #tpu.memory_space<semaphore_mem>>) src(%dma_wait3A_190 : memref<80x128xf32, #tpu.memory_space<vmem>>) dst(%dma_wait3A_196 : memref<10240x128xf32, #tpu.memory_space<vmem_shared>>)
        tpu.yield
      }) : () -> ()
      %add3A_76 = arith.constant 2 : i32
      %add3A_77 = arith.addi %add3A_58, %add3A_76 : i32
      %lt3A_78 = arith.constant 125 : i32
      %lt3A_79 = arith.cmpi slt, %add3A_77, %lt3A_78 : i32
      %convert_element_type3A_80 = arith.extui %lt3A_79 : i1 to i32
      %cond3A_81 = arith.constant 0 : i32
      %cond3A_82 = arith.cmpi ne, %convert_element_type3A_80, %cond3A_81 : i32
      scf.if %cond3A_82 {
        %dma_start3A_176 = arith.constant 2 : i32
        %dma_start3A_177 = arith.constant 0 : i32
        %dma_start3A_178 = arith.constant 0 : i32
        %dma_start3A_179 = arith.constant 0 : i32
        %dma_start3A_180 = tpu.memref_slice %arg9[%dma_start3A_177, %dma_start3A_178, %dma_start3A_179] : memref<2x80x128xf32, #tpu.memory_space<vmem>> -> memref<1x80x128xf32, #tpu.memory_space<vmem>>
        %dma_start3A_181 = tpu.memref_squeeze %dma_start3A_180 : memref<1x80x128xf32, #tpu.memory_space<vmem>> -> memref<80x128xf32, #tpu.memory_space<vmem>>
        %dma_start3A_182 = arith.constant 0 : i32
        %dma_start3A_183 = tpu.memref_slice %arg7[%dma_start3A_176, %dma_start3A_182] : memref<4x80xi32, #tpu.memory_space<vmem>> -> memref<1x80xi32, #tpu.memory_space<vmem>>
        %dma_start3A_184 = tpu.memref_squeeze %dma_start3A_183 : memref<1x80xi32, #tpu.memory_space<vmem>> -> memref<80xi32, #tpu.memory_space<vmem>>
        %dma_start3A_185 = arith.constant 0 : i32
        %dma_start3A_186 = arith.constant 0 : i32
        %dma_start3A_187 = tpu.memref_slice %arg2[%dma_start3A_185, %dma_start3A_186] : memref<10000x128xf32, #tpu.memory_space<hbm>> -> memref<10000x128xf32, #tpu.memory_space<hbm>>
        tpu.enqueue_indirect_dma source(%dma_start3A_187 : memref<10000x128xf32, #tpu.memory_space<hbm>>) target(%dma_start3A_181 : memref<80x128xf32, #tpu.memory_space<vmem>>) offsets(%dma_start3A_184 : memref<80xi32, #tpu.memory_space<vmem>>) semaphore(%arg11 : memref<!tpu.dma_semaphore, #tpu.memory_space<semaphore_mem>>)
      } else {
      }
      %mul3A_83 = arith.constant 4 : i32
      %mul3A_84 = arith.muli %scan3A_54, %mul3A_83 : i32
      %add3A_85 = arith.constant 1 : i32
      %add3A_86 = arith.addi %mul3A_84, %add3A_85 : i32
      %add3A_87 = arith.constant 2 : i32
      %add3A_88 = arith.addi %add3A_86, %add3A_87 : i32
      %lt3A_89 = arith.constant 125 : i32
      %lt3A_90 = arith.cmpi slt, %add3A_88, %lt3A_89 : i32
      %convert_element_type3A_91 = arith.extui %lt3A_90 : i1 to i32
      %cond3A_92 = arith.constant 0 : i32
      %cond3A_93 = arith.cmpi ne, %convert_element_type3A_91, %cond3A_92 : i32
      scf.if %cond3A_93 {
        %add3A_176 = arith.constant 2 : i32
        %add3A_177 = arith.addi %add3A_86, %add3A_176 : i32
        %mul3A_178 = arith.constant 80 : i32
        %mul3A_179 = arith.muli %add3A_177, %mul3A_178 : i32
        %add3A_180 = arith.addi %mul3A_4, %mul3A_179 : i32
        %run_scoped3A_181 = arith.constant 3 : i32
        "tpu.region"() ({
          %run_scoped3A_182 = tpu.sem_alloc : memref<!tpu.dma_semaphore, #tpu.memory_space<semaphore_mem>>
          %dma_start3A_183 = arith.constant 0 : i32
          %dma_start3A_184 = tpu.memref_slice %arg7[%run_scoped3A_181, %dma_start3A_183] : memref<4x80xi32, #tpu.memory_space<vmem>> -> memref<1x80xi32, #tpu.memory_space<vmem>>
          %dma_start3A_185 = tpu.memref_squeeze %dma_start3A_184 : memref<1x80xi32, #tpu.memory_space<vmem>> -> memref<80xi32, #tpu.memory_space<vmem>>
          %dma_start3A_186 = tpu.memref_slice %arg3[%add3A_180] : memref<320000xi32, #tpu.memory_space<hbm>> -> memref<80xi32, #tpu.memory_space<hbm>>
          %dma_start3A_187 = arith.constant 0 : i32
          %dma_start3A_188 = tpu.memref_slice %arg7[%run_scoped3A_181, %dma_start3A_187] : memref<4x80xi32, #tpu.memory_space<vmem>> -> memref<1x80xi32, #tpu.memory_space<vmem>>
          %dma_start3A_189 = tpu.memref_squeeze %dma_start3A_188 : memref<1x80xi32, #tpu.memory_space<vmem>> -> memref<80xi32, #tpu.memory_space<vmem>>
          %dma_start3A_190 = tpu.memref_slice %arg3[%add3A_180] : memref<320000xi32, #tpu.memory_space<hbm>> -> memref<80xi32, #tpu.memory_space<hbm>>
          tpu.enqueue_dma source(%dma_start3A_190 : memref<80xi32, #tpu.memory_space<hbm>>) target(%dma_start3A_189 : memref<80xi32, #tpu.memory_space<vmem>>) target_semaphore(%run_scoped3A_182 : memref<!tpu.dma_semaphore, #tpu.memory_space<semaphore_mem>>)
          %dma_wait3A_191 = arith.constant 0 : i32
          %dma_wait3A_192 = tpu.memref_slice %arg7[%run_scoped3A_181, %dma_wait3A_191] : memref<4x80xi32, #tpu.memory_space<vmem>> -> memref<1x80xi32, #tpu.memory_space<vmem>>
          %dma_wait3A_193 = tpu.memref_squeeze %dma_wait3A_192 : memref<1x80xi32, #tpu.memory_space<vmem>> -> memref<80xi32, #tpu.memory_space<vmem>>
          %dma_wait3A_194 = tpu.memref_slice %arg3[%add3A_180] : memref<320000xi32, #tpu.memory_space<hbm>> -> memref<80xi32, #tpu.memory_space<hbm>>
          %dma_wait3A_195 = arith.constant 0 : i32
          %dma_wait3A_196 = tpu.memref_slice %arg7[%run_scoped3A_181, %dma_wait3A_195] : memref<4x80xi32, #tpu.memory_space<vmem>> -> memref<1x80xi32, #tpu.memory_space<vmem>>
          %dma_wait3A_197 = tpu.memref_squeeze %dma_wait3A_196 : memref<1x80xi32, #tpu.memory_space<vmem>> -> memref<80xi32, #tpu.memory_space<vmem>>
          %dma_wait3A_198 = tpu.memref_slice %arg3[%add3A_180] : memref<320000xi32, #tpu.memory_space<hbm>> -> memref<80xi32, #tpu.memory_space<hbm>>
          tpu.wait_dma2 semaphore(%run_scoped3A_182 : memref<!tpu.dma_semaphore, #tpu.memory_space<semaphore_mem>>) src(%dma_wait3A_198 : memref<80xi32, #tpu.memory_space<hbm>>) dst(%dma_wait3A_197 : memref<80xi32, #tpu.memory_space<vmem>>)
          tpu.yield
        }) : () -> ()
      } else {
      }
      %dma_wait3A_94 = arith.constant 0 : i32
      %dma_wait3A_95 = arith.constant 1 : i32
      %dma_wait3A_96 = arith.constant 0 : i32
      %dma_wait3A_97 = arith.constant 0 : i32
      %dma_wait3A_98 = tpu.memref_slice %arg9[%dma_wait3A_95, %dma_wait3A_96, %dma_wait3A_97] : memref<2x80x128xf32, #tpu.memory_space<vmem>> -> memref<1x80x128xf32, #tpu.memory_space<vmem>>
      %dma_wait3A_99 = tpu.memref_squeeze %dma_wait3A_98 : memref<1x80x128xf32, #tpu.memory_space<vmem>> -> memref<80x128xf32, #tpu.memory_space<vmem>>
      %dma_wait3A_100 = arith.constant 0 : i32
      %dma_wait3A_101 = tpu.memref_slice %arg7[%dma_wait3A_94, %dma_wait3A_100] : memref<4x80xi32, #tpu.memory_space<vmem>> -> memref<1x80xi32, #tpu.memory_space<vmem>>
      %dma_wait3A_102 = tpu.memref_squeeze %dma_wait3A_101 : memref<1x80xi32, #tpu.memory_space<vmem>> -> memref<80xi32, #tpu.memory_space<vmem>>
      %dma_wait3A_103 = arith.constant 0 : i32
      %dma_wait3A_104 = arith.constant 0 : i32
      %dma_wait3A_105 = tpu.memref_slice %arg2[%dma_wait3A_103, %dma_wait3A_104] : memref<10000x128xf32, #tpu.memory_space<hbm>> -> memref<10000x128xf32, #tpu.memory_space<hbm>>
      tpu.wait_indirect_dma semaphore(%arg12 : memref<!tpu.dma_semaphore, #tpu.memory_space<semaphore_mem>>) src(%dma_wait3A_105 : memref<10000x128xf32, #tpu.memory_space<hbm>>) dst(%dma_wait3A_99 : memref<80x128xf32, #tpu.memory_space<vmem>>)
      %run_scoped3A_106 = arith.constant 1 : i32
      "tpu.region"() ({
        %run_scoped3A_176 = tpu.sem_alloc : memref<!tpu.dma_semaphore, #tpu.memory_space<semaphore_mem>>
        %dma_start3A_177 = arith.constant 0 : i32
        %dma_start3A_178 = arith.constant 0 : i32
        %dma_start3A_179 = tpu.memref_slice %arg9[%run_scoped3A_106, %dma_start3A_177, %dma_start3A_178] : memref<2x80x128xf32, #tpu.memory_space<vmem>> -> memref<1x80x128xf32, #tpu.memory_space<vmem>>
        %dma_start3A_180 = tpu.memref_squeeze %dma_start3A_179 : memref<1x80x128xf32, #tpu.memory_space<vmem>> -> memref<80x128xf32, #tpu.memory_space<vmem>>
        %dma_start3A_181 = arith.constant 0 : i32
        %dma_start3A_182 = tpu.memref_slice %arg8[%add3A_86, %dma_start3A_181] : memref<125x80xi32, #tpu.memory_space<vmem>> -> memref<1x80xi32, #tpu.memory_space<vmem>>
        %dma_start3A_183 = tpu.memref_squeeze %dma_start3A_182 : memref<1x80xi32, #tpu.memory_space<vmem>> -> memref<80xi32, #tpu.memory_space<vmem>>
        %dma_start3A_184 = arith.constant 0 : i32
        %dma_start3A_185 = arith.constant 0 : i32
        %dma_start3A_186 = tpu.memref_slice %arg10[%dma_start3A_184, %dma_start3A_185] : memref<10240x128xf32, #tpu.memory_space<vmem_shared>> -> memref<10240x128xf32, #tpu.memory_space<vmem_shared>>
        tpu.enqueue_indirect_dma source(%dma_start3A_180 : memref<80x128xf32, #tpu.memory_space<vmem>>) target(%dma_start3A_186 : memref<10240x128xf32, #tpu.memory_space<vmem_shared>>) offsets(%dma_start3A_183 : memref<80xi32, #tpu.memory_space<vmem>>) semaphore(%run_scoped3A_176 : memref<!tpu.dma_semaphore, #tpu.memory_space<semaphore_mem>>) {add = true}
        %dma_wait3A_187 = arith.constant 0 : i32
        %dma_wait3A_188 = arith.constant 0 : i32
        %dma_wait3A_189 = tpu.memref_slice %arg9[%run_scoped3A_106, %dma_wait3A_187, %dma_wait3A_188] : memref<2x80x128xf32, #tpu.memory_space<vmem>> -> memref<1x80x128xf32, #tpu.memory_space<vmem>>
        %dma_wait3A_190 = tpu.memref_squeeze %dma_wait3A_189 : memref<1x80x128xf32, #tpu.memory_space<vmem>> -> memref<80x128xf32, #tpu.memory_space<vmem>>
        %dma_wait3A_191 = arith.constant 0 : i32
        %dma_wait3A_192 = tpu.memref_slice %arg8[%add3A_86, %dma_wait3A_191] : memref<125x80xi32, #tpu.memory_space<vmem>> -> memref<1x80xi32, #tpu.memory_space<vmem>>
        %dma_wait3A_193 = tpu.memref_squeeze %dma_wait3A_192 : memref<1x80xi32, #tpu.memory_space<vmem>> -> memref<80xi32, #tpu.memory_space<vmem>>
        %dma_wait3A_194 = arith.constant 0 : i32
        %dma_wait3A_195 = arith.constant 0 : i32
        %dma_wait3A_196 = tpu.memref_slice %arg10[%dma_wait3A_194, %dma_wait3A_195] : memref<10240x128xf32, #tpu.memory_space<vmem_shared>> -> memref<10240x128xf32, #tpu.memory_space<vmem_shared>>
        tpu.wait_indirect_dma semaphore(%run_scoped3A_176 : memref<!tpu.dma_semaphore, #tpu.memory_space<semaphore_mem>>) src(%dma_wait3A_190 : memref<80x128xf32, #tpu.memory_space<vmem>>) dst(%dma_wait3A_196 : memref<10240x128xf32, #tpu.memory_space<vmem_shared>>)
        tpu.yield
      }) : () -> ()
      %add3A_107 = arith.constant 2 : i32
      %add3A_108 = arith.addi %add3A_86, %add3A_107 : i32
      %lt3A_109 = arith.constant 125 : i32
      %lt3A_110 = arith.cmpi slt, %add3A_108, %lt3A_109 : i32
      %convert_element_type3A_111 = arith.extui %lt3A_110 : i1 to i32
      %cond3A_112 = arith.constant 0 : i32
      %cond3A_113 = arith.cmpi ne, %convert_element_type3A_111, %cond3A_112 : i32
      scf.if %cond3A_113 {
        %dma_start3A_176 = arith.constant 3 : i32
        %dma_start3A_177 = arith.constant 1 : i32
        %dma_start3A_178 = arith.constant 0 : i32
        %dma_start3A_179 = arith.constant 0 : i32
        %dma_start3A_180 = tpu.memref_slice %arg9[%dma_start3A_177, %dma_start3A_178, %dma_start3A_179] : memref<2x80x128xf32, #tpu.memory_space<vmem>> -> memref<1x80x128xf32, #tpu.memory_space<vmem>>
        %dma_start3A_181 = tpu.memref_squeeze %dma_start3A_180 : memref<1x80x128xf32, #tpu.memory_space<vmem>> -> memref<80x128xf32, #tpu.memory_space<vmem>>
        %dma_start3A_182 = arith.constant 0 : i32
        %dma_start3A_183 = tpu.memref_slice %arg7[%dma_start3A_176, %dma_start3A_182] : memref<4x80xi32, #tpu.memory_space<vmem>> -> memref<1x80xi32, #tpu.memory_space<vmem>>
        %dma_start3A_184 = tpu.memref_squeeze %dma_start3A_183 : memref<1x80xi32, #tpu.memory_space<vmem>> -> memref<80xi32, #tpu.memory_space<vmem>>
        %dma_start3A_185 = arith.constant 0 : i32
        %dma_start3A_186 = arith.constant 0 : i32
        %dma_start3A_187 = tpu.memref_slice %arg2[%dma_start3A_185, %dma_start3A_186] : memref<10000x128xf32, #tpu.memory_space<hbm>> -> memref<10000x128xf32, #tpu.memory_space<hbm>>
        tpu.enqueue_indirect_dma source(%dma_start3A_187 : memref<10000x128xf32, #tpu.memory_space<hbm>>) target(%dma_start3A_181 : memref<80x128xf32, #tpu.memory_space<vmem>>) offsets(%dma_start3A_184 : memref<80xi32, #tpu.memory_space<vmem>>) semaphore(%arg12 : memref<!tpu.dma_semaphore, #tpu.memory_space<semaphore_mem>>)
      } else {
      }
      %mul3A_114 = arith.constant 4 : i32
      %mul3A_115 = arith.muli %scan3A_54, %mul3A_114 : i32
      %add3A_116 = arith.constant 2 : i32
      %add3A_117 = arith.addi %mul3A_115, %add3A_116 : i32
      %add3A_118 = arith.constant 2 : i32
      %add3A_119 = arith.addi %add3A_117, %add3A_118 : i32
      %lt3A_120 = arith.constant 125 : i32
      %lt3A_121 = arith.cmpi slt, %add3A_119, %lt3A_120 : i32
      %convert_element_type3A_122 = arith.extui %lt3A_121 : i1 to i32
      %cond3A_123 = arith.constant 0 : i32
      %cond3A_124 = arith.cmpi ne, %convert_element_type3A_122, %cond3A_123 : i32
      scf.if %cond3A_124 {
        %add3A_176 = arith.constant 2 : i32
        %add3A_177 = arith.addi %add3A_117, %add3A_176 : i32
        %mul3A_178 = arith.constant 80 : i32
        %mul3A_179 = arith.muli %add3A_177, %mul3A_178 : i32
        %add3A_180 = arith.addi %mul3A_4, %mul3A_179 : i32
        %run_scoped3A_181 = arith.constant 0 : i32
        "tpu.region"() ({
          %run_scoped3A_182 = tpu.sem_alloc : memref<!tpu.dma_semaphore, #tpu.memory_space<semaphore_mem>>
          %dma_start3A_183 = arith.constant 0 : i32
          %dma_start3A_184 = tpu.memref_slice %arg7[%run_scoped3A_181, %dma_start3A_183] : memref<4x80xi32, #tpu.memory_space<vmem>> -> memref<1x80xi32, #tpu.memory_space<vmem>>
          %dma_start3A_185 = tpu.memref_squeeze %dma_start3A_184 : memref<1x80xi32, #tpu.memory_space<vmem>> -> memref<80xi32, #tpu.memory_space<vmem>>
          %dma_start3A_186 = tpu.memref_slice %arg3[%add3A_180] : memref<320000xi32, #tpu.memory_space<hbm>> -> memref<80xi32, #tpu.memory_space<hbm>>
          %dma_start3A_187 = arith.constant 0 : i32
          %dma_start3A_188 = tpu.memref_slice %arg7[%run_scoped3A_181, %dma_start3A_187] : memref<4x80xi32, #tpu.memory_space<vmem>> -> memref<1x80xi32, #tpu.memory_space<vmem>>
          %dma_start3A_189 = tpu.memref_squeeze %dma_start3A_188 : memref<1x80xi32, #tpu.memory_space<vmem>> -> memref<80xi32, #tpu.memory_space<vmem>>
          %dma_start3A_190 = tpu.memref_slice %arg3[%add3A_180] : memref<320000xi32, #tpu.memory_space<hbm>> -> memref<80xi32, #tpu.memory_space<hbm>>
          tpu.enqueue_dma source(%dma_start3A_190 : memref<80xi32, #tpu.memory_space<hbm>>) target(%dma_start3A_189 : memref<80xi32, #tpu.memory_space<vmem>>) target_semaphore(%run_scoped3A_182 : memref<!tpu.dma_semaphore, #tpu.memory_space<semaphore_mem>>)
          %dma_wait3A_191 = arith.constant 0 : i32
          %dma_wait3A_192 = tpu.memref_slice %arg7[%run_scoped3A_181, %dma_wait3A_191] : memref<4x80xi32, #tpu.memory_space<vmem>> -> memref<1x80xi32, #tpu.memory_space<vmem>>
          %dma_wait3A_193 = tpu.memref_squeeze %dma_wait3A_192 : memref<1x80xi32, #tpu.memory_space<vmem>> -> memref<80xi32, #tpu.memory_space<vmem>>
          %dma_wait3A_194 = tpu.memref_slice %arg3[%add3A_180] : memref<320000xi32, #tpu.memory_space<hbm>> -> memref<80xi32, #tpu.memory_space<hbm>>
          %dma_wait3A_195 = arith.constant 0 : i32
          %dma_wait3A_196 = tpu.memref_slice %arg7[%run_scoped3A_181, %dma_wait3A_195] : memref<4x80xi32, #tpu.memory_space<vmem>> -> memref<1x80xi32, #tpu.memory_space<vmem>>
          %dma_wait3A_197 = tpu.memref_squeeze %dma_wait3A_196 : memref<1x80xi32, #tpu.memory_space<vmem>> -> memref<80xi32, #tpu.memory_space<vmem>>
          %dma_wait3A_198 = tpu.memref_slice %arg3[%add3A_180] : memref<320000xi32, #tpu.memory_space<hbm>> -> memref<80xi32, #tpu.memory_space<hbm>>
          tpu.wait_dma2 semaphore(%run_scoped3A_182 : memref<!tpu.dma_semaphore, #tpu.memory_space<semaphore_mem>>) src(%dma_wait3A_198 : memref<80xi32, #tpu.memory_space<hbm>>) dst(%dma_wait3A_197 : memref<80xi32, #tpu.memory_space<vmem>>)
          tpu.yield
        }) : () -> ()
      } else {
      }
      %dma_wait3A_125 = arith.constant 0 : i32
      %dma_wait3A_126 = arith.constant 0 : i32
      %dma_wait3A_127 = arith.constant 0 : i32
      %dma_wait3A_128 = arith.constant 0 : i32
      %dma_wait3A_129 = tpu.memref_slice %arg9[%dma_wait3A_126, %dma_wait3A_127, %dma_wait3A_128] : memref<2x80x128xf32, #tpu.memory_space<vmem>> -> memref<1x80x128xf32, #tpu.memory_space<vmem>>
      %dma_wait3A_130 = tpu.memref_squeeze %dma_wait3A_129 : memref<1x80x128xf32, #tpu.memory_space<vmem>> -> memref<80x128xf32, #tpu.memory_space<vmem>>
      %dma_wait3A_131 = arith.constant 0 : i32
      %dma_wait3A_132 = tpu.memref_slice %arg7[%dma_wait3A_125, %dma_wait3A_131] : memref<4x80xi32, #tpu.memory_space<vmem>> -> memref<1x80xi32, #tpu.memory_space<vmem>>
      %dma_wait3A_133 = tpu.memref_squeeze %dma_wait3A_132 : memref<1x80xi32, #tpu.memory_space<vmem>> -> memref<80xi32, #tpu.memory_space<vmem>>
      %dma_wait3A_134 = arith.constant 0 : i32
      %dma_wait3A_135 = arith.constant 0 : i32
      %dma_wait3A_136 = tpu.memref_slice %arg2[%dma_wait3A_134, %dma_wait3A_135] : memref<10000x128xf32, #tpu.memory_space<hbm>> -> memref<10000x128xf32, #tpu.memory_space<hbm>>
      tpu.wait_indirect_dma semaphore(%arg11 : memref<!tpu.dma_semaphore, #tpu.memory_space<semaphore_mem>>) src(%dma_wait3A_136 : memref<10000x128xf32, #tpu.memory_space<hbm>>) dst(%dma_wait3A_130 : memref<80x128xf32, #tpu.memory_space<vmem>>)
      %run_scoped3A_137 = arith.constant 0 : i32
      "tpu.region"() ({
        %run_scoped3A_176 = tpu.sem_alloc : memref<!tpu.dma_semaphore, #tpu.memory_space<semaphore_mem>>
        %dma_start3A_177 = arith.constant 0 : i32
        %dma_start3A_178 = arith.constant 0 : i32
        %dma_start3A_179 = tpu.memref_slice %arg9[%run_scoped3A_137, %dma_start3A_177, %dma_start3A_178] : memref<2x80x128xf32, #tpu.memory_space<vmem>> -> memref<1x80x128xf32, #tpu.memory_space<vmem>>
        %dma_start3A_180 = tpu.memref_squeeze %dma_start3A_179 : memref<1x80x128xf32, #tpu.memory_space<vmem>> -> memref<80x128xf32, #tpu.memory_space<vmem>>
        %dma_start3A_181 = arith.constant 0 : i32
        %dma_start3A_182 = tpu.memref_slice %arg8[%add3A_117, %dma_start3A_181] : memref<125x80xi32, #tpu.memory_space<vmem>> -> memref<1x80xi32, #tpu.memory_space<vmem>>
        %dma_start3A_183 = tpu.memref_squeeze %dma_start3A_182 : memref<1x80xi32, #tpu.memory_space<vmem>> -> memref<80xi32, #tpu.memory_space<vmem>>
        %dma_start3A_184 = arith.constant 0 : i32
        %dma_start3A_185 = arith.constant 0 : i32
        %dma_start3A_186 = tpu.memref_slice %arg10[%dma_start3A_184, %dma_start3A_185] : memref<10240x128xf32, #tpu.memory_space<vmem_shared>> -> memref<10240x128xf32, #tpu.memory_space<vmem_shared>>
        tpu.enqueue_indirect_dma source(%dma_start3A_180 : memref<80x128xf32, #tpu.memory_space<vmem>>) target(%dma_start3A_186 : memref<10240x128xf32, #tpu.memory_space<vmem_shared>>) offsets(%dma_start3A_183 : memref<80xi32, #tpu.memory_space<vmem>>) semaphore(%run_scoped3A_176 : memref<!tpu.dma_semaphore, #tpu.memory_space<semaphore_mem>>) {add = true}
        %dma_wait3A_187 = arith.constant 0 : i32
        %dma_wait3A_188 = arith.constant 0 : i32
        %dma_wait3A_189 = tpu.memref_slice %arg9[%run_scoped3A_137, %dma_wait3A_187, %dma_wait3A_188] : memref<2x80x128xf32, #tpu.memory_space<vmem>> -> memref<1x80x128xf32, #tpu.memory_space<vmem>>
        %dma_wait3A_190 = tpu.memref_squeeze %dma_wait3A_189 : memref<1x80x128xf32, #tpu.memory_space<vmem>> -> memref<80x128xf32, #tpu.memory_space<vmem>>
        %dma_wait3A_191 = arith.constant 0 : i32
        %dma_wait3A_192 = tpu.memref_slice %arg8[%add3A_117, %dma_wait3A_191] : memref<125x80xi32, #tpu.memory_space<vmem>> -> memref<1x80xi32, #tpu.memory_space<vmem>>
        %dma_wait3A_193 = tpu.memref_squeeze %dma_wait3A_192 : memref<1x80xi32, #tpu.memory_space<vmem>> -> memref<80xi32, #tpu.memory_space<vmem>>
        %dma_wait3A_194 = arith.constant 0 : i32
        %dma_wait3A_195 = arith.constant 0 : i32
        %dma_wait3A_196 = tpu.memref_slice %arg10[%dma_wait3A_194, %dma_wait3A_195] : memref<10240x128xf32, #tpu.memory_space<vmem_shared>> -> memref<10240x128xf32, #tpu.memory_space<vmem_shared>>
        tpu.wait_indirect_dma semaphore(%run_scoped3A_176 : memref<!tpu.dma_semaphore, #tpu.memory_space<semaphore_mem>>) src(%dma_wait3A_190 : memref<80x128xf32, #tpu.memory_space<vmem>>) dst(%dma_wait3A_196 : memref<10240x128xf32, #tpu.memory_space<vmem_shared>>)
        tpu.yield
      }) : () -> ()
      %add3A_138 = arith.constant 2 : i32
      %add3A_139 = arith.addi %add3A_117, %add3A_138 : i32
      %lt3A_140 = arith.constant 125 : i32
      %lt3A_141 = arith.cmpi slt, %add3A_139, %lt3A_140 : i32
      %convert_element_type3A_142 = arith.extui %lt3A_141 : i1 to i32
      %cond3A_143 = arith.constant 0 : i32
      %cond3A_144 = arith.cmpi ne, %convert_element_type3A_142, %cond3A_143 : i32
      scf.if %cond3A_144 {
        %dma_start3A_176 = arith.constant 0 : i32
        %dma_start3A_177 = arith.constant 0 : i32
        %dma_start3A_178 = arith.constant 0 : i32
        %dma_start3A_179 = arith.constant 0 : i32
        %dma_start3A_180 = tpu.memref_slice %arg9[%dma_start3A_177, %dma_start3A_178, %dma_start3A_179] : memref<2x80x128xf32, #tpu.memory_space<vmem>> -> memref<1x80x128xf32, #tpu.memory_space<vmem>>
        %dma_start3A_181 = tpu.memref_squeeze %dma_start3A_180 : memref<1x80x128xf32, #tpu.memory_space<vmem>> -> memref<80x128xf32, #tpu.memory_space<vmem>>
        %dma_start3A_182 = arith.constant 0 : i32
        %dma_start3A_183 = tpu.memref_slice %arg7[%dma_start3A_176, %dma_start3A_182] : memref<4x80xi32, #tpu.memory_space<vmem>> -> memref<1x80xi32, #tpu.memory_space<vmem>>
        %dma_start3A_184 = tpu.memref_squeeze %dma_start3A_183 : memref<1x80xi32, #tpu.memory_space<vmem>> -> memref<80xi32, #tpu.memory_space<vmem>>
        %dma_start3A_185 = arith.constant 0 : i32
        %dma_start3A_186 = arith.constant 0 : i32
        %dma_start3A_187 = tpu.memref_slice %arg2[%dma_start3A_185, %dma_start3A_186] : memref<10000x128xf32, #tpu.memory_space<hbm>> -> memref<10000x128xf32, #tpu.memory_space<hbm>>
        tpu.enqueue_indirect_dma source(%dma_start3A_187 : memref<10000x128xf32, #tpu.memory_space<hbm>>) target(%dma_start3A_181 : memref<80x128xf32, #tpu.memory_space<vmem>>) offsets(%dma_start3A_184 : memref<80xi32, #tpu.memory_space<vmem>>) semaphore(%arg11 : memref<!tpu.dma_semaphore, #tpu.memory_space<semaphore_mem>>)
      } else {
      }
      %mul3A_145 = arith.constant 4 : i32
      %mul3A_146 = arith.muli %scan3A_54, %mul3A_145 : i32
      %add3A_147 = arith.constant 3 : i32
      %add3A_148 = arith.addi %mul3A_146, %add3A_147 : i32
      %add3A_149 = arith.constant 2 : i32
      %add3A_150 = arith.addi %add3A_148, %add3A_149 : i32
      %lt3A_151 = arith.constant 125 : i32
      %lt3A_152 = arith.cmpi slt, %add3A_150, %lt3A_151 : i32
      %convert_element_type3A_153 = arith.extui %lt3A_152 : i1 to i32
      %cond3A_154 = arith.constant 0 : i32
      %cond3A_155 = arith.cmpi ne, %convert_element_type3A_153, %cond3A_154 : i32
      scf.if %cond3A_155 {
        %add3A_176 = arith.constant 2 : i32
        %add3A_177 = arith.addi %add3A_148, %add3A_176 : i32
        %mul3A_178 = arith.constant 80 : i32
        %mul3A_179 = arith.muli %add3A_177, %mul3A_178 : i32
        %add3A_180 = arith.addi %mul3A_4, %mul3A_179 : i32
        %run_scoped3A_181 = arith.constant 1 : i32
        "tpu.region"() ({
          %run_scoped3A_182 = tpu.sem_alloc : memref<!tpu.dma_semaphore, #tpu.memory_space<semaphore_mem>>
          %dma_start3A_183 = arith.constant 0 : i32
          %dma_start3A_184 = tpu.memref_slice %arg7[%run_scoped3A_181, %dma_start3A_183] : memref<4x80xi32, #tpu.memory_space<vmem>> -> memref<1x80xi32, #tpu.memory_space<vmem>>
          %dma_start3A_185 = tpu.memref_squeeze %dma_start3A_184 : memref<1x80xi32, #tpu.memory_space<vmem>> -> memref<80xi32, #tpu.memory_space<vmem>>
          %dma_start3A_186 = tpu.memref_slice %arg3[%add3A_180] : memref<320000xi32, #tpu.memory_space<hbm>> -> memref<80xi32, #tpu.memory_space<hbm>>
          %dma_start3A_187 = arith.constant 0 : i32
          %dma_start3A_188 = tpu.memref_slice %arg7[%run_scoped3A_181, %dma_start3A_187] : memref<4x80xi32, #tpu.memory_space<vmem>> -> memref<1x80xi32, #tpu.memory_space<vmem>>
          %dma_start3A_189 = tpu.memref_squeeze %dma_start3A_188 : memref<1x80xi32, #tpu.memory_space<vmem>> -> memref<80xi32, #tpu.memory_space<vmem>>
          %dma_start3A_190 = tpu.memref_slice %arg3[%add3A_180] : memref<320000xi32, #tpu.memory_space<hbm>> -> memref<80xi32, #tpu.memory_space<hbm>>
          tpu.enqueue_dma source(%dma_start3A_190 : memref<80xi32, #tpu.memory_space<hbm>>) target(%dma_start3A_189 : memref<80xi32, #tpu.memory_space<vmem>>) target_semaphore(%run_scoped3A_182 : memref<!tpu.dma_semaphore, #tpu.memory_space<semaphore_mem>>)
          %dma_wait3A_191 = arith.constant 0 : i32
          %dma_wait3A_192 = tpu.memref_slice %arg7[%run_scoped3A_181, %dma_wait3A_191] : memref<4x80xi32, #tpu.memory_space<vmem>> -> memref<1x80xi32, #tpu.memory_space<vmem>>
          %dma_wait3A_193 = tpu.memref_squeeze %dma_wait3A_192 : memref<1x80xi32, #tpu.memory_space<vmem>> -> memref<80xi32, #tpu.memory_space<vmem>>
          %dma_wait3A_194 = tpu.memref_slice %arg3[%add3A_180] : memref<320000xi32, #tpu.memory_space<hbm>> -> memref<80xi32, #tpu.memory_space<hbm>>
          %dma_wait3A_195 = arith.constant 0 : i32
          %dma_wait3A_196 = tpu.memref_slice %arg7[%run_scoped3A_181, %dma_wait3A_195] : memref<4x80xi32, #tpu.memory_space<vmem>> -> memref<1x80xi32, #tpu.memory_space<vmem>>
          %dma_wait3A_197 = tpu.memref_squeeze %dma_wait3A_196 : memref<1x80xi32, #tpu.memory_space<vmem>> -> memref<80xi32, #tpu.memory_space<vmem>>
          %dma_wait3A_198 = tpu.memref_slice %arg3[%add3A_180] : memref<320000xi32, #tpu.memory_space<hbm>> -> memref<80xi32, #tpu.memory_space<hbm>>
          tpu.wait_dma2 semaphore(%run_scoped3A_182 : memref<!tpu.dma_semaphore, #tpu.memory_space<semaphore_mem>>) src(%dma_wait3A_198 : memref<80xi32, #tpu.memory_space<hbm>>) dst(%dma_wait3A_197 : memref<80xi32, #tpu.memory_space<vmem>>)
          tpu.yield
        }) : () -> ()
      } else {
      }
      %dma_wait3A_156 = arith.constant 0 : i32
      %dma_wait3A_157 = arith.constant 1 : i32
      %dma_wait3A_158 = arith.constant 0 : i32
      %dma_wait3A_159 = arith.constant 0 : i32
      %dma_wait3A_160 = tpu.memref_slice %arg9[%dma_wait3A_157, %dma_wait3A_158, %dma_wait3A_159] : memref<2x80x128xf32, #tpu.memory_space<vmem>> -> memref<1x80x128xf32, #tpu.memory_space<vmem>>
      %dma_wait3A_161 = tpu.memref_squeeze %dma_wait3A_160 : memref<1x80x128xf32, #tpu.memory_space<vmem>> -> memref<80x128xf32, #tpu.memory_space<vmem>>
      %dma_wait3A_162 = arith.constant 0 : i32
      %dma_wait3A_163 = tpu.memref_slice %arg7[%dma_wait3A_156, %dma_wait3A_162] : memref<4x80xi32, #tpu.memory_space<vmem>> -> memref<1x80xi32, #tpu.memory_space<vmem>>
      %dma_wait3A_164 = tpu.memref_squeeze %dma_wait3A_163 : memref<1x80xi32, #tpu.memory_space<vmem>> -> memref<80xi32, #tpu.memory_space<vmem>>
      %dma_wait3A_165 = arith.constant 0 : i32
      %dma_wait3A_166 = arith.constant 0 : i32
      %dma_wait3A_167 = tpu.memref_slice %arg2[%dma_wait3A_165, %dma_wait3A_166] : memref<10000x128xf32, #tpu.memory_space<hbm>> -> memref<10000x128xf32, #tpu.memory_space<hbm>>
      tpu.wait_indirect_dma semaphore(%arg12 : memref<!tpu.dma_semaphore, #tpu.memory_space<semaphore_mem>>) src(%dma_wait3A_167 : memref<10000x128xf32, #tpu.memory_space<hbm>>) dst(%dma_wait3A_161 : memref<80x128xf32, #tpu.memory_space<vmem>>)
      %run_scoped3A_168 = arith.constant 1 : i32
      "tpu.region"() ({
        %run_scoped3A_176 = tpu.sem_alloc : memref<!tpu.dma_semaphore, #tpu.memory_space<semaphore_mem>>
        %dma_start3A_177 = arith.constant 0 : i32
        %dma_start3A_178 = arith.constant 0 : i32
        %dma_start3A_179 = tpu.memref_slice %arg9[%run_scoped3A_168, %dma_start3A_177, %dma_start3A_178] : memref<2x80x128xf32, #tpu.memory_space<vmem>> -> memref<1x80x128xf32, #tpu.memory_space<vmem>>
        %dma_start3A_180 = tpu.memref_squeeze %dma_start3A_179 : memref<1x80x128xf32, #tpu.memory_space<vmem>> -> memref<80x128xf32, #tpu.memory_space<vmem>>
        %dma_start3A_181 = arith.constant 0 : i32
        %dma_start3A_182 = tpu.memref_slice %arg8[%add3A_148, %dma_start3A_181] : memref<125x80xi32, #tpu.memory_space<vmem>> -> memref<1x80xi32, #tpu.memory_space<vmem>>
        %dma_start3A_183 = tpu.memref_squeeze %dma_start3A_182 : memref<1x80xi32, #tpu.memory_space<vmem>> -> memref<80xi32, #tpu.memory_space<vmem>>
        %dma_start3A_184 = arith.constant 0 : i32
        %dma_start3A_185 = arith.constant 0 : i32
        %dma_start3A_186 = tpu.memref_slice %arg10[%dma_start3A_184, %dma_start3A_185] : memref<10240x128xf32, #tpu.memory_space<vmem_shared>> -> memref<10240x128xf32, #tpu.memory_space<vmem_shared>>
        tpu.enqueue_indirect_dma source(%dma_start3A_180 : memref<80x128xf32, #tpu.memory_space<vmem>>) target(%dma_start3A_186 : memref<10240x128xf32, #tpu.memory_space<vmem_shared>>) offsets(%dma_start3A_183 : memref<80xi32, #tpu.memory_space<vmem>>) semaphore(%run_scoped3A_176 : memref<!tpu.dma_semaphore, #tpu.memory_space<semaphore_mem>>) {add = true}
        %dma_wait3A_187 = arith.constant 0 : i32
        %dma_wait3A_188 = arith.constant 0 : i32
        %dma_wait3A_189 = tpu.memref_slice %arg9[%run_scoped3A_168, %dma_wait3A_187, %dma_wait3A_188] : memref<2x80x128xf32, #tpu.memory_space<vmem>> -> memref<1x80x128xf32, #tpu.memory_space<vmem>>
        %dma_wait3A_190 = tpu.memref_squeeze %dma_wait3A_189 : memref<1x80x128xf32, #tpu.memory_space<vmem>> -> memref<80x128xf32, #tpu.memory_space<vmem>>
        %dma_wait3A_191 = arith.constant 0 : i32
        %dma_wait3A_192 = tpu.memref_slice %arg8[%add3A_148, %dma_wait3A_191] : memref<125x80xi32, #tpu.memory_space<vmem>> -> memref<1x80xi32, #tpu.memory_space<vmem>>
        %dma_wait3A_193 = tpu.memref_squeeze %dma_wait3A_192 : memref<1x80xi32, #tpu.memory_space<vmem>> -> memref<80xi32, #tpu.memory_space<vmem>>
        %dma_wait3A_194 = arith.constant 0 : i32
        %dma_wait3A_195 = arith.constant 0 : i32
        %dma_wait3A_196 = tpu.memref_slice %arg10[%dma_wait3A_194, %dma_wait3A_195] : memref<10240x128xf32, #tpu.memory_space<vmem_shared>> -> memref<10240x128xf32, #tpu.memory_space<vmem_shared>>
        tpu.wait_indirect_dma semaphore(%run_scoped3A_176 : memref<!tpu.dma_semaphore, #tpu.memory_space<semaphore_mem>>) src(%dma_wait3A_190 : memref<80x128xf32, #tpu.memory_space<vmem>>) dst(%dma_wait3A_196 : memref<10240x128xf32, #tpu.memory_space<vmem_shared>>)
        tpu.yield
      }) : () -> ()
      %add3A_169 = arith.constant 2 : i32
      %add3A_170 = arith.addi %add3A_148, %add3A_169 : i32
      %lt3A_171 = arith.constant 125 : i32
      %lt3A_172 = arith.cmpi slt, %add3A_170, %lt3A_171 : i32
      %convert_element_type3A_173 = arith.extui %lt3A_172 : i1 to i32
      %cond3A_174 = arith.constant 0 : i32
      %cond3A_175 = arith.cmpi ne, %convert_element_type3A_173, %cond3A_174 : i32
      scf.if %cond3A_175 {
        %dma_start3A_176 = arith.constant 1 : i32
        %dma_start3A_177 = arith.constant 1 : i32
        %dma_start3A_178 = arith.constant 0 : i32
        %dma_start3A_179 = arith.constant 0 : i32
        %dma_start3A_180 = tpu.memref_slice %arg9[%dma_start3A_177, %dma_start3A_178, %dma_start3A_179] : memref<2x80x128xf32, #tpu.memory_space<vmem>> -> memref<1x80x128xf32, #tpu.memory_space<vmem>>
        %dma_start3A_181 = tpu.memref_squeeze %dma_start3A_180 : memref<1x80x128xf32, #tpu.memory_space<vmem>> -> memref<80x128xf32, #tpu.memory_space<vmem>>
        %dma_start3A_182 = arith.constant 0 : i32
        %dma_start3A_183 = tpu.memref_slice %arg7[%dma_start3A_176, %dma_start3A_182] : memref<4x80xi32, #tpu.memory_space<vmem>> -> memref<1x80xi32, #tpu.memory_space<vmem>>
        %dma_start3A_184 = tpu.memref_squeeze %dma_start3A_183 : memref<1x80xi32, #tpu.memory_space<vmem>> -> memref<80xi32, #tpu.memory_space<vmem>>
        %dma_start3A_185 = arith.constant 0 : i32
        %dma_start3A_186 = arith.constant 0 : i32
        %dma_start3A_187 = tpu.memref_slice %arg2[%dma_start3A_185, %dma_start3A_186] : memref<10000x128xf32, #tpu.memory_space<hbm>> -> memref<10000x128xf32, #tpu.memory_space<hbm>>
        tpu.enqueue_indirect_dma source(%dma_start3A_187 : memref<10000x128xf32, #tpu.memory_space<hbm>>) target(%dma_start3A_181 : memref<80x128xf32, #tpu.memory_space<vmem>>) offsets(%dma_start3A_184 : memref<80xi32, #tpu.memory_space<vmem>>) semaphore(%arg12 : memref<!tpu.dma_semaphore, #tpu.memory_space<semaphore_mem>>)
      } else {
      }
    }
    %scan3A_35 = arith.constant 31 : i32
    %dma_wait3A = arith.constant 0 : i32
    %dma_wait3A_36 = arith.constant 0 : i32
    %dma_wait3A_37 = arith.constant 0 : i32
    %dma_wait3A_38 = arith.constant 0 : i32
    %dma_wait3A_39 = tpu.memref_slice %arg9[%dma_wait3A_36, %dma_wait3A_37, %dma_wait3A_38] : memref<2x80x128xf32, #tpu.memory_space<vmem>> -> memref<1x80x128xf32, #tpu.memory_space<vmem>>
    %dma_wait3A_40 = tpu.memref_squeeze %dma_wait3A_39 : memref<1x80x128xf32, #tpu.memory_space<vmem>> -> memref<80x128xf32, #tpu.memory_space<vmem>>
    %dma_wait3A_41 = arith.constant 0 : i32
    %dma_wait3A_42 = tpu.memref_slice %arg7[%dma_wait3A, %dma_wait3A_41] : memref<4x80xi32, #tpu.memory_space<vmem>> -> memref<1x80xi32, #tpu.memory_space<vmem>>
    %dma_wait3A_43 = tpu.memref_squeeze %dma_wait3A_42 : memref<1x80xi32, #tpu.memory_space<vmem>> -> memref<80xi32, #tpu.memory_space<vmem>>
    %dma_wait3A_44 = arith.constant 0 : i32
    %dma_wait3A_45 = arith.constant 0 : i32
    %dma_wait3A_46 = tpu.memref_slice %arg2[%dma_wait3A_44, %dma_wait3A_45] : memref<10000x128xf32, #tpu.memory_space<hbm>> -> memref<10000x128xf32, #tpu.memory_space<hbm>>
    tpu.wait_indirect_dma semaphore(%arg11 : memref<!tpu.dma_semaphore, #tpu.memory_space<semaphore_mem>>) src(%dma_wait3A_46 : memref<10000x128xf32, #tpu.memory_space<hbm>>) dst(%dma_wait3A_40 : memref<80x128xf32, #tpu.memory_space<vmem>>)
    %run_scoped3A_47 = arith.constant 0 : i32
    %run_scoped3A_48 = arith.constant 124 : i32
    "tpu.region"() ({
      %run_scoped3A_54 = tpu.sem_alloc : memref<!tpu.dma_semaphore, #tpu.memory_space<semaphore_mem>>
      %dma_start3A_55 = arith.constant 0 : i32
      %dma_start3A_56 = arith.constant 0 : i32
      %dma_start3A_57 = tpu.memref_slice %arg9[%run_scoped3A_47, %dma_start3A_55, %dma_start3A_56] : memref<2x80x128xf32, #tpu.memory_space<vmem>> -> memref<1x80x128xf32, #tpu.memory_space<vmem>>
      %dma_start3A_58 = tpu.memref_squeeze %dma_start3A_57 : memref<1x80x128xf32, #tpu.memory_space<vmem>> -> memref<80x128xf32, #tpu.memory_space<vmem>>
      %dma_start3A_59 = arith.constant 0 : i32
      %dma_start3A_60 = tpu.memref_slice %arg8[%run_scoped3A_48, %dma_start3A_59] : memref<125x80xi32, #tpu.memory_space<vmem>> -> memref<1x80xi32, #tpu.memory_space<vmem>>
      %dma_start3A_61 = tpu.memref_squeeze %dma_start3A_60 : memref<1x80xi32, #tpu.memory_space<vmem>> -> memref<80xi32, #tpu.memory_space<vmem>>
      %dma_start3A_62 = arith.constant 0 : i32
      %dma_start3A_63 = arith.constant 0 : i32
      %dma_start3A_64 = tpu.memref_slice %arg10[%dma_start3A_62, %dma_start3A_63] : memref<10240x128xf32, #tpu.memory_space<vmem_shared>> -> memref<10240x128xf32, #tpu.memory_space<vmem_shared>>
      tpu.enqueue_indirect_dma source(%dma_start3A_58 : memref<80x128xf32, #tpu.memory_space<vmem>>) target(%dma_start3A_64 : memref<10240x128xf32, #tpu.memory_space<vmem_shared>>) offsets(%dma_start3A_61 : memref<80xi32, #tpu.memory_space<vmem>>) semaphore(%run_scoped3A_54 : memref<!tpu.dma_semaphore, #tpu.memory_space<semaphore_mem>>) {add = true}
      %dma_wait3A_65 = arith.constant 0 : i32
      %dma_wait3A_66 = arith.constant 0 : i32
      %dma_wait3A_67 = tpu.memref_slice %arg9[%run_scoped3A_47, %dma_wait3A_65, %dma_wait3A_66] : memref<2x80x128xf32, #tpu.memory_space<vmem>> -> memref<1x80x128xf32, #tpu.memory_space<vmem>>
      %dma_wait3A_68 = tpu.memref_squeeze %dma_wait3A_67 : memref<1x80x128xf32, #tpu.memory_space<vmem>> -> memref<80x128xf32, #tpu.memory_space<vmem>>
      %dma_wait3A_69 = arith.constant 0 : i32
      %dma_wait3A_70 = tpu.memref_slice %arg8[%run_scoped3A_48, %dma_wait3A_69] : memref<125x80xi32, #tpu.memory_space<vmem>> -> memref<1x80xi32, #tpu.memory_space<vmem>>
      %dma_wait3A_71 = tpu.memref_squeeze %dma_wait3A_70 : memref<1x80xi32, #tpu.memory_space<vmem>> -> memref<80xi32, #tpu.memory_space<vmem>>
      %dma_wait3A_72 = arith.constant 0 : i32
      %dma_wait3A_73 = arith.constant 0 : i32
      %dma_wait3A_74 = tpu.memref_slice %arg10[%dma_wait3A_72, %dma_wait3A_73] : memref<10240x128xf32, #tpu.memory_space<vmem_shared>> -> memref<10240x128xf32, #tpu.memory_space<vmem_shared>>
      tpu.wait_indirect_dma semaphore(%run_scoped3A_54 : memref<!tpu.dma_semaphore, #tpu.memory_space<semaphore_mem>>) src(%dma_wait3A_68 : memref<80x128xf32, #tpu.memory_space<vmem>>) dst(%dma_wait3A_74 : memref<10240x128xf32, #tpu.memory_space<vmem_shared>>)
      tpu.yield
    }) : () -> ()
    %barrier3A_49 = arith.constant 0 : index
    tpu.barrier barrier_id(%barrier3A_49)
    %mul3A_50 = arith.constant 640 : i32
    %mul3A_51 = arith.muli %arg1, %mul3A_50 : i32
    %mul3A_52 = arith.constant 640 : i32
    %mul3A_53 = arith.muli %arg1, %mul3A_52 : i32
    "tpu.region"() ({
      %run_scoped3A_54 = tpu.sem_alloc : memref<!tpu.dma_semaphore, #tpu.memory_space<semaphore_mem>>
      %dma_start3A_55 = arith.constant 0 : i32
      %dma_start3A_56 = tpu.memref_slice %arg6[%arg0, %mul3A_53, %dma_start3A_55] : memref<2x10240x128xf32, #tpu.memory_space<hbm>> -> memref<1x640x128xf32, #tpu.memory_space<hbm>>
      %dma_start3A_57 = tpu.memref_squeeze %dma_start3A_56 : memref<1x640x128xf32, #tpu.memory_space<hbm>> -> memref<640x128xf32, #tpu.memory_space<hbm>>
      %dma_start3A_58 = arith.constant 0 : i32
      %dma_start3A_59 = tpu.memref_slice %arg10[%mul3A_51, %dma_start3A_58] : memref<10240x128xf32, #tpu.memory_space<vmem_shared>> -> memref<640x128xf32, #tpu.memory_space<vmem_shared>>
      tpu.enqueue_dma source(%dma_start3A_59 : memref<640x128xf32, #tpu.memory_space<vmem_shared>>) target(%dma_start3A_57 : memref<640x128xf32, #tpu.memory_space<hbm>>) target_semaphore(%run_scoped3A_54 : memref<!tpu.dma_semaphore, #tpu.memory_space<semaphore_mem>>)
      %dma_wait3A_60 = arith.constant 0 : i32
      %dma_wait3A_61 = tpu.memref_slice %arg6[%arg0, %mul3A_53, %dma_wait3A_60] : memref<2x10240x128xf32, #tpu.memory_space<hbm>> -> memref<1x640x128xf32, #tpu.memory_space<hbm>>
      %dma_wait3A_62 = tpu.memref_squeeze %dma_wait3A_61 : memref<1x640x128xf32, #tpu.memory_space<hbm>> -> memref<640x128xf32, #tpu.memory_space<hbm>>
      %dma_wait3A_63 = arith.constant 0 : i32
      %dma_wait3A_64 = tpu.memref_slice %arg10[%mul3A_51, %dma_wait3A_63] : memref<10240x128xf32, #tpu.memory_space<vmem_shared>> -> memref<640x128xf32, #tpu.memory_space<vmem_shared>>
      tpu.wait_dma2 semaphore(%run_scoped3A_54 : memref<!tpu.dma_semaphore, #tpu.memory_space<semaphore_mem>>) src(%dma_wait3A_64 : memref<640x128xf32, #tpu.memory_space<vmem_shared>>) dst(%dma_wait3A_62 : memref<640x128xf32, #tpu.memory_space<hbm>>)
      tpu.yield
    }) : () -> ()
    return
  }
}

#map = affine_map<(d0, d1) -> (0, 0, 0)>
#map1 = affine_map<(d0, d1) -> (0, 0)>
module attributes {stable_mosaic.version = 14 : i64} {
  func.func @_deg_call(%arg0: i32, %arg1: i32, %arg2: memref<32x80x128xi32, #tpu.memory_space<hbm>>, %arg3: memref<640x128xf32, #tpu.memory_space<hbm>>, %arg4: memref<2x1280x128xf32, #tpu.memory_space<hbm>>, %arg5: memref<80x128xi32, #tpu.memory_space<vmem>>, %arg6: memref<80x128xf32, #tpu.memory_space<vmem>>, %arg7: memref<80xi32, #tpu.memory_space<vmem>>, %arg8: memref<80x128xf32, #tpu.memory_space<vmem>>, %arg9: memref<80x128xf32, #tpu.memory_space<vmem>>, %arg10: memref<80x128xf32, #tpu.memory_space<vmem_shared>>, %arg11: memref<1280x128xf32, #tpu.memory_space<vmem_shared>>) attributes {dimension_semantics = [#tpu.dimension_semantics<core_parallel>, #tpu.dimension_semantics<subcore_parallel>], iteration_bounds = array<i64: 2, 16>, scalar_prefetch = 0 : i64, scratch_operands = 7 : i64, tpu.core_type = #tpu.core_type<sc_vector_subcore>, window_params = [{transform_indices = #map}, {transform_indices = #map1}, {transform_indices = #map}]} {
    %mul3A = arith.constant 16 : i32
    %mul3A_0 = arith.muli %arg0, %mul3A : i32
    %add3A = arith.addi %mul3A_0, %arg1 : i32
    "tpu.region"() ({
      %run_scoped3A = tpu.sem_alloc : memref<!tpu.dma_semaphore, #tpu.memory_space<semaphore_mem>>
      %dma_start3A = arith.constant 0 : i32
      %dma_start3A_58 = arith.constant 0 : i32
      %dma_start3A_59 = tpu.memref_slice %arg2[%add3A, %dma_start3A, %dma_start3A_58] : memref<32x80x128xi32, #tpu.memory_space<hbm>> -> memref<1x80x128xi32, #tpu.memory_space<hbm>>
      %dma_start3A_60 = tpu.memref_squeeze %dma_start3A_59 : memref<1x80x128xi32, #tpu.memory_space<hbm>> -> memref<80x128xi32, #tpu.memory_space<hbm>>
      %dma_start3A_61 = arith.constant 0 : i32
      %dma_start3A_62 = arith.constant 0 : i32
      %dma_start3A_63 = tpu.memref_slice %arg2[%add3A, %dma_start3A_61, %dma_start3A_62] : memref<32x80x128xi32, #tpu.memory_space<hbm>> -> memref<1x80x128xi32, #tpu.memory_space<hbm>>
      %dma_start3A_64 = tpu.memref_squeeze %dma_start3A_63 : memref<1x80x128xi32, #tpu.memory_space<hbm>> -> memref<80x128xi32, #tpu.memory_space<hbm>>
      tpu.enqueue_dma source(%dma_start3A_64 : memref<80x128xi32, #tpu.memory_space<hbm>>) target(%arg5 : memref<80x128xi32, #tpu.memory_space<vmem>>) target_semaphore(%run_scoped3A : memref<!tpu.dma_semaphore, #tpu.memory_space<semaphore_mem>>)
      %dma_wait3A = arith.constant 0 : i32
      %dma_wait3A_65 = arith.constant 0 : i32
      %dma_wait3A_66 = tpu.memref_slice %arg2[%add3A, %dma_wait3A, %dma_wait3A_65] : memref<32x80x128xi32, #tpu.memory_space<hbm>> -> memref<1x80x128xi32, #tpu.memory_space<hbm>>
      %dma_wait3A_67 = tpu.memref_squeeze %dma_wait3A_66 : memref<1x80x128xi32, #tpu.memory_space<hbm>> -> memref<80x128xi32, #tpu.memory_space<hbm>>
      %dma_wait3A_68 = arith.constant 0 : i32
      %dma_wait3A_69 = arith.constant 0 : i32
      %dma_wait3A_70 = tpu.memref_slice %arg2[%add3A, %dma_wait3A_68, %dma_wait3A_69] : memref<32x80x128xi32, #tpu.memory_space<hbm>> -> memref<1x80x128xi32, #tpu.memory_space<hbm>>
      %dma_wait3A_71 = tpu.memref_squeeze %dma_wait3A_70 : memref<1x80x128xi32, #tpu.memory_space<hbm>> -> memref<80x128xi32, #tpu.memory_space<hbm>>
      tpu.wait_dma2 semaphore(%run_scoped3A : memref<!tpu.dma_semaphore, #tpu.memory_space<semaphore_mem>>) src(%dma_wait3A_71 : memref<80x128xi32, #tpu.memory_space<hbm>>) dst(%arg5 : memref<80x128xi32, #tpu.memory_space<vmem>>)
      tpu.yield
    }) : () -> ()
    %eq3A = arith.constant 0 : i32
    %eq3A_1 = arith.cmpi eq, %arg1, %eq3A : i32
    %convert_element_type3A = arith.extui %eq3A_1 : i1 to i32
    %cond3A = arith.constant 0 : i32
    %cond3A_2 = arith.cmpi ne, %convert_element_type3A, %cond3A : i32
    scf.if %cond3A_2 {
      "tpu.region"() ({
        %run_scoped3A = tpu.sem_alloc : memref<!tpu.dma_semaphore, #tpu.memory_space<semaphore_mem>>
        %dma_start3A = arith.constant 0 : i32
        %dma_start3A_58 = arith.constant 0 : i32
        %dma_start3A_59 = tpu.memref_slice %arg3[%dma_start3A, %dma_start3A_58] : memref<640x128xf32, #tpu.memory_space<hbm>> -> memref<80x128xf32, #tpu.memory_space<hbm>>
        tpu.enqueue_dma source(%dma_start3A_59 : memref<80x128xf32, #tpu.memory_space<hbm>>) target(%arg10 : memref<80x128xf32, #tpu.memory_space<vmem_shared>>) target_semaphore(%run_scoped3A : memref<!tpu.dma_semaphore, #tpu.memory_space<semaphore_mem>>)
        %dma_wait3A = arith.constant 0 : i32
        %dma_wait3A_60 = arith.constant 0 : i32
        %dma_wait3A_61 = tpu.memref_slice %arg3[%dma_wait3A, %dma_wait3A_60] : memref<640x128xf32, #tpu.memory_space<hbm>> -> memref<80x128xf32, #tpu.memory_space<hbm>>
        tpu.wait_dma2 semaphore(%run_scoped3A : memref<!tpu.dma_semaphore, #tpu.memory_space<semaphore_mem>>) src(%dma_wait3A_61 : memref<80x128xf32, #tpu.memory_space<hbm>>) dst(%arg10 : memref<80x128xf32, #tpu.memory_space<vmem_shared>>)
        tpu.yield
      }) : () -> ()
    } else {
    }
    %iota3A = tpu.iota {dimensions = array<i32: 0>} : vector<16xi32>
    %add3A_3 = arith.constant 0 : i32
    %add3A_4 = vector.broadcast %add3A_3 : i32 to vector<16xi32>
    %add3A_5 = arith.addi %iota3A, %add3A_4 : vector<16xi32>
    %swap3A = arith.constant 0 : index
    %swap3A_6 = tpu.vector_load %arg7[%swap3A] {strides = array<i32>} : memref<80xi32, #tpu.memory_space<vmem>>, vector<16xi32>,
    tpu.vector_store %arg7[%swap3A], %add3A_5 {strides = array<i32>} : memref<80xi32, #tpu.memory_space<vmem>>, vector<16xi32>,
    %iota3A_7 = tpu.iota {dimensions = array<i32: 0>} : vector<16xi32>
    %add3A_8 = arith.constant 16 : i32
    %add3A_9 = vector.broadcast %add3A_8 : i32 to vector<16xi32>
    %add3A_10 = arith.addi %iota3A_7, %add3A_9 : vector<16xi32>
    %swap3A_11 = arith.constant 16 : index
    %swap3A_12 = tpu.vector_load %arg7[%swap3A_11] {strides = array<i32>} : memref<80xi32, #tpu.memory_space<vmem>>, vector<16xi32>,
    tpu.vector_store %arg7[%swap3A_11], %add3A_10 {strides = array<i32>} : memref<80xi32, #tpu.memory_space<vmem>>, vector<16xi32>,
    %iota3A_13 = tpu.iota {dimensions = array<i32: 0>} : vector<16xi32>
    %add3A_14 = arith.constant 32 : i32
    %add3A_15 = vector.broadcast %add3A_14 : i32 to vector<16xi32>
    %add3A_16 = arith.addi %iota3A_13, %add3A_15 : vector<16xi32>
    %swap3A_17 = arith.constant 32 : index
    %swap3A_18 = tpu.vector_load %arg7[%swap3A_17] {strides = array<i32>} : memref<80xi32, #tpu.memory_space<vmem>>, vector<16xi32>,
    tpu.vector_store %arg7[%swap3A_17], %add3A_16 {strides = array<i32>} : memref<80xi32, #tpu.memory_space<vmem>>, vector<16xi32>,
    %iota3A_19 = tpu.iota {dimensions = array<i32: 0>} : vector<16xi32>
    %add3A_20 = arith.constant 48 : i32
    %add3A_21 = vector.broadcast %add3A_20 : i32 to vector<16xi32>
    %add3A_22 = arith.addi %iota3A_19, %add3A_21 : vector<16xi32>
    %swap3A_23 = arith.constant 48 : index
    %swap3A_24 = tpu.vector_load %arg7[%swap3A_23] {strides = array<i32>} : memref<80xi32, #tpu.memory_space<vmem>>, vector<16xi32>,
    tpu.vector_store %arg7[%swap3A_23], %add3A_22 {strides = array<i32>} : memref<80xi32, #tpu.memory_space<vmem>>, vector<16xi32>,
    %iota3A_25 = tpu.iota {dimensions = array<i32: 0>} : vector<16xi32>
    %add3A_26 = arith.constant 64 : i32
    %add3A_27 = vector.broadcast %add3A_26 : i32 to vector<16xi32>
    %add3A_28 = arith.addi %iota3A_25, %add3A_27 : vector<16xi32>
    %swap3A_29 = arith.constant 64 : index
    %swap3A_30 = tpu.vector_load %arg7[%swap3A_29] {strides = array<i32>} : memref<80xi32, #tpu.memory_space<vmem>>, vector<16xi32>,
    tpu.vector_store %arg7[%swap3A_29], %add3A_28 {strides = array<i32>} : memref<80xi32, #tpu.memory_space<vmem>>, vector<16xi32>,
    %scan3A = arith.constant 0 : i32
    %scan3A_31 = arith.constant 0 : i32
    %scan3A_32 = arith.constant 80 : i32
    %scan3A_33 = arith.addi %scan3A_31, %scan3A_32 : i32
    %scan3A_34 = arith.constant 1 : i32
    scf.for %scan3A_58 = %scan3A_31 to %scan3A_33 step %scan3A_34  : i32 {
      %broadcast_in_dim3A_59 = arith.constant 0.000000e+00 : f32
      %broadcast_in_dim3A_60 = vector.broadcast %broadcast_in_dim3A_59 : f32 to vector<16xf32>
      %swap3A_61 = arith.index_cast %scan3A_58 : i32 to index
      %swap3A_62 = arith.constant 0 : index
      %swap3A_63 = tpu.vector_load %arg6[%swap3A_61, %swap3A_62] {strides = array<i32>} : memref<80x128xf32, #tpu.memory_space<vmem>>, vector<16xf32>,
      tpu.vector_store %arg6[%swap3A_61, %swap3A_62], %broadcast_in_dim3A_60 {strides = array<i32>} : memref<80x128xf32, #tpu.memory_space<vmem>>, vector<16xf32>,
      %broadcast_in_dim3A_64 = arith.constant 0.000000e+00 : f32
      %broadcast_in_dim3A_65 = vector.broadcast %broadcast_in_dim3A_64 : f32 to vector<16xf32>
      %swap3A_66 = arith.index_cast %scan3A_58 : i32 to index
      %swap3A_67 = arith.constant 16 : index
      %swap3A_68 = tpu.vector_load %arg6[%swap3A_66, %swap3A_67] {strides = array<i32>} : memref<80x128xf32, #tpu.memory_space<vmem>>, vector<16xf32>,
      tpu.vector_store %arg6[%swap3A_66, %swap3A_67], %broadcast_in_dim3A_65 {strides = array<i32>} : memref<80x128xf32, #tpu.memory_space<vmem>>, vector<16xf32>,
      %broadcast_in_dim3A_69 = arith.constant 0.000000e+00 : f32
      %broadcast_in_dim3A_70 = vector.broadcast %broadcast_in_dim3A_69 : f32 to vector<16xf32>
      %swap3A_71 = arith.index_cast %scan3A_58 : i32 to index
      %swap3A_72 = arith.constant 32 : index
      %swap3A_73 = tpu.vector_load %arg6[%swap3A_71, %swap3A_72] {strides = array<i32>} : memref<80x128xf32, #tpu.memory_space<vmem>>, vector<16xf32>,
      tpu.vector_store %arg6[%swap3A_71, %swap3A_72], %broadcast_in_dim3A_70 {strides = array<i32>} : memref<80x128xf32, #tpu.memory_space<vmem>>, vector<16xf32>,
      %broadcast_in_dim3A_74 = arith.constant 0.000000e+00 : f32
      %broadcast_in_dim3A_75 = vector.broadcast %broadcast_in_dim3A_74 : f32 to vector<16xf32>
      %swap3A_76 = arith.index_cast %scan3A_58 : i32 to index
      %swap3A_77 = arith.constant 48 : index
      %swap3A_78 = tpu.vector_load %arg6[%swap3A_76, %swap3A_77] {strides = array<i32>} : memref<80x128xf32, #tpu.memory_space<vmem>>, vector<16xf32>,
      tpu.vector_store %arg6[%swap3A_76, %swap3A_77], %broadcast_in_dim3A_75 {strides = array<i32>} : memref<80x128xf32, #tpu.memory_space<vmem>>, vector<16xf32>,
      %broadcast_in_dim3A_79 = arith.constant 0.000000e+00 : f32
      %broadcast_in_dim3A_80 = vector.broadcast %broadcast_in_dim3A_79 : f32 to vector<16xf32>
      %swap3A_81 = arith.index_cast %scan3A_58 : i32 to index
      %swap3A_82 = arith.constant 64 : index
      %swap3A_83 = tpu.vector_load %arg6[%swap3A_81, %swap3A_82] {strides = array<i32>} : memref<80x128xf32, #tpu.memory_space<vmem>>, vector<16xf32>,
      tpu.vector_store %arg6[%swap3A_81, %swap3A_82], %broadcast_in_dim3A_80 {strides = array<i32>} : memref<80x128xf32, #tpu.memory_space<vmem>>, vector<16xf32>,
      %broadcast_in_dim3A_84 = arith.constant 0.000000e+00 : f32
      %broadcast_in_dim3A_85 = vector.broadcast %broadcast_in_dim3A_84 : f32 to vector<16xf32>
      %swap3A_86 = arith.index_cast %scan3A_58 : i32 to index
      %swap3A_87 = arith.constant 80 : index
      %swap3A_88 = tpu.vector_load %arg6[%swap3A_86, %swap3A_87] {strides = array<i32>} : memref<80x128xf32, #tpu.memory_space<vmem>>, vector<16xf32>,
      tpu.vector_store %arg6[%swap3A_86, %swap3A_87], %broadcast_in_dim3A_85 {strides = array<i32>} : memref<80x128xf32, #tpu.memory_space<vmem>>, vector<16xf32>,
      %broadcast_in_dim3A_89 = arith.constant 0.000000e+00 : f32
      %broadcast_in_dim3A_90 = vector.broadcast %broadcast_in_dim3A_89 : f32 to vector<16xf32>
      %swap3A_91 = arith.index_cast %scan3A_58 : i32 to index
      %swap3A_92 = arith.constant 96 : index
      %swap3A_93 = tpu.vector_load %arg6[%swap3A_91, %swap3A_92] {strides = array<i32>} : memref<80x128xf32, #tpu.memory_space<vmem>>, vector<16xf32>,
      tpu.vector_store %arg6[%swap3A_91, %swap3A_92], %broadcast_in_dim3A_90 {strides = array<i32>} : memref<80x128xf32, #tpu.memory_space<vmem>>, vector<16xf32>,
      %broadcast_in_dim3A_94 = arith.constant 0.000000e+00 : f32
      %broadcast_in_dim3A_95 = vector.broadcast %broadcast_in_dim3A_94 : f32 to vector<16xf32>
      %swap3A_96 = arith.index_cast %scan3A_58 : i32 to index
      %swap3A_97 = arith.constant 112 : index
      %swap3A_98 = tpu.vector_load %arg6[%swap3A_96, %swap3A_97] {strides = array<i32>} : memref<80x128xf32, #tpu.memory_space<vmem>>, vector<16xf32>,
      tpu.vector_store %arg6[%swap3A_96, %swap3A_97], %broadcast_in_dim3A_95 {strides = array<i32>} : memref<80x128xf32, #tpu.memory_space<vmem>>, vector<16xf32>,
    }
    %scan3A_35 = arith.constant 80 : i32
    %broadcast_in_dim3A = arith.constant 1.000000e+00 : f32
    %broadcast_in_dim3A_36 = vector.broadcast %broadcast_in_dim3A : f32 to vector<16xf32>
    %scan3A_37 = arith.constant 0 : i32
    %scan3A_38 = arith.constant 0 : i32
    %scan3A_39 = arith.constant 80 : i32
    %scan3A_40 = arith.addi %scan3A_38, %scan3A_39 : i32
    %scan3A_41 = arith.constant 1 : i32
    scf.for %scan3A_58 = %scan3A_38 to %scan3A_40 step %scan3A_41  : i32 {
      %get3A = arith.index_cast %scan3A_58 : i32 to index
      %get3A_59 = arith.constant 0 : index
      %get3A_60 = tpu.vector_load %arg5[%get3A, %get3A_59] {strides = array<i32>} : memref<80x128xi32, #tpu.memory_space<vmem>>, vector<16xi32>,
      %shift_right_logical3A = arith.constant 7 : i32
      %shift_right_logical3A_61 = vector.broadcast %shift_right_logical3A : i32 to vector<16xi32>
      %shift_right_logical3A_62 = arith.shrui %get3A_60, %shift_right_logical3A_61 : vector<16xi32>
      %and3A = arith.constant 127 : i32
      %and3A_63 = vector.broadcast %and3A : i32 to vector<16xi32>
      %and3A_64 = arith.andi %get3A_60, %and3A_63 : vector<16xi32>
      tpu.vector_store_idx %arg6[%shift_right_logical3A_62, %and3A_64], %broadcast_in_dim3A_36 {add = true} : memref<80x128xf32, #tpu.memory_space<vmem>>[vector<16xi32>, vector<16xi32>], vector<16xf32>,
      %get3A_65 = arith.index_cast %scan3A_58 : i32 to index
      %get3A_66 = arith.constant 16 : index
      %get3A_67 = tpu.vector_load %arg5[%get3A_65, %get3A_66] {strides = array<i32>} : memref<80x128xi32, #tpu.memory_space<vmem>>, vector<16xi32>,
      %shift_right_logical3A_68 = arith.constant 7 : i32
      %shift_right_logical3A_69 = vector.broadcast %shift_right_logical3A_68 : i32 to vector<16xi32>
      %shift_right_logical3A_70 = arith.shrui %get3A_67, %shift_right_logical3A_69 : vector<16xi32>
      %and3A_71 = arith.constant 127 : i32
      %and3A_72 = vector.broadcast %and3A_71 : i32 to vector<16xi32>
      %and3A_73 = arith.andi %get3A_67, %and3A_72 : vector<16xi32>
      tpu.vector_store_idx %arg6[%shift_right_logical3A_70, %and3A_73], %broadcast_in_dim3A_36 {add = true} : memref<80x128xf32, #tpu.memory_space<vmem>>[vector<16xi32>, vector<16xi32>], vector<16xf32>,
      %get3A_74 = arith.index_cast %scan3A_58 : i32 to index
      %get3A_75 = arith.constant 32 : index
      %get3A_76 = tpu.vector_load %arg5[%get3A_74, %get3A_75] {strides = array<i32>} : memref<80x128xi32, #tpu.memory_space<vmem>>, vector<16xi32>,
      %shift_right_logical3A_77 = arith.constant 7 : i32
      %shift_right_logical3A_78 = vector.broadcast %shift_right_logical3A_77 : i32 to vector<16xi32>
      %shift_right_logical3A_79 = arith.shrui %get3A_76, %shift_right_logical3A_78 : vector<16xi32>
      %and3A_80 = arith.constant 127 : i32
      %and3A_81 = vector.broadcast %and3A_80 : i32 to vector<16xi32>
      %and3A_82 = arith.andi %get3A_76, %and3A_81 : vector<16xi32>
      tpu.vector_store_idx %arg6[%shift_right_logical3A_79, %and3A_82], %broadcast_in_dim3A_36 {add = true} : memref<80x128xf32, #tpu.memory_space<vmem>>[vector<16xi32>, vector<16xi32>], vector<16xf32>,
      %get3A_83 = arith.index_cast %scan3A_58 : i32 to index
      %get3A_84 = arith.constant 48 : index
      %get3A_85 = tpu.vector_load %arg5[%get3A_83, %get3A_84] {strides = array<i32>} : memref<80x128xi32, #tpu.memory_space<vmem>>, vector<16xi32>,
      %shift_right_logical3A_86 = arith.constant 7 : i32
      %shift_right_logical3A_87 = vector.broadcast %shift_right_logical3A_86 : i32 to vector<16xi32>
      %shift_right_logical3A_88 = arith.shrui %get3A_85, %shift_right_logical3A_87 : vector<16xi32>
      %and3A_89 = arith.constant 127 : i32
      %and3A_90 = vector.broadcast %and3A_89 : i32 to vector<16xi32>
      %and3A_91 = arith.andi %get3A_85, %and3A_90 : vector<16xi32>
      tpu.vector_store_idx %arg6[%shift_right_logical3A_88, %and3A_91], %broadcast_in_dim3A_36 {add = true} : memref<80x128xf32, #tpu.memory_space<vmem>>[vector<16xi32>, vector<16xi32>], vector<16xf32>,
      %get3A_92 = arith.index_cast %scan3A_58 : i32 to index
      %get3A_93 = arith.constant 64 : index
      %get3A_94 = tpu.vector_load %arg5[%get3A_92, %get3A_93] {strides = array<i32>} : memref<80x128xi32, #tpu.memory_space<vmem>>, vector<16xi32>,
      %shift_right_logical3A_95 = arith.constant 7 : i32
      %shift_right_logical3A_96 = vector.broadcast %shift_right_logical3A_95 : i32 to vector<16xi32>
      %shift_right_logical3A_97 = arith.shrui %get3A_94, %shift_right_logical3A_96 : vector<16xi32>
      %and3A_98 = arith.constant 127 : i32
      %and3A_99 = vector.broadcast %and3A_98 : i32 to vector<16xi32>
      %and3A_100 = arith.andi %get3A_94, %and3A_99 : vector<16xi32>
      tpu.vector_store_idx %arg6[%shift_right_logical3A_97, %and3A_100], %broadcast_in_dim3A_36 {add = true} : memref<80x128xf32, #tpu.memory_space<vmem>>[vector<16xi32>, vector<16xi32>], vector<16xf32>,
      %get3A_101 = arith.index_cast %scan3A_58 : i32 to index
      %get3A_102 = arith.constant 80 : index
      %get3A_103 = tpu.vector_load %arg5[%get3A_101, %get3A_102] {strides = array<i32>} : memref<80x128xi32, #tpu.memory_space<vmem>>, vector<16xi32>,
      %shift_right_logical3A_104 = arith.constant 7 : i32
      %shift_right_logical3A_105 = vector.broadcast %shift_right_logical3A_104 : i32 to vector<16xi32>
      %shift_right_logical3A_106 = arith.shrui %get3A_103, %shift_right_logical3A_105 : vector<16xi32>
      %and3A_107 = arith.constant 127 : i32
      %and3A_108 = vector.broadcast %and3A_107 : i32 to vector<16xi32>
      %and3A_109 = arith.andi %get3A_103, %and3A_108 : vector<16xi32>
      tpu.vector_store_idx %arg6[%shift_right_logical3A_106, %and3A_109], %broadcast_in_dim3A_36 {add = true} : memref<80x128xf32, #tpu.memory_space<vmem>>[vector<16xi32>, vector<16xi32>], vector<16xf32>,
      %get3A_110 = arith.index_cast %scan3A_58 : i32 to index
      %get3A_111 = arith.constant 96 : index
      %get3A_112 = tpu.vector_load %arg5[%get3A_110, %get3A_111] {strides = array<i32>} : memref<80x128xi32, #tpu.memory_space<vmem>>, vector<16xi32>,
      %shift_right_logical3A_113 = arith.constant 7 : i32
      %shift_right_logical3A_114 = vector.broadcast %shift_right_logical3A_113 : i32 to vector<16xi32>
      %shift_right_logical3A_115 = arith.shrui %get3A_112, %shift_right_logical3A_114 : vector<16xi32>
      %and3A_116 = arith.constant 127 : i32
      %and3A_117 = vector.broadcast %and3A_116 : i32 to vector<16xi32>
      %and3A_118 = arith.andi %get3A_112, %and3A_117 : vector<16xi32>
      tpu.vector_store_idx %arg6[%shift_right_logical3A_115, %and3A_118], %broadcast_in_dim3A_36 {add = true} : memref<80x128xf32, #tpu.memory_space<vmem>>[vector<16xi32>, vector<16xi32>], vector<16xf32>,
      %get3A_119 = arith.index_cast %scan3A_58 : i32 to index
      %get3A_120 = arith.constant 112 : index
      %get3A_121 = tpu.vector_load %arg5[%get3A_119, %get3A_120] {strides = array<i32>} : memref<80x128xi32, #tpu.memory_space<vmem>>, vector<16xi32>,
      %shift_right_logical3A_122 = arith.constant 7 : i32
      %shift_right_logical3A_123 = vector.broadcast %shift_right_logical3A_122 : i32 to vector<16xi32>
      %shift_right_logical3A_124 = arith.shrui %get3A_121, %shift_right_logical3A_123 : vector<16xi32>
      %and3A_125 = arith.constant 127 : i32
      %and3A_126 = vector.broadcast %and3A_125 : i32 to vector<16xi32>
      %and3A_127 = arith.andi %get3A_121, %and3A_126 : vector<16xi32>
      tpu.vector_store_idx %arg6[%shift_right_logical3A_124, %and3A_127], %broadcast_in_dim3A_36 {add = true} : memref<80x128xf32, #tpu.memory_space<vmem>>[vector<16xi32>, vector<16xi32>], vector<16xf32>,
    }
    %scan3A_42 = arith.constant 80 : i32
    %barrier3A = arith.constant 0 : index
    tpu.barrier barrier_id(%barrier3A)
    "tpu.region"() ({
      %run_scoped3A = tpu.sem_alloc : memref<!tpu.dma_semaphore, #tpu.memory_space<semaphore_mem>>
      %dma_start3A = arith.constant 0 : i32
      %dma_start3A_58 = arith.constant 0 : i32
      %dma_start3A_59 = tpu.memref_slice %arg10[%dma_start3A, %dma_start3A_58] : memref<80x128xf32, #tpu.memory_space<vmem_shared>> -> memref<80x128xf32, #tpu.memory_space<vmem_shared>>
      tpu.enqueue_indirect_dma source(%arg6 : memref<80x128xf32, #tpu.memory_space<vmem>>) target(%dma_start3A_59 : memref<80x128xf32, #tpu.memory_space<vmem_shared>>) offsets(%arg7 : memref<80xi32, #tpu.memory_space<vmem>>) semaphore(%run_scoped3A : memref<!tpu.dma_semaphore, #tpu.memory_space<semaphore_mem>>) {add = true}
      %dma_wait3A = arith.constant 0 : i32
      %dma_wait3A_60 = arith.constant 0 : i32
      %dma_wait3A_61 = tpu.memref_slice %arg10[%dma_wait3A, %dma_wait3A_60] : memref<80x128xf32, #tpu.memory_space<vmem_shared>> -> memref<80x128xf32, #tpu.memory_space<vmem_shared>>
      tpu.wait_indirect_dma semaphore(%run_scoped3A : memref<!tpu.dma_semaphore, #tpu.memory_space<semaphore_mem>>) src(%arg6 : memref<80x128xf32, #tpu.memory_space<vmem>>) dst(%dma_wait3A_61 : memref<80x128xf32, #tpu.memory_space<vmem_shared>>)
      tpu.yield
    }) : () -> ()
    %barrier3A_43 = arith.constant 0 : index
    tpu.barrier barrier_id(%barrier3A_43)
    "tpu.region"() ({
      %run_scoped3A = tpu.sem_alloc : memref<!tpu.dma_semaphore, #tpu.memory_space<semaphore_mem>>
      tpu.enqueue_dma source(%arg10 : memref<80x128xf32, #tpu.memory_space<vmem_shared>>) target(%arg8 : memref<80x128xf32, #tpu.memory_space<vmem>>) target_semaphore(%run_scoped3A : memref<!tpu.dma_semaphore, #tpu.memory_space<semaphore_mem>>)
      tpu.wait_dma2 semaphore(%run_scoped3A : memref<!tpu.dma_semaphore, #tpu.memory_space<semaphore_mem>>) src(%arg10 : memref<80x128xf32, #tpu.memory_space<vmem_shared>>) dst(%arg8 : memref<80x128xf32, #tpu.memory_space<vmem>>)
      tpu.yield
    }) : () -> ()
    %scan3A_44 = arith.constant 0 : i32
    %scan3A_45 = arith.constant 0 : i32
    %scan3A_46 = arith.constant 40 : i32
    %scan3A_47 = arith.addi %scan3A_45, %scan3A_46 : i32
    %scan3A_48 = arith.constant 1 : i32
    scf.for %scan3A_58 = %scan3A_45 to %scan3A_47 step %scan3A_48  : i32 {
      %mul3A_59 = arith.constant 640 : i32
      %mul3A_60 = arith.muli %arg1, %mul3A_59 : i32
      %mul3A_61 = arith.constant 16 : i32
      %mul3A_62 = arith.muli %scan3A_58, %mul3A_61 : i32
      %add3A_63 = arith.addi %mul3A_60, %mul3A_62 : i32
      %jit3A = arith.constant 128 : i32
      %div3A = arith.divsi %add3A_63, %jit3A : i32
      %sign3A = arith.constant 0 : i32
      %sign3A_64 = arith.cmpi sgt, %add3A_63, %sign3A : i32
      %sign3A_65 = arith.extui %sign3A_64 : i1 to i32
      %sign3A_66 = arith.constant 0 : i32
      %sign3A_67 = arith.cmpi slt, %add3A_63, %sign3A_66 : i32
      %sign3A_68 = arith.extui %sign3A_67 : i1 to i32
      %sign3A_69 = arith.subi %sign3A_65, %sign3A_68 : i32
      %sign3A_70 = arith.constant 0 : i32
      %sign3A_71 = arith.cmpi sgt, %jit3A, %sign3A_70 : i32
      %sign3A_72 = arith.extui %sign3A_71 : i1 to i32
      %sign3A_73 = arith.constant 0 : i32
      %sign3A_74 = arith.cmpi slt, %jit3A, %sign3A_73 : i32
      %sign3A_75 = arith.extui %sign3A_74 : i1 to i32
      %sign3A_76 = arith.subi %sign3A_72, %sign3A_75 : i32
      %ne3A = arith.cmpi ne, %sign3A_69, %sign3A_76 : i32
      %rem3A = arith.remsi %add3A_63, %jit3A : i32
      %ne3A_77 = arith.constant 0 : i32
      %ne3A_78 = arith.cmpi ne, %rem3A, %ne3A_77 : i32
      %and3A = arith.andi %ne3A, %ne3A_78 : i1
      %sub3A = arith.constant 1 : i32
      %sub3A_79 = arith.subi %div3A, %sub3A : i32
      %select_n3A = arith.select %and3A, %sub3A_79, %div3A : i32
      %jit3A_80 = arith.constant 128 : i32
      %eq3A_81 = arith.constant 0 : i32
      %eq3A_82 = arith.cmpi eq, %jit3A_80, %eq3A_81 : i32
      %jit3A_83 = arith.constant 1 : i32
      %select_n3A_84 = arith.select %eq3A_82, %jit3A_83, %jit3A_80 : i32
      %rem3A_85 = arith.remsi %add3A_63, %select_n3A_84 : i32
      %ne3A_86 = arith.constant 0 : i32
      %ne3A_87 = arith.cmpi ne, %rem3A_85, %ne3A_86 : i32
      %lt3A = arith.constant 0 : i32
      %lt3A_88 = arith.cmpi slt, %rem3A_85, %lt3A : i32
      %lt3A_89 = arith.constant 0 : i32
      %lt3A_90 = arith.cmpi slt, %select_n3A_84, %lt3A_89 : i32
      %ne3A_91 = arith.xori %lt3A_88, %lt3A_90 : i1
      %and3A_92 = arith.andi %ne3A_91, %ne3A_87 : i1
      %add3A_93 = arith.addi %rem3A_85, %select_n3A_84 : i32
      %select_n3A_94 = arith.select %and3A_92, %add3A_93, %rem3A_85 : i32
      %get3A = arith.index_cast %select_n3A : i32 to index
      %get3A_95 = arith.index_cast %select_n3A_94 : i32 to index
      %get3A_96 = tpu.vector_load %arg8[%get3A, %get3A_95] {strides = array<i32>} : memref<80x128xf32, #tpu.memory_space<vmem>>, vector<16xf32>,
      %mul3A_97 = arith.constant 16 : i32
      %mul3A_98 = arith.muli %scan3A_58, %mul3A_97 : i32
      %add3A_99 = arith.constant 0 : i32
      %add3A_100 = arith.addi %mul3A_98, %add3A_99 : i32
      %mul3A_101 = arith.constant 16 : i32
      %mul3A_102 = arith.muli %add3A_100, %mul3A_101 : i32
      %slice3A = vector.extract_strided_slice %get3A_96 {offsets = [0], sizes = [1], strides = [1]} : vector<16xf32> to vector<1xf32>
      %squeeze3A = vector.extract %slice3A[0] : f32 from vector<1xf32>
      %broadcast_in_dim3A_103 = vector.broadcast %squeeze3A : f32 to vector<16xf32>
      %jit3A_104 = arith.constant 128 : i32
      %div3A_105 = arith.divsi %mul3A_102, %jit3A_104 : i32
      %sign3A_106 = arith.constant 0 : i32
      %sign3A_107 = arith.cmpi sgt, %mul3A_102, %sign3A_106 : i32
      %sign3A_108 = arith.extui %sign3A_107 : i1 to i32
      %sign3A_109 = arith.constant 0 : i32
      %sign3A_110 = arith.cmpi slt, %mul3A_102, %sign3A_109 : i32
      %sign3A_111 = arith.extui %sign3A_110 : i1 to i32
      %sign3A_112 = arith.subi %sign3A_108, %sign3A_111 : i32
      %sign3A_113 = arith.constant 0 : i32
      %sign3A_114 = arith.cmpi sgt, %jit3A_104, %sign3A_113 : i32
      %sign3A_115 = arith.extui %sign3A_114 : i1 to i32
      %sign3A_116 = arith.constant 0 : i32
      %sign3A_117 = arith.cmpi slt, %jit3A_104, %sign3A_116 : i32
      %sign3A_118 = arith.extui %sign3A_117 : i1 to i32
      %sign3A_119 = arith.subi %sign3A_115, %sign3A_118 : i32
      %ne3A_120 = arith.cmpi ne, %sign3A_112, %sign3A_119 : i32
      %rem3A_121 = arith.remsi %mul3A_102, %jit3A_104 : i32
      %ne3A_122 = arith.constant 0 : i32
      %ne3A_123 = arith.cmpi ne, %rem3A_121, %ne3A_122 : i32
      %and3A_124 = arith.andi %ne3A_120, %ne3A_123 : i1
      %sub3A_125 = arith.constant 1 : i32
      %sub3A_126 = arith.subi %div3A_105, %sub3A_125 : i32
      %select_n3A_127 = arith.select %and3A_124, %sub3A_126, %div3A_105 : i32
      %jit3A_128 = arith.constant 128 : i32
      %eq3A_129 = arith.constant 0 : i32
      %eq3A_130 = arith.cmpi eq, %jit3A_128, %eq3A_129 : i32
      %jit3A_131 = arith.constant 1 : i32
      %select_n3A_132 = arith.select %eq3A_130, %jit3A_131, %jit3A_128 : i32
      %rem3A_133 = arith.remsi %mul3A_102, %select_n3A_132 : i32
      %ne3A_134 = arith.constant 0 : i32
      %ne3A_135 = arith.cmpi ne, %rem3A_133, %ne3A_134 : i32
      %lt3A_136 = arith.constant 0 : i32
      %lt3A_137 = arith.cmpi slt, %rem3A_133, %lt3A_136 : i32
      %lt3A_138 = arith.constant 0 : i32
      %lt3A_139 = arith.cmpi slt, %select_n3A_132, %lt3A_138 : i32
      %ne3A_140 = arith.xori %lt3A_137, %lt3A_139 : i1
      %and3A_141 = arith.andi %ne3A_140, %ne3A_135 : i1
      %add3A_142 = arith.addi %rem3A_133, %select_n3A_132 : i32
      %select_n3A_143 = arith.select %and3A_141, %add3A_142, %rem3A_133 : i32
      %swap3A_144 = arith.index_cast %select_n3A_127 : i32 to index
      %swap3A_145 = arith.index_cast %select_n3A_143 : i32 to index
      %swap3A_146 = tpu.vector_load %arg9[%swap3A_144, %swap3A_145] {strides = array<i32>} : memref<80x128xf32, #tpu.memory_space<vmem>>, vector<16xf32>,
      tpu.vector_store %arg9[%swap3A_144, %swap3A_145], %broadcast_in_dim3A_103 {strides = array<i32>} : memref<80x128xf32, #tpu.memory_space<vmem>>, vector<16xf32>,
      %mul3A_147 = arith.constant 16 : i32
      %mul3A_148 = arith.muli %scan3A_58, %mul3A_147 : i32
      %add3A_149 = arith.constant 1 : i32
      %add3A_150 = arith.addi %mul3A_148, %add3A_149 : i32
      %mul3A_151 = arith.constant 16 : i32
      %mul3A_152 = arith.muli %add3A_150, %mul3A_151 : i32
      %slice3A_153 = vector.extract_strided_slice %get3A_96 {offsets = [1], sizes = [1], strides = [1]} : vector<16xf32> to vector<1xf32>
      %squeeze3A_154 = vector.extract %slice3A_153[0] : f32 from vector<1xf32>
      %broadcast_in_dim3A_155 = vector.broadcast %squeeze3A_154 : f32 to vector<16xf32>
      %jit3A_156 = arith.constant 128 : i32
      %div3A_157 = arith.divsi %mul3A_152, %jit3A_156 : i32
      %sign3A_158 = arith.constant 0 : i32
      %sign3A_159 = arith.cmpi sgt, %mul3A_152, %sign3A_158 : i32
      %sign3A_160 = arith.extui %sign3A_159 : i1 to i32
      %sign3A_161 = arith.constant 0 : i32
      %sign3A_162 = arith.cmpi slt, %mul3A_152, %sign3A_161 : i32
      %sign3A_163 = arith.extui %sign3A_162 : i1 to i32
      %sign3A_164 = arith.subi %sign3A_160, %sign3A_163 : i32
      %sign3A_165 = arith.constant 0 : i32
      %sign3A_166 = arith.cmpi sgt, %jit3A_156, %sign3A_165 : i32
      %sign3A_167 = arith.extui %sign3A_166 : i1 to i32
      %sign3A_168 = arith.constant 0 : i32
      %sign3A_169 = arith.cmpi slt, %jit3A_156, %sign3A_168 : i32
      %sign3A_170 = arith.extui %sign3A_169 : i1 to i32
      %sign3A_171 = arith.subi %sign3A_167, %sign3A_170 : i32
      %ne3A_172 = arith.cmpi ne, %sign3A_164, %sign3A_171 : i32
      %rem3A_173 = arith.remsi %mul3A_152, %jit3A_156 : i32
      %ne3A_174 = arith.constant 0 : i32
      %ne3A_175 = arith.cmpi ne, %rem3A_173, %ne3A_174 : i32
      %and3A_176 = arith.andi %ne3A_172, %ne3A_175 : i1
      %sub3A_177 = arith.constant 1 : i32
      %sub3A_178 = arith.subi %div3A_157, %sub3A_177 : i32
      %select_n3A_179 = arith.select %and3A_176, %sub3A_178, %div3A_157 : i32
      %jit3A_180 = arith.constant 128 : i32
      %eq3A_181 = arith.constant 0 : i32
      %eq3A_182 = arith.cmpi eq, %jit3A_180, %eq3A_181 : i32
      %jit3A_183 = arith.constant 1 : i32
      %select_n3A_184 = arith.select %eq3A_182, %jit3A_183, %jit3A_180 : i32
      %rem3A_185 = arith.remsi %mul3A_152, %select_n3A_184 : i32
      %ne3A_186 = arith.constant 0 : i32
      %ne3A_187 = arith.cmpi ne, %rem3A_185, %ne3A_186 : i32
      %lt3A_188 = arith.constant 0 : i32
      %lt3A_189 = arith.cmpi slt, %rem3A_185, %lt3A_188 : i32
      %lt3A_190 = arith.constant 0 : i32
      %lt3A_191 = arith.cmpi slt, %select_n3A_184, %lt3A_190 : i32
      %ne3A_192 = arith.xori %lt3A_189, %lt3A_191 : i1
      %and3A_193 = arith.andi %ne3A_192, %ne3A_187 : i1
      %add3A_194 = arith.addi %rem3A_185, %select_n3A_184 : i32
      %select_n3A_195 = arith.select %and3A_193, %add3A_194, %rem3A_185 : i32
      %swap3A_196 = arith.index_cast %select_n3A_179 : i32 to index
      %swap3A_197 = arith.index_cast %select_n3A_195 : i32 to index
      %swap3A_198 = tpu.vector_load %arg9[%swap3A_196, %swap3A_197] {strides = array<i32>} : memref<80x128xf32, #tpu.memory_space<vmem>>, vector<16xf32>,
      tpu.vector_store %arg9[%swap3A_196, %swap3A_197], %broadcast_in_dim3A_155 {strides = array<i32>} : memref<80x128xf32, #tpu.memory_space<vmem>>, vector<16xf32>,
      %mul3A_199 = arith.constant 16 : i32
      %mul3A_200 = arith.muli %scan3A_58, %mul3A_199 : i32
      %add3A_201 = arith.constant 2 : i32
      %add3A_202 = arith.addi %mul3A_200, %add3A_201 : i32
      %mul3A_203 = arith.constant 16 : i32
      %mul3A_204 = arith.muli %add3A_202, %mul3A_203 : i32
      %slice3A_205 = vector.extract_strided_slice %get3A_96 {offsets = [2], sizes = [1], strides = [1]} : vector<16xf32> to vector<1xf32>
      %squeeze3A_206 = vector.extract %slice3A_205[0] : f32 from vector<1xf32>
      %broadcast_in_dim3A_207 = vector.broadcast %squeeze3A_206 : f32 to vector<16xf32>
      %jit3A_208 = arith.constant 128 : i32
      %div3A_209 = arith.divsi %mul3A_204, %jit3A_208 : i32
      %sign3A_210 = arith.constant 0 : i32
      %sign3A_211 = arith.cmpi sgt, %mul3A_204, %sign3A_210 : i32
      %sign3A_212 = arith.extui %sign3A_211 : i1 to i32
      %sign3A_213 = arith.constant 0 : i32
      %sign3A_214 = arith.cmpi slt, %mul3A_204, %sign3A_213 : i32
      %sign3A_215 = arith.extui %sign3A_214 : i1 to i32
      %sign3A_216 = arith.subi %sign3A_212, %sign3A_215 : i32
      %sign3A_217 = arith.constant 0 : i32
      %sign3A_218 = arith.cmpi sgt, %jit3A_208, %sign3A_217 : i32
      %sign3A_219 = arith.extui %sign3A_218 : i1 to i32
      %sign3A_220 = arith.constant 0 : i32
      %sign3A_221 = arith.cmpi slt, %jit3A_208, %sign3A_220 : i32
      %sign3A_222 = arith.extui %sign3A_221 : i1 to i32
      %sign3A_223 = arith.subi %sign3A_219, %sign3A_222 : i32
      %ne3A_224 = arith.cmpi ne, %sign3A_216, %sign3A_223 : i32
      %rem3A_225 = arith.remsi %mul3A_204, %jit3A_208 : i32
      %ne3A_226 = arith.constant 0 : i32
      %ne3A_227 = arith.cmpi ne, %rem3A_225, %ne3A_226 : i32
      %and3A_228 = arith.andi %ne3A_224, %ne3A_227 : i1
      %sub3A_229 = arith.constant 1 : i32
      %sub3A_230 = arith.subi %div3A_209, %sub3A_229 : i32
      %select_n3A_231 = arith.select %and3A_228, %sub3A_230, %div3A_209 : i32
      %jit3A_232 = arith.constant 128 : i32
      %eq3A_233 = arith.constant 0 : i32
      %eq3A_234 = arith.cmpi eq, %jit3A_232, %eq3A_233 : i32
      %jit3A_235 = arith.constant 1 : i32
      %select_n3A_236 = arith.select %eq3A_234, %jit3A_235, %jit3A_232 : i32
      %rem3A_237 = arith.remsi %mul3A_204, %select_n3A_236 : i32
      %ne3A_238 = arith.constant 0 : i32
      %ne3A_239 = arith.cmpi ne, %rem3A_237, %ne3A_238 : i32
      %lt3A_240 = arith.constant 0 : i32
      %lt3A_241 = arith.cmpi slt, %rem3A_237, %lt3A_240 : i32
      %lt3A_242 = arith.constant 0 : i32
      %lt3A_243 = arith.cmpi slt, %select_n3A_236, %lt3A_242 : i32
      %ne3A_244 = arith.xori %lt3A_241, %lt3A_243 : i1
      %and3A_245 = arith.andi %ne3A_244, %ne3A_239 : i1
      %add3A_246 = arith.addi %rem3A_237, %select_n3A_236 : i32
      %select_n3A_247 = arith.select %and3A_245, %add3A_246, %rem3A_237 : i32
      %swap3A_248 = arith.index_cast %select_n3A_231 : i32 to index
      %swap3A_249 = arith.index_cast %select_n3A_247 : i32 to index
      %swap3A_250 = tpu.vector_load %arg9[%swap3A_248, %swap3A_249] {strides = array<i32>} : memref<80x128xf32, #tpu.memory_space<vmem>>, vector<16xf32>,
      tpu.vector_store %arg9[%swap3A_248, %swap3A_249], %broadcast_in_dim3A_207 {strides = array<i32>} : memref<80x128xf32, #tpu.memory_space<vmem>>, vector<16xf32>,
      %mul3A_251 = arith.constant 16 : i32
      %mul3A_252 = arith.muli %scan3A_58, %mul3A_251 : i32
      %add3A_253 = arith.constant 3 : i32
      %add3A_254 = arith.addi %mul3A_252, %add3A_253 : i32
      %mul3A_255 = arith.constant 16 : i32
      %mul3A_256 = arith.muli %add3A_254, %mul3A_255 : i32
      %slice3A_257 = vector.extract_strided_slice %get3A_96 {offsets = [3], sizes = [1], strides = [1]} : vector<16xf32> to vector<1xf32>
      %squeeze3A_258 = vector.extract %slice3A_257[0] : f32 from vector<1xf32>
      %broadcast_in_dim3A_259 = vector.broadcast %squeeze3A_258 : f32 to vector<16xf32>
      %jit3A_260 = arith.constant 128 : i32
      %div3A_261 = arith.divsi %mul3A_256, %jit3A_260 : i32
      %sign3A_262 = arith.constant 0 : i32
      %sign3A_263 = arith.cmpi sgt, %mul3A_256, %sign3A_262 : i32
      %sign3A_264 = arith.extui %sign3A_263 : i1 to i32
      %sign3A_265 = arith.constant 0 : i32
      %sign3A_266 = arith.cmpi slt, %mul3A_256, %sign3A_265 : i32
      %sign3A_267 = arith.extui %sign3A_266 : i1 to i32
      %sign3A_268 = arith.subi %sign3A_264, %sign3A_267 : i32
      %sign3A_269 = arith.constant 0 : i32
      %sign3A_270 = arith.cmpi sgt, %jit3A_260, %sign3A_269 : i32
      %sign3A_271 = arith.extui %sign3A_270 : i1 to i32
      %sign3A_272 = arith.constant 0 : i32
      %sign3A_273 = arith.cmpi slt, %jit3A_260, %sign3A_272 : i32
      %sign3A_274 = arith.extui %sign3A_273 : i1 to i32
      %sign3A_275 = arith.subi %sign3A_271, %sign3A_274 : i32
      %ne3A_276 = arith.cmpi ne, %sign3A_268, %sign3A_275 : i32
      %rem3A_277 = arith.remsi %mul3A_256, %jit3A_260 : i32
      %ne3A_278 = arith.constant 0 : i32
      %ne3A_279 = arith.cmpi ne, %rem3A_277, %ne3A_278 : i32
      %and3A_280 = arith.andi %ne3A_276, %ne3A_279 : i1
      %sub3A_281 = arith.constant 1 : i32
      %sub3A_282 = arith.subi %div3A_261, %sub3A_281 : i32
      %select_n3A_283 = arith.select %and3A_280, %sub3A_282, %div3A_261 : i32
      %jit3A_284 = arith.constant 128 : i32
      %eq3A_285 = arith.constant 0 : i32
      %eq3A_286 = arith.cmpi eq, %jit3A_284, %eq3A_285 : i32
      %jit3A_287 = arith.constant 1 : i32
      %select_n3A_288 = arith.select %eq3A_286, %jit3A_287, %jit3A_284 : i32
      %rem3A_289 = arith.remsi %mul3A_256, %select_n3A_288 : i32
      %ne3A_290 = arith.constant 0 : i32
      %ne3A_291 = arith.cmpi ne, %rem3A_289, %ne3A_290 : i32
      %lt3A_292 = arith.constant 0 : i32
      %lt3A_293 = arith.cmpi slt, %rem3A_289, %lt3A_292 : i32
      %lt3A_294 = arith.constant 0 : i32
      %lt3A_295 = arith.cmpi slt, %select_n3A_288, %lt3A_294 : i32
      %ne3A_296 = arith.xori %lt3A_293, %lt3A_295 : i1
      %and3A_297 = arith.andi %ne3A_296, %ne3A_291 : i1
      %add3A_298 = arith.addi %rem3A_289, %select_n3A_288 : i32
      %select_n3A_299 = arith.select %and3A_297, %add3A_298, %rem3A_289 : i32
      %swap3A_300 = arith.index_cast %select_n3A_283 : i32 to index
      %swap3A_301 = arith.index_cast %select_n3A_299 : i32 to index
      %swap3A_302 = tpu.vector_load %arg9[%swap3A_300, %swap3A_301] {strides = array<i32>} : memref<80x128xf32, #tpu.memory_space<vmem>>, vector<16xf32>,
      tpu.vector_store %arg9[%swap3A_300, %swap3A_301], %broadcast_in_dim3A_259 {strides = array<i32>} : memref<80x128xf32, #tpu.memory_space<vmem>>, vector<16xf32>,
      %mul3A_303 = arith.constant 16 : i32
      %mul3A_304 = arith.muli %scan3A_58, %mul3A_303 : i32
      %add3A_305 = arith.constant 4 : i32
      %add3A_306 = arith.addi %mul3A_304, %add3A_305 : i32
      %mul3A_307 = arith.constant 16 : i32
      %mul3A_308 = arith.muli %add3A_306, %mul3A_307 : i32
      %slice3A_309 = vector.extract_strided_slice %get3A_96 {offsets = [4], sizes = [1], strides = [1]} : vector<16xf32> to vector<1xf32>
      %squeeze3A_310 = vector.extract %slice3A_309[0] : f32 from vector<1xf32>
      %broadcast_in_dim3A_311 = vector.broadcast %squeeze3A_310 : f32 to vector<16xf32>
      %jit3A_312 = arith.constant 128 : i32
      %div3A_313 = arith.divsi %mul3A_308, %jit3A_312 : i32
      %sign3A_314 = arith.constant 0 : i32
      %sign3A_315 = arith.cmpi sgt, %mul3A_308, %sign3A_314 : i32
      %sign3A_316 = arith.extui %sign3A_315 : i1 to i32
      %sign3A_317 = arith.constant 0 : i32
      %sign3A_318 = arith.cmpi slt, %mul3A_308, %sign3A_317 : i32
      %sign3A_319 = arith.extui %sign3A_318 : i1 to i32
      %sign3A_320 = arith.subi %sign3A_316, %sign3A_319 : i32
      %sign3A_321 = arith.constant 0 : i32
      %sign3A_322 = arith.cmpi sgt, %jit3A_312, %sign3A_321 : i32
      %sign3A_323 = arith.extui %sign3A_322 : i1 to i32
      %sign3A_324 = arith.constant 0 : i32
      %sign3A_325 = arith.cmpi slt, %jit3A_312, %sign3A_324 : i32
      %sign3A_326 = arith.extui %sign3A_325 : i1 to i32
      %sign3A_327 = arith.subi %sign3A_323, %sign3A_326 : i32
      %ne3A_328 = arith.cmpi ne, %sign3A_320, %sign3A_327 : i32
      %rem3A_329 = arith.remsi %mul3A_308, %jit3A_312 : i32
      %ne3A_330 = arith.constant 0 : i32
      %ne3A_331 = arith.cmpi ne, %rem3A_329, %ne3A_330 : i32
      %and3A_332 = arith.andi %ne3A_328, %ne3A_331 : i1
      %sub3A_333 = arith.constant 1 : i32
      %sub3A_334 = arith.subi %div3A_313, %sub3A_333 : i32
      %select_n3A_335 = arith.select %and3A_332, %sub3A_334, %div3A_313 : i32
      %jit3A_336 = arith.constant 128 : i32
      %eq3A_337 = arith.constant 0 : i32
      %eq3A_338 = arith.cmpi eq, %jit3A_336, %eq3A_337 : i32
      %jit3A_339 = arith.constant 1 : i32
      %select_n3A_340 = arith.select %eq3A_338, %jit3A_339, %jit3A_336 : i32
      %rem3A_341 = arith.remsi %mul3A_308, %select_n3A_340 : i32
      %ne3A_342 = arith.constant 0 : i32
      %ne3A_343 = arith.cmpi ne, %rem3A_341, %ne3A_342 : i32
      %lt3A_344 = arith.constant 0 : i32
      %lt3A_345 = arith.cmpi slt, %rem3A_341, %lt3A_344 : i32
      %lt3A_346 = arith.constant 0 : i32
      %lt3A_347 = arith.cmpi slt, %select_n3A_340, %lt3A_346 : i32
      %ne3A_348 = arith.xori %lt3A_345, %lt3A_347 : i1
      %and3A_349 = arith.andi %ne3A_348, %ne3A_343 : i1
      %add3A_350 = arith.addi %rem3A_341, %select_n3A_340 : i32
      %select_n3A_351 = arith.select %and3A_349, %add3A_350, %rem3A_341 : i32
      %swap3A_352 = arith.index_cast %select_n3A_335 : i32 to index
      %swap3A_353 = arith.index_cast %select_n3A_351 : i32 to index
      %swap3A_354 = tpu.vector_load %arg9[%swap3A_352, %swap3A_353] {strides = array<i32>} : memref<80x128xf32, #tpu.memory_space<vmem>>, vector<16xf32>,
      tpu.vector_store %arg9[%swap3A_352, %swap3A_353], %broadcast_in_dim3A_311 {strides = array<i32>} : memref<80x128xf32, #tpu.memory_space<vmem>>, vector<16xf32>,
      %mul3A_355 = arith.constant 16 : i32
      %mul3A_356 = arith.muli %scan3A_58, %mul3A_355 : i32
      %add3A_357 = arith.constant 5 : i32
      %add3A_358 = arith.addi %mul3A_356, %add3A_357 : i32
      %mul3A_359 = arith.constant 16 : i32
      %mul3A_360 = arith.muli %add3A_358, %mul3A_359 : i32
      %slice3A_361 = vector.extract_strided_slice %get3A_96 {offsets = [5], sizes = [1], strides = [1]} : vector<16xf32> to vector<1xf32>
      %squeeze3A_362 = vector.extract %slice3A_361[0] : f32 from vector<1xf32>
      %broadcast_in_dim3A_363 = vector.broadcast %squeeze3A_362 : f32 to vector<16xf32>
      %jit3A_364 = arith.constant 128 : i32
      %div3A_365 = arith.divsi %mul3A_360, %jit3A_364 : i32
      %sign3A_366 = arith.constant 0 : i32
      %sign3A_367 = arith.cmpi sgt, %mul3A_360, %sign3A_366 : i32
      %sign3A_368 = arith.extui %sign3A_367 : i1 to i32
      %sign3A_369 = arith.constant 0 : i32
      %sign3A_370 = arith.cmpi slt, %mul3A_360, %sign3A_369 : i32
      %sign3A_371 = arith.extui %sign3A_370 : i1 to i32
      %sign3A_372 = arith.subi %sign3A_368, %sign3A_371 : i32
      %sign3A_373 = arith.constant 0 : i32
      %sign3A_374 = arith.cmpi sgt, %jit3A_364, %sign3A_373 : i32
      %sign3A_375 = arith.extui %sign3A_374 : i1 to i32
      %sign3A_376 = arith.constant 0 : i32
      %sign3A_377 = arith.cmpi slt, %jit3A_364, %sign3A_376 : i32
      %sign3A_378 = arith.extui %sign3A_377 : i1 to i32
      %sign3A_379 = arith.subi %sign3A_375, %sign3A_378 : i32
      %ne3A_380 = arith.cmpi ne, %sign3A_372, %sign3A_379 : i32
      %rem3A_381 = arith.remsi %mul3A_360, %jit3A_364 : i32
      %ne3A_382 = arith.constant 0 : i32
      %ne3A_383 = arith.cmpi ne, %rem3A_381, %ne3A_382 : i32
      %and3A_384 = arith.andi %ne3A_380, %ne3A_383 : i1
      %sub3A_385 = arith.constant 1 : i32
      %sub3A_386 = arith.subi %div3A_365, %sub3A_385 : i32
      %select_n3A_387 = arith.select %and3A_384, %sub3A_386, %div3A_365 : i32
      %jit3A_388 = arith.constant 128 : i32
      %eq3A_389 = arith.constant 0 : i32
      %eq3A_390 = arith.cmpi eq, %jit3A_388, %eq3A_389 : i32
      %jit3A_391 = arith.constant 1 : i32
      %select_n3A_392 = arith.select %eq3A_390, %jit3A_391, %jit3A_388 : i32
      %rem3A_393 = arith.remsi %mul3A_360, %select_n3A_392 : i32
      %ne3A_394 = arith.constant 0 : i32
      %ne3A_395 = arith.cmpi ne, %rem3A_393, %ne3A_394 : i32
      %lt3A_396 = arith.constant 0 : i32
      %lt3A_397 = arith.cmpi slt, %rem3A_393, %lt3A_396 : i32
      %lt3A_398 = arith.constant 0 : i32
      %lt3A_399 = arith.cmpi slt, %select_n3A_392, %lt3A_398 : i32
      %ne3A_400 = arith.xori %lt3A_397, %lt3A_399 : i1
      %and3A_401 = arith.andi %ne3A_400, %ne3A_395 : i1
      %add3A_402 = arith.addi %rem3A_393, %select_n3A_392 : i32
      %select_n3A_403 = arith.select %and3A_401, %add3A_402, %rem3A_393 : i32
      %swap3A_404 = arith.index_cast %select_n3A_387 : i32 to index
      %swap3A_405 = arith.index_cast %select_n3A_403 : i32 to index
      %swap3A_406 = tpu.vector_load %arg9[%swap3A_404, %swap3A_405] {strides = array<i32>} : memref<80x128xf32, #tpu.memory_space<vmem>>, vector<16xf32>,
      tpu.vector_store %arg9[%swap3A_404, %swap3A_405], %broadcast_in_dim3A_363 {strides = array<i32>} : memref<80x128xf32, #tpu.memory_space<vmem>>, vector<16xf32>,
      %mul3A_407 = arith.constant 16 : i32
      %mul3A_408 = arith.muli %scan3A_58, %mul3A_407 : i32
      %add3A_409 = arith.constant 6 : i32
      %add3A_410 = arith.addi %mul3A_408, %add3A_409 : i32
      %mul3A_411 = arith.constant 16 : i32
      %mul3A_412 = arith.muli %add3A_410, %mul3A_411 : i32
      %slice3A_413 = vector.extract_strided_slice %get3A_96 {offsets = [6], sizes = [1], strides = [1]} : vector<16xf32> to vector<1xf32>
      %squeeze3A_414 = vector.extract %slice3A_413[0] : f32 from vector<1xf32>
      %broadcast_in_dim3A_415 = vector.broadcast %squeeze3A_414 : f32 to vector<16xf32>
      %jit3A_416 = arith.constant 128 : i32
      %div3A_417 = arith.divsi %mul3A_412, %jit3A_416 : i32
      %sign3A_418 = arith.constant 0 : i32
      %sign3A_419 = arith.cmpi sgt, %mul3A_412, %sign3A_418 : i32
      %sign3A_420 = arith.extui %sign3A_419 : i1 to i32
      %sign3A_421 = arith.constant 0 : i32
      %sign3A_422 = arith.cmpi slt, %mul3A_412, %sign3A_421 : i32
      %sign3A_423 = arith.extui %sign3A_422 : i1 to i32
      %sign3A_424 = arith.subi %sign3A_420, %sign3A_423 : i32
      %sign3A_425 = arith.constant 0 : i32
      %sign3A_426 = arith.cmpi sgt, %jit3A_416, %sign3A_425 : i32
      %sign3A_427 = arith.extui %sign3A_426 : i1 to i32
      %sign3A_428 = arith.constant 0 : i32
      %sign3A_429 = arith.cmpi slt, %jit3A_416, %sign3A_428 : i32
      %sign3A_430 = arith.extui %sign3A_429 : i1 to i32
      %sign3A_431 = arith.subi %sign3A_427, %sign3A_430 : i32
      %ne3A_432 = arith.cmpi ne, %sign3A_424, %sign3A_431 : i32
      %rem3A_433 = arith.remsi %mul3A_412, %jit3A_416 : i32
      %ne3A_434 = arith.constant 0 : i32
      %ne3A_435 = arith.cmpi ne, %rem3A_433, %ne3A_434 : i32
      %and3A_436 = arith.andi %ne3A_432, %ne3A_435 : i1
      %sub3A_437 = arith.constant 1 : i32
      %sub3A_438 = arith.subi %div3A_417, %sub3A_437 : i32
      %select_n3A_439 = arith.select %and3A_436, %sub3A_438, %div3A_417 : i32
      %jit3A_440 = arith.constant 128 : i32
      %eq3A_441 = arith.constant 0 : i32
      %eq3A_442 = arith.cmpi eq, %jit3A_440, %eq3A_441 : i32
      %jit3A_443 = arith.constant 1 : i32
      %select_n3A_444 = arith.select %eq3A_442, %jit3A_443, %jit3A_440 : i32
      %rem3A_445 = arith.remsi %mul3A_412, %select_n3A_444 : i32
      %ne3A_446 = arith.constant 0 : i32
      %ne3A_447 = arith.cmpi ne, %rem3A_445, %ne3A_446 : i32
      %lt3A_448 = arith.constant 0 : i32
      %lt3A_449 = arith.cmpi slt, %rem3A_445, %lt3A_448 : i32
      %lt3A_450 = arith.constant 0 : i32
      %lt3A_451 = arith.cmpi slt, %select_n3A_444, %lt3A_450 : i32
      %ne3A_452 = arith.xori %lt3A_449, %lt3A_451 : i1
      %and3A_453 = arith.andi %ne3A_452, %ne3A_447 : i1
      %add3A_454 = arith.addi %rem3A_445, %select_n3A_444 : i32
      %select_n3A_455 = arith.select %and3A_453, %add3A_454, %rem3A_445 : i32
      %swap3A_456 = arith.index_cast %select_n3A_439 : i32 to index
      %swap3A_457 = arith.index_cast %select_n3A_455 : i32 to index
      %swap3A_458 = tpu.vector_load %arg9[%swap3A_456, %swap3A_457] {strides = array<i32>} : memref<80x128xf32, #tpu.memory_space<vmem>>, vector<16xf32>,
      tpu.vector_store %arg9[%swap3A_456, %swap3A_457], %broadcast_in_dim3A_415 {strides = array<i32>} : memref<80x128xf32, #tpu.memory_space<vmem>>, vector<16xf32>,
      %mul3A_459 = arith.constant 16 : i32
      %mul3A_460 = arith.muli %scan3A_58, %mul3A_459 : i32
      %add3A_461 = arith.constant 7 : i32
      %add3A_462 = arith.addi %mul3A_460, %add3A_461 : i32
      %mul3A_463 = arith.constant 16 : i32
      %mul3A_464 = arith.muli %add3A_462, %mul3A_463 : i32
      %slice3A_465 = vector.extract_strided_slice %get3A_96 {offsets = [7], sizes = [1], strides = [1]} : vector<16xf32> to vector<1xf32>
      %squeeze3A_466 = vector.extract %slice3A_465[0] : f32 from vector<1xf32>
      %broadcast_in_dim3A_467 = vector.broadcast %squeeze3A_466 : f32 to vector<16xf32>
      %jit3A_468 = arith.constant 128 : i32
      %div3A_469 = arith.divsi %mul3A_464, %jit3A_468 : i32
      %sign3A_470 = arith.constant 0 : i32
      %sign3A_471 = arith.cmpi sgt, %mul3A_464, %sign3A_470 : i32
      %sign3A_472 = arith.extui %sign3A_471 : i1 to i32
      %sign3A_473 = arith.constant 0 : i32
      %sign3A_474 = arith.cmpi slt, %mul3A_464, %sign3A_473 : i32
      %sign3A_475 = arith.extui %sign3A_474 : i1 to i32
      %sign3A_476 = arith.subi %sign3A_472, %sign3A_475 : i32
      %sign3A_477 = arith.constant 0 : i32
      %sign3A_478 = arith.cmpi sgt, %jit3A_468, %sign3A_477 : i32
      %sign3A_479 = arith.extui %sign3A_478 : i1 to i32
      %sign3A_480 = arith.constant 0 : i32
      %sign3A_481 = arith.cmpi slt, %jit3A_468, %sign3A_480 : i32
      %sign3A_482 = arith.extui %sign3A_481 : i1 to i32
      %sign3A_483 = arith.subi %sign3A_479, %sign3A_482 : i32
      %ne3A_484 = arith.cmpi ne, %sign3A_476, %sign3A_483 : i32
      %rem3A_485 = arith.remsi %mul3A_464, %jit3A_468 : i32
      %ne3A_486 = arith.constant 0 : i32
      %ne3A_487 = arith.cmpi ne, %rem3A_485, %ne3A_486 : i32
      %and3A_488 = arith.andi %ne3A_484, %ne3A_487 : i1
      %sub3A_489 = arith.constant 1 : i32
      %sub3A_490 = arith.subi %div3A_469, %sub3A_489 : i32
      %select_n3A_491 = arith.select %and3A_488, %sub3A_490, %div3A_469 : i32
      %jit3A_492 = arith.constant 128 : i32
      %eq3A_493 = arith.constant 0 : i32
      %eq3A_494 = arith.cmpi eq, %jit3A_492, %eq3A_493 : i32
      %jit3A_495 = arith.constant 1 : i32
      %select_n3A_496 = arith.select %eq3A_494, %jit3A_495, %jit3A_492 : i32
      %rem3A_497 = arith.remsi %mul3A_464, %select_n3A_496 : i32
      %ne3A_498 = arith.constant 0 : i32
      %ne3A_499 = arith.cmpi ne, %rem3A_497, %ne3A_498 : i32
      %lt3A_500 = arith.constant 0 : i32
      %lt3A_501 = arith.cmpi slt, %rem3A_497, %lt3A_500 : i32
      %lt3A_502 = arith.constant 0 : i32
      %lt3A_503 = arith.cmpi slt, %select_n3A_496, %lt3A_502 : i32
      %ne3A_504 = arith.xori %lt3A_501, %lt3A_503 : i1
      %and3A_505 = arith.andi %ne3A_504, %ne3A_499 : i1
      %add3A_506 = arith.addi %rem3A_497, %select_n3A_496 : i32
      %select_n3A_507 = arith.select %and3A_505, %add3A_506, %rem3A_497 : i32
      %swap3A_508 = arith.index_cast %select_n3A_491 : i32 to index
      %swap3A_509 = arith.index_cast %select_n3A_507 : i32 to index
      %swap3A_510 = tpu.vector_load %arg9[%swap3A_508, %swap3A_509] {strides = array<i32>} : memref<80x128xf32, #tpu.memory_space<vmem>>, vector<16xf32>,
      tpu.vector_store %arg9[%swap3A_508, %swap3A_509], %broadcast_in_dim3A_467 {strides = array<i32>} : memref<80x128xf32, #tpu.memory_space<vmem>>, vector<16xf32>,
      %mul3A_511 = arith.constant 16 : i32
      %mul3A_512 = arith.muli %scan3A_58, %mul3A_511 : i32
      %add3A_513 = arith.constant 8 : i32
      %add3A_514 = arith.addi %mul3A_512, %add3A_513 : i32
      %mul3A_515 = arith.constant 16 : i32
      %mul3A_516 = arith.muli %add3A_514, %mul3A_515 : i32
      %slice3A_517 = vector.extract_strided_slice %get3A_96 {offsets = [8], sizes = [1], strides = [1]} : vector<16xf32> to vector<1xf32>
      %squeeze3A_518 = vector.extract %slice3A_517[0] : f32 from vector<1xf32>
      %broadcast_in_dim3A_519 = vector.broadcast %squeeze3A_518 : f32 to vector<16xf32>
      %jit3A_520 = arith.constant 128 : i32
      %div3A_521 = arith.divsi %mul3A_516, %jit3A_520 : i32
      %sign3A_522 = arith.constant 0 : i32
      %sign3A_523 = arith.cmpi sgt, %mul3A_516, %sign3A_522 : i32
      %sign3A_524 = arith.extui %sign3A_523 : i1 to i32
      %sign3A_525 = arith.constant 0 : i32
      %sign3A_526 = arith.cmpi slt, %mul3A_516, %sign3A_525 : i32
      %sign3A_527 = arith.extui %sign3A_526 : i1 to i32
      %sign3A_528 = arith.subi %sign3A_524, %sign3A_527 : i32
      %sign3A_529 = arith.constant 0 : i32
      %sign3A_530 = arith.cmpi sgt, %jit3A_520, %sign3A_529 : i32
      %sign3A_531 = arith.extui %sign3A_530 : i1 to i32
      %sign3A_532 = arith.constant 0 : i32
      %sign3A_533 = arith.cmpi slt, %jit3A_520, %sign3A_532 : i32
      %sign3A_534 = arith.extui %sign3A_533 : i1 to i32
      %sign3A_535 = arith.subi %sign3A_531, %sign3A_534 : i32
      %ne3A_536 = arith.cmpi ne, %sign3A_528, %sign3A_535 : i32
      %rem3A_537 = arith.remsi %mul3A_516, %jit3A_520 : i32
      %ne3A_538 = arith.constant 0 : i32
      %ne3A_539 = arith.cmpi ne, %rem3A_537, %ne3A_538 : i32
      %and3A_540 = arith.andi %ne3A_536, %ne3A_539 : i1
      %sub3A_541 = arith.constant 1 : i32
      %sub3A_542 = arith.subi %div3A_521, %sub3A_541 : i32
      %select_n3A_543 = arith.select %and3A_540, %sub3A_542, %div3A_521 : i32
      %jit3A_544 = arith.constant 128 : i32
      %eq3A_545 = arith.constant 0 : i32
      %eq3A_546 = arith.cmpi eq, %jit3A_544, %eq3A_545 : i32
      %jit3A_547 = arith.constant 1 : i32
      %select_n3A_548 = arith.select %eq3A_546, %jit3A_547, %jit3A_544 : i32
      %rem3A_549 = arith.remsi %mul3A_516, %select_n3A_548 : i32
      %ne3A_550 = arith.constant 0 : i32
      %ne3A_551 = arith.cmpi ne, %rem3A_549, %ne3A_550 : i32
      %lt3A_552 = arith.constant 0 : i32
      %lt3A_553 = arith.cmpi slt, %rem3A_549, %lt3A_552 : i32
      %lt3A_554 = arith.constant 0 : i32
      %lt3A_555 = arith.cmpi slt, %select_n3A_548, %lt3A_554 : i32
      %ne3A_556 = arith.xori %lt3A_553, %lt3A_555 : i1
      %and3A_557 = arith.andi %ne3A_556, %ne3A_551 : i1
      %add3A_558 = arith.addi %rem3A_549, %select_n3A_548 : i32
      %select_n3A_559 = arith.select %and3A_557, %add3A_558, %rem3A_549 : i32
      %swap3A_560 = arith.index_cast %select_n3A_543 : i32 to index
      %swap3A_561 = arith.index_cast %select_n3A_559 : i32 to index
      %swap3A_562 = tpu.vector_load %arg9[%swap3A_560, %swap3A_561] {strides = array<i32>} : memref<80x128xf32, #tpu.memory_space<vmem>>, vector<16xf32>,
      tpu.vector_store %arg9[%swap3A_560, %swap3A_561], %broadcast_in_dim3A_519 {strides = array<i32>} : memref<80x128xf32, #tpu.memory_space<vmem>>, vector<16xf32>,
      %mul3A_563 = arith.constant 16 : i32
      %mul3A_564 = arith.muli %scan3A_58, %mul3A_563 : i32
      %add3A_565 = arith.constant 9 : i32
      %add3A_566 = arith.addi %mul3A_564, %add3A_565 : i32
      %mul3A_567 = arith.constant 16 : i32
      %mul3A_568 = arith.muli %add3A_566, %mul3A_567 : i32
      %slice3A_569 = vector.extract_strided_slice %get3A_96 {offsets = [9], sizes = [1], strides = [1]} : vector<16xf32> to vector<1xf32>
      %squeeze3A_570 = vector.extract %slice3A_569[0] : f32 from vector<1xf32>
      %broadcast_in_dim3A_571 = vector.broadcast %squeeze3A_570 : f32 to vector<16xf32>
      %jit3A_572 = arith.constant 128 : i32
      %div3A_573 = arith.divsi %mul3A_568, %jit3A_572 : i32
      %sign3A_574 = arith.constant 0 : i32
      %sign3A_575 = arith.cmpi sgt, %mul3A_568, %sign3A_574 : i32
      %sign3A_576 = arith.extui %sign3A_575 : i1 to i32
      %sign3A_577 = arith.constant 0 : i32
      %sign3A_578 = arith.cmpi slt, %mul3A_568, %sign3A_577 : i32
      %sign3A_579 = arith.extui %sign3A_578 : i1 to i32
      %sign3A_580 = arith.subi %sign3A_576, %sign3A_579 : i32
      %sign3A_581 = arith.constant 0 : i32
      %sign3A_582 = arith.cmpi sgt, %jit3A_572, %sign3A_581 : i32
      %sign3A_583 = arith.extui %sign3A_582 : i1 to i32
      %sign3A_584 = arith.constant 0 : i32
      %sign3A_585 = arith.cmpi slt, %jit3A_572, %sign3A_584 : i32
      %sign3A_586 = arith.extui %sign3A_585 : i1 to i32
      %sign3A_587 = arith.subi %sign3A_583, %sign3A_586 : i32
      %ne3A_588 = arith.cmpi ne, %sign3A_580, %sign3A_587 : i32
      %rem3A_589 = arith.remsi %mul3A_568, %jit3A_572 : i32
      %ne3A_590 = arith.constant 0 : i32
      %ne3A_591 = arith.cmpi ne, %rem3A_589, %ne3A_590 : i32
      %and3A_592 = arith.andi %ne3A_588, %ne3A_591 : i1
      %sub3A_593 = arith.constant 1 : i32
      %sub3A_594 = arith.subi %div3A_573, %sub3A_593 : i32
      %select_n3A_595 = arith.select %and3A_592, %sub3A_594, %div3A_573 : i32
      %jit3A_596 = arith.constant 128 : i32
      %eq3A_597 = arith.constant 0 : i32
      %eq3A_598 = arith.cmpi eq, %jit3A_596, %eq3A_597 : i32
      %jit3A_599 = arith.constant 1 : i32
      %select_n3A_600 = arith.select %eq3A_598, %jit3A_599, %jit3A_596 : i32
      %rem3A_601 = arith.remsi %mul3A_568, %select_n3A_600 : i32
      %ne3A_602 = arith.constant 0 : i32
      %ne3A_603 = arith.cmpi ne, %rem3A_601, %ne3A_602 : i32
      %lt3A_604 = arith.constant 0 : i32
      %lt3A_605 = arith.cmpi slt, %rem3A_601, %lt3A_604 : i32
      %lt3A_606 = arith.constant 0 : i32
      %lt3A_607 = arith.cmpi slt, %select_n3A_600, %lt3A_606 : i32
      %ne3A_608 = arith.xori %lt3A_605, %lt3A_607 : i1
      %and3A_609 = arith.andi %ne3A_608, %ne3A_603 : i1
      %add3A_610 = arith.addi %rem3A_601, %select_n3A_600 : i32
      %select_n3A_611 = arith.select %and3A_609, %add3A_610, %rem3A_601 : i32
      %swap3A_612 = arith.index_cast %select_n3A_595 : i32 to index
      %swap3A_613 = arith.index_cast %select_n3A_611 : i32 to index
      %swap3A_614 = tpu.vector_load %arg9[%swap3A_612, %swap3A_613] {strides = array<i32>} : memref<80x128xf32, #tpu.memory_space<vmem>>, vector<16xf32>,
      tpu.vector_store %arg9[%swap3A_612, %swap3A_613], %broadcast_in_dim3A_571 {strides = array<i32>} : memref<80x128xf32, #tpu.memory_space<vmem>>, vector<16xf32>,
      %mul3A_615 = arith.constant 16 : i32
      %mul3A_616 = arith.muli %scan3A_58, %mul3A_615 : i32
      %add3A_617 = arith.constant 10 : i32
      %add3A_618 = arith.addi %mul3A_616, %add3A_617 : i32
      %mul3A_619 = arith.constant 16 : i32
      %mul3A_620 = arith.muli %add3A_618, %mul3A_619 : i32
      %slice3A_621 = vector.extract_strided_slice %get3A_96 {offsets = [10], sizes = [1], strides = [1]} : vector<16xf32> to vector<1xf32>
      %squeeze3A_622 = vector.extract %slice3A_621[0] : f32 from vector<1xf32>
      %broadcast_in_dim3A_623 = vector.broadcast %squeeze3A_622 : f32 to vector<16xf32>
      %jit3A_624 = arith.constant 128 : i32
      %div3A_625 = arith.divsi %mul3A_620, %jit3A_624 : i32
      %sign3A_626 = arith.constant 0 : i32
      %sign3A_627 = arith.cmpi sgt, %mul3A_620, %sign3A_626 : i32
      %sign3A_628 = arith.extui %sign3A_627 : i1 to i32
      %sign3A_629 = arith.constant 0 : i32
      %sign3A_630 = arith.cmpi slt, %mul3A_620, %sign3A_629 : i32
      %sign3A_631 = arith.extui %sign3A_630 : i1 to i32
      %sign3A_632 = arith.subi %sign3A_628, %sign3A_631 : i32
      %sign3A_633 = arith.constant 0 : i32
      %sign3A_634 = arith.cmpi sgt, %jit3A_624, %sign3A_633 : i32
      %sign3A_635 = arith.extui %sign3A_634 : i1 to i32
      %sign3A_636 = arith.constant 0 : i32
      %sign3A_637 = arith.cmpi slt, %jit3A_624, %sign3A_636 : i32
      %sign3A_638 = arith.extui %sign3A_637 : i1 to i32
      %sign3A_639 = arith.subi %sign3A_635, %sign3A_638 : i32
      %ne3A_640 = arith.cmpi ne, %sign3A_632, %sign3A_639 : i32
      %rem3A_641 = arith.remsi %mul3A_620, %jit3A_624 : i32
      %ne3A_642 = arith.constant 0 : i32
      %ne3A_643 = arith.cmpi ne, %rem3A_641, %ne3A_642 : i32
      %and3A_644 = arith.andi %ne3A_640, %ne3A_643 : i1
      %sub3A_645 = arith.constant 1 : i32
      %sub3A_646 = arith.subi %div3A_625, %sub3A_645 : i32
      %select_n3A_647 = arith.select %and3A_644, %sub3A_646, %div3A_625 : i32
      %jit3A_648 = arith.constant 128 : i32
      %eq3A_649 = arith.constant 0 : i32
      %eq3A_650 = arith.cmpi eq, %jit3A_648, %eq3A_649 : i32
      %jit3A_651 = arith.constant 1 : i32
      %select_n3A_652 = arith.select %eq3A_650, %jit3A_651, %jit3A_648 : i32
      %rem3A_653 = arith.remsi %mul3A_620, %select_n3A_652 : i32
      %ne3A_654 = arith.constant 0 : i32
      %ne3A_655 = arith.cmpi ne, %rem3A_653, %ne3A_654 : i32
      %lt3A_656 = arith.constant 0 : i32
      %lt3A_657 = arith.cmpi slt, %rem3A_653, %lt3A_656 : i32
      %lt3A_658 = arith.constant 0 : i32
      %lt3A_659 = arith.cmpi slt, %select_n3A_652, %lt3A_658 : i32
      %ne3A_660 = arith.xori %lt3A_657, %lt3A_659 : i1
      %and3A_661 = arith.andi %ne3A_660, %ne3A_655 : i1
      %add3A_662 = arith.addi %rem3A_653, %select_n3A_652 : i32
      %select_n3A_663 = arith.select %and3A_661, %add3A_662, %rem3A_653 : i32
      %swap3A_664 = arith.index_cast %select_n3A_647 : i32 to index
      %swap3A_665 = arith.index_cast %select_n3A_663 : i32 to index
      %swap3A_666 = tpu.vector_load %arg9[%swap3A_664, %swap3A_665] {strides = array<i32>} : memref<80x128xf32, #tpu.memory_space<vmem>>, vector<16xf32>,
      tpu.vector_store %arg9[%swap3A_664, %swap3A_665], %broadcast_in_dim3A_623 {strides = array<i32>} : memref<80x128xf32, #tpu.memory_space<vmem>>, vector<16xf32>,
      %mul3A_667 = arith.constant 16 : i32
      %mul3A_668 = arith.muli %scan3A_58, %mul3A_667 : i32
      %add3A_669 = arith.constant 11 : i32
      %add3A_670 = arith.addi %mul3A_668, %add3A_669 : i32
      %mul3A_671 = arith.constant 16 : i32
      %mul3A_672 = arith.muli %add3A_670, %mul3A_671 : i32
      %slice3A_673 = vector.extract_strided_slice %get3A_96 {offsets = [11], sizes = [1], strides = [1]} : vector<16xf32> to vector<1xf32>
      %squeeze3A_674 = vector.extract %slice3A_673[0] : f32 from vector<1xf32>
      %broadcast_in_dim3A_675 = vector.broadcast %squeeze3A_674 : f32 to vector<16xf32>
      %jit3A_676 = arith.constant 128 : i32
      %div3A_677 = arith.divsi %mul3A_672, %jit3A_676 : i32
      %sign3A_678 = arith.constant 0 : i32
      %sign3A_679 = arith.cmpi sgt, %mul3A_672, %sign3A_678 : i32
      %sign3A_680 = arith.extui %sign3A_679 : i1 to i32
      %sign3A_681 = arith.constant 0 : i32
      %sign3A_682 = arith.cmpi slt, %mul3A_672, %sign3A_681 : i32
      %sign3A_683 = arith.extui %sign3A_682 : i1 to i32
      %sign3A_684 = arith.subi %sign3A_680, %sign3A_683 : i32
      %sign3A_685 = arith.constant 0 : i32
      %sign3A_686 = arith.cmpi sgt, %jit3A_676, %sign3A_685 : i32
      %sign3A_687 = arith.extui %sign3A_686 : i1 to i32
      %sign3A_688 = arith.constant 0 : i32
      %sign3A_689 = arith.cmpi slt, %jit3A_676, %sign3A_688 : i32
      %sign3A_690 = arith.extui %sign3A_689 : i1 to i32
      %sign3A_691 = arith.subi %sign3A_687, %sign3A_690 : i32
      %ne3A_692 = arith.cmpi ne, %sign3A_684, %sign3A_691 : i32
      %rem3A_693 = arith.remsi %mul3A_672, %jit3A_676 : i32
      %ne3A_694 = arith.constant 0 : i32
      %ne3A_695 = arith.cmpi ne, %rem3A_693, %ne3A_694 : i32
      %and3A_696 = arith.andi %ne3A_692, %ne3A_695 : i1
      %sub3A_697 = arith.constant 1 : i32
      %sub3A_698 = arith.subi %div3A_677, %sub3A_697 : i32
      %select_n3A_699 = arith.select %and3A_696, %sub3A_698, %div3A_677 : i32
      %jit3A_700 = arith.constant 128 : i32
      %eq3A_701 = arith.constant 0 : i32
      %eq3A_702 = arith.cmpi eq, %jit3A_700, %eq3A_701 : i32
      %jit3A_703 = arith.constant 1 : i32
      %select_n3A_704 = arith.select %eq3A_702, %jit3A_703, %jit3A_700 : i32
      %rem3A_705 = arith.remsi %mul3A_672, %select_n3A_704 : i32
      %ne3A_706 = arith.constant 0 : i32
      %ne3A_707 = arith.cmpi ne, %rem3A_705, %ne3A_706 : i32
      %lt3A_708 = arith.constant 0 : i32
      %lt3A_709 = arith.cmpi slt, %rem3A_705, %lt3A_708 : i32
      %lt3A_710 = arith.constant 0 : i32
      %lt3A_711 = arith.cmpi slt, %select_n3A_704, %lt3A_710 : i32
      %ne3A_712 = arith.xori %lt3A_709, %lt3A_711 : i1
      %and3A_713 = arith.andi %ne3A_712, %ne3A_707 : i1
      %add3A_714 = arith.addi %rem3A_705, %select_n3A_704 : i32
      %select_n3A_715 = arith.select %and3A_713, %add3A_714, %rem3A_705 : i32
      %swap3A_716 = arith.index_cast %select_n3A_699 : i32 to index
      %swap3A_717 = arith.index_cast %select_n3A_715 : i32 to index
      %swap3A_718 = tpu.vector_load %arg9[%swap3A_716, %swap3A_717] {strides = array<i32>} : memref<80x128xf32, #tpu.memory_space<vmem>>, vector<16xf32>,
      tpu.vector_store %arg9[%swap3A_716, %swap3A_717], %broadcast_in_dim3A_675 {strides = array<i32>} : memref<80x128xf32, #tpu.memory_space<vmem>>, vector<16xf32>,
      %mul3A_719 = arith.constant 16 : i32
      %mul3A_720 = arith.muli %scan3A_58, %mul3A_719 : i32
      %add3A_721 = arith.constant 12 : i32
      %add3A_722 = arith.addi %mul3A_720, %add3A_721 : i32
      %mul3A_723 = arith.constant 16 : i32
      %mul3A_724 = arith.muli %add3A_722, %mul3A_723 : i32
      %slice3A_725 = vector.extract_strided_slice %get3A_96 {offsets = [12], sizes = [1], strides = [1]} : vector<16xf32> to vector<1xf32>
      %squeeze3A_726 = vector.extract %slice3A_725[0] : f32 from vector<1xf32>
      %broadcast_in_dim3A_727 = vector.broadcast %squeeze3A_726 : f32 to vector<16xf32>
      %jit3A_728 = arith.constant 128 : i32
      %div3A_729 = arith.divsi %mul3A_724, %jit3A_728 : i32
      %sign3A_730 = arith.constant 0 : i32
      %sign3A_731 = arith.cmpi sgt, %mul3A_724, %sign3A_730 : i32
      %sign3A_732 = arith.extui %sign3A_731 : i1 to i32
      %sign3A_733 = arith.constant 0 : i32
      %sign3A_734 = arith.cmpi slt, %mul3A_724, %sign3A_733 : i32
      %sign3A_735 = arith.extui %sign3A_734 : i1 to i32
      %sign3A_736 = arith.subi %sign3A_732, %sign3A_735 : i32
      %sign3A_737 = arith.constant 0 : i32
      %sign3A_738 = arith.cmpi sgt, %jit3A_728, %sign3A_737 : i32
      %sign3A_739 = arith.extui %sign3A_738 : i1 to i32
      %sign3A_740 = arith.constant 0 : i32
      %sign3A_741 = arith.cmpi slt, %jit3A_728, %sign3A_740 : i32
      %sign3A_742 = arith.extui %sign3A_741 : i1 to i32
      %sign3A_743 = arith.subi %sign3A_739, %sign3A_742 : i32
      %ne3A_744 = arith.cmpi ne, %sign3A_736, %sign3A_743 : i32
      %rem3A_745 = arith.remsi %mul3A_724, %jit3A_728 : i32
      %ne3A_746 = arith.constant 0 : i32
      %ne3A_747 = arith.cmpi ne, %rem3A_745, %ne3A_746 : i32
      %and3A_748 = arith.andi %ne3A_744, %ne3A_747 : i1
      %sub3A_749 = arith.constant 1 : i32
      %sub3A_750 = arith.subi %div3A_729, %sub3A_749 : i32
      %select_n3A_751 = arith.select %and3A_748, %sub3A_750, %div3A_729 : i32
      %jit3A_752 = arith.constant 128 : i32
      %eq3A_753 = arith.constant 0 : i32
      %eq3A_754 = arith.cmpi eq, %jit3A_752, %eq3A_753 : i32
      %jit3A_755 = arith.constant 1 : i32
      %select_n3A_756 = arith.select %eq3A_754, %jit3A_755, %jit3A_752 : i32
      %rem3A_757 = arith.remsi %mul3A_724, %select_n3A_756 : i32
      %ne3A_758 = arith.constant 0 : i32
      %ne3A_759 = arith.cmpi ne, %rem3A_757, %ne3A_758 : i32
      %lt3A_760 = arith.constant 0 : i32
      %lt3A_761 = arith.cmpi slt, %rem3A_757, %lt3A_760 : i32
      %lt3A_762 = arith.constant 0 : i32
      %lt3A_763 = arith.cmpi slt, %select_n3A_756, %lt3A_762 : i32
      %ne3A_764 = arith.xori %lt3A_761, %lt3A_763 : i1
      %and3A_765 = arith.andi %ne3A_764, %ne3A_759 : i1
      %add3A_766 = arith.addi %rem3A_757, %select_n3A_756 : i32
      %select_n3A_767 = arith.select %and3A_765, %add3A_766, %rem3A_757 : i32
      %swap3A_768 = arith.index_cast %select_n3A_751 : i32 to index
      %swap3A_769 = arith.index_cast %select_n3A_767 : i32 to index
      %swap3A_770 = tpu.vector_load %arg9[%swap3A_768, %swap3A_769] {strides = array<i32>} : memref<80x128xf32, #tpu.memory_space<vmem>>, vector<16xf32>,
      tpu.vector_store %arg9[%swap3A_768, %swap3A_769], %broadcast_in_dim3A_727 {strides = array<i32>} : memref<80x128xf32, #tpu.memory_space<vmem>>, vector<16xf32>,
      %mul3A_771 = arith.constant 16 : i32
      %mul3A_772 = arith.muli %scan3A_58, %mul3A_771 : i32
      %add3A_773 = arith.constant 13 : i32
      %add3A_774 = arith.addi %mul3A_772, %add3A_773 : i32
      %mul3A_775 = arith.constant 16 : i32
      %mul3A_776 = arith.muli %add3A_774, %mul3A_775 : i32
      %slice3A_777 = vector.extract_strided_slice %get3A_96 {offsets = [13], sizes = [1], strides = [1]} : vector<16xf32> to vector<1xf32>
      %squeeze3A_778 = vector.extract %slice3A_777[0] : f32 from vector<1xf32>
      %broadcast_in_dim3A_779 = vector.broadcast %squeeze3A_778 : f32 to vector<16xf32>
      %jit3A_780 = arith.constant 128 : i32
      %div3A_781 = arith.divsi %mul3A_776, %jit3A_780 : i32
      %sign3A_782 = arith.constant 0 : i32
      %sign3A_783 = arith.cmpi sgt, %mul3A_776, %sign3A_782 : i32
      %sign3A_784 = arith.extui %sign3A_783 : i1 to i32
      %sign3A_785 = arith.constant 0 : i32
      %sign3A_786 = arith.cmpi slt, %mul3A_776, %sign3A_785 : i32
      %sign3A_787 = arith.extui %sign3A_786 : i1 to i32
      %sign3A_788 = arith.subi %sign3A_784, %sign3A_787 : i32
      %sign3A_789 = arith.constant 0 : i32
      %sign3A_790 = arith.cmpi sgt, %jit3A_780, %sign3A_789 : i32
      %sign3A_791 = arith.extui %sign3A_790 : i1 to i32
      %sign3A_792 = arith.constant 0 : i32
      %sign3A_793 = arith.cmpi slt, %jit3A_780, %sign3A_792 : i32
      %sign3A_794 = arith.extui %sign3A_793 : i1 to i32
      %sign3A_795 = arith.subi %sign3A_791, %sign3A_794 : i32
      %ne3A_796 = arith.cmpi ne, %sign3A_788, %sign3A_795 : i32
      %rem3A_797 = arith.remsi %mul3A_776, %jit3A_780 : i32
      %ne3A_798 = arith.constant 0 : i32
      %ne3A_799 = arith.cmpi ne, %rem3A_797, %ne3A_798 : i32
      %and3A_800 = arith.andi %ne3A_796, %ne3A_799 : i1
      %sub3A_801 = arith.constant 1 : i32
      %sub3A_802 = arith.subi %div3A_781, %sub3A_801 : i32
      %select_n3A_803 = arith.select %and3A_800, %sub3A_802, %div3A_781 : i32
      %jit3A_804 = arith.constant 128 : i32
      %eq3A_805 = arith.constant 0 : i32
      %eq3A_806 = arith.cmpi eq, %jit3A_804, %eq3A_805 : i32
      %jit3A_807 = arith.constant 1 : i32
      %select_n3A_808 = arith.select %eq3A_806, %jit3A_807, %jit3A_804 : i32
      %rem3A_809 = arith.remsi %mul3A_776, %select_n3A_808 : i32
      %ne3A_810 = arith.constant 0 : i32
      %ne3A_811 = arith.cmpi ne, %rem3A_809, %ne3A_810 : i32
      %lt3A_812 = arith.constant 0 : i32
      %lt3A_813 = arith.cmpi slt, %rem3A_809, %lt3A_812 : i32
      %lt3A_814 = arith.constant 0 : i32
      %lt3A_815 = arith.cmpi slt, %select_n3A_808, %lt3A_814 : i32
      %ne3A_816 = arith.xori %lt3A_813, %lt3A_815 : i1
      %and3A_817 = arith.andi %ne3A_816, %ne3A_811 : i1
      %add3A_818 = arith.addi %rem3A_809, %select_n3A_808 : i32
      %select_n3A_819 = arith.select %and3A_817, %add3A_818, %rem3A_809 : i32
      %swap3A_820 = arith.index_cast %select_n3A_803 : i32 to index
      %swap3A_821 = arith.index_cast %select_n3A_819 : i32 to index
      %swap3A_822 = tpu.vector_load %arg9[%swap3A_820, %swap3A_821] {strides = array<i32>} : memref<80x128xf32, #tpu.memory_space<vmem>>, vector<16xf32>,
      tpu.vector_store %arg9[%swap3A_820, %swap3A_821], %broadcast_in_dim3A_779 {strides = array<i32>} : memref<80x128xf32, #tpu.memory_space<vmem>>, vector<16xf32>,
      %mul3A_823 = arith.constant 16 : i32
      %mul3A_824 = arith.muli %scan3A_58, %mul3A_823 : i32
      %add3A_825 = arith.constant 14 : i32
      %add3A_826 = arith.addi %mul3A_824, %add3A_825 : i32
      %mul3A_827 = arith.constant 16 : i32
      %mul3A_828 = arith.muli %add3A_826, %mul3A_827 : i32
      %slice3A_829 = vector.extract_strided_slice %get3A_96 {offsets = [14], sizes = [1], strides = [1]} : vector<16xf32> to vector<1xf32>
      %squeeze3A_830 = vector.extract %slice3A_829[0] : f32 from vector<1xf32>
      %broadcast_in_dim3A_831 = vector.broadcast %squeeze3A_830 : f32 to vector<16xf32>
      %jit3A_832 = arith.constant 128 : i32
      %div3A_833 = arith.divsi %mul3A_828, %jit3A_832 : i32
      %sign3A_834 = arith.constant 0 : i32
      %sign3A_835 = arith.cmpi sgt, %mul3A_828, %sign3A_834 : i32
      %sign3A_836 = arith.extui %sign3A_835 : i1 to i32
      %sign3A_837 = arith.constant 0 : i32
      %sign3A_838 = arith.cmpi slt, %mul3A_828, %sign3A_837 : i32
      %sign3A_839 = arith.extui %sign3A_838 : i1 to i32
      %sign3A_840 = arith.subi %sign3A_836, %sign3A_839 : i32
      %sign3A_841 = arith.constant 0 : i32
      %sign3A_842 = arith.cmpi sgt, %jit3A_832, %sign3A_841 : i32
      %sign3A_843 = arith.extui %sign3A_842 : i1 to i32
      %sign3A_844 = arith.constant 0 : i32
      %sign3A_845 = arith.cmpi slt, %jit3A_832, %sign3A_844 : i32
      %sign3A_846 = arith.extui %sign3A_845 : i1 to i32
      %sign3A_847 = arith.subi %sign3A_843, %sign3A_846 : i32
      %ne3A_848 = arith.cmpi ne, %sign3A_840, %sign3A_847 : i32
      %rem3A_849 = arith.remsi %mul3A_828, %jit3A_832 : i32
      %ne3A_850 = arith.constant 0 : i32
      %ne3A_851 = arith.cmpi ne, %rem3A_849, %ne3A_850 : i32
      %and3A_852 = arith.andi %ne3A_848, %ne3A_851 : i1
      %sub3A_853 = arith.constant 1 : i32
      %sub3A_854 = arith.subi %div3A_833, %sub3A_853 : i32
      %select_n3A_855 = arith.select %and3A_852, %sub3A_854, %div3A_833 : i32
      %jit3A_856 = arith.constant 128 : i32
      %eq3A_857 = arith.constant 0 : i32
      %eq3A_858 = arith.cmpi eq, %jit3A_856, %eq3A_857 : i32
      %jit3A_859 = arith.constant 1 : i32
      %select_n3A_860 = arith.select %eq3A_858, %jit3A_859, %jit3A_856 : i32
      %rem3A_861 = arith.remsi %mul3A_828, %select_n3A_860 : i32
      %ne3A_862 = arith.constant 0 : i32
      %ne3A_863 = arith.cmpi ne, %rem3A_861, %ne3A_862 : i32
      %lt3A_864 = arith.constant 0 : i32
      %lt3A_865 = arith.cmpi slt, %rem3A_861, %lt3A_864 : i32
      %lt3A_866 = arith.constant 0 : i32
      %lt3A_867 = arith.cmpi slt, %select_n3A_860, %lt3A_866 : i32
      %ne3A_868 = arith.xori %lt3A_865, %lt3A_867 : i1
      %and3A_869 = arith.andi %ne3A_868, %ne3A_863 : i1
      %add3A_870 = arith.addi %rem3A_861, %select_n3A_860 : i32
      %select_n3A_871 = arith.select %and3A_869, %add3A_870, %rem3A_861 : i32
      %swap3A_872 = arith.index_cast %select_n3A_855 : i32 to index
      %swap3A_873 = arith.index_cast %select_n3A_871 : i32 to index
      %swap3A_874 = tpu.vector_load %arg9[%swap3A_872, %swap3A_873] {strides = array<i32>} : memref<80x128xf32, #tpu.memory_space<vmem>>, vector<16xf32>,
      tpu.vector_store %arg9[%swap3A_872, %swap3A_873], %broadcast_in_dim3A_831 {strides = array<i32>} : memref<80x128xf32, #tpu.memory_space<vmem>>, vector<16xf32>,
      %mul3A_875 = arith.constant 16 : i32
      %mul3A_876 = arith.muli %scan3A_58, %mul3A_875 : i32
      %add3A_877 = arith.constant 15 : i32
      %add3A_878 = arith.addi %mul3A_876, %add3A_877 : i32
      %mul3A_879 = arith.constant 16 : i32
      %mul3A_880 = arith.muli %add3A_878, %mul3A_879 : i32
      %slice3A_881 = vector.extract_strided_slice %get3A_96 {offsets = [15], sizes = [1], strides = [1]} : vector<16xf32> to vector<1xf32>
      %squeeze3A_882 = vector.extract %slice3A_881[0] : f32 from vector<1xf32>
      %broadcast_in_dim3A_883 = vector.broadcast %squeeze3A_882 : f32 to vector<16xf32>
      %jit3A_884 = arith.constant 128 : i32
      %div3A_885 = arith.divsi %mul3A_880, %jit3A_884 : i32
      %sign3A_886 = arith.constant 0 : i32
      %sign3A_887 = arith.cmpi sgt, %mul3A_880, %sign3A_886 : i32
      %sign3A_888 = arith.extui %sign3A_887 : i1 to i32
      %sign3A_889 = arith.constant 0 : i32
      %sign3A_890 = arith.cmpi slt, %mul3A_880, %sign3A_889 : i32
      %sign3A_891 = arith.extui %sign3A_890 : i1 to i32
      %sign3A_892 = arith.subi %sign3A_888, %sign3A_891 : i32
      %sign3A_893 = arith.constant 0 : i32
      %sign3A_894 = arith.cmpi sgt, %jit3A_884, %sign3A_893 : i32
      %sign3A_895 = arith.extui %sign3A_894 : i1 to i32
      %sign3A_896 = arith.constant 0 : i32
      %sign3A_897 = arith.cmpi slt, %jit3A_884, %sign3A_896 : i32
      %sign3A_898 = arith.extui %sign3A_897 : i1 to i32
      %sign3A_899 = arith.subi %sign3A_895, %sign3A_898 : i32
      %ne3A_900 = arith.cmpi ne, %sign3A_892, %sign3A_899 : i32
      %rem3A_901 = arith.remsi %mul3A_880, %jit3A_884 : i32
      %ne3A_902 = arith.constant 0 : i32
      %ne3A_903 = arith.cmpi ne, %rem3A_901, %ne3A_902 : i32
      %and3A_904 = arith.andi %ne3A_900, %ne3A_903 : i1
      %sub3A_905 = arith.constant 1 : i32
      %sub3A_906 = arith.subi %div3A_885, %sub3A_905 : i32
      %select_n3A_907 = arith.select %and3A_904, %sub3A_906, %div3A_885 : i32
      %jit3A_908 = arith.constant 128 : i32
      %eq3A_909 = arith.constant 0 : i32
      %eq3A_910 = arith.cmpi eq, %jit3A_908, %eq3A_909 : i32
      %jit3A_911 = arith.constant 1 : i32
      %select_n3A_912 = arith.select %eq3A_910, %jit3A_911, %jit3A_908 : i32
      %rem3A_913 = arith.remsi %mul3A_880, %select_n3A_912 : i32
      %ne3A_914 = arith.constant 0 : i32
      %ne3A_915 = arith.cmpi ne, %rem3A_913, %ne3A_914 : i32
      %lt3A_916 = arith.constant 0 : i32
      %lt3A_917 = arith.cmpi slt, %rem3A_913, %lt3A_916 : i32
      %lt3A_918 = arith.constant 0 : i32
      %lt3A_919 = arith.cmpi slt, %select_n3A_912, %lt3A_918 : i32
      %ne3A_920 = arith.xori %lt3A_917, %lt3A_919 : i1
      %and3A_921 = arith.andi %ne3A_920, %ne3A_915 : i1
      %add3A_922 = arith.addi %rem3A_913, %select_n3A_912 : i32
      %select_n3A_923 = arith.select %and3A_921, %add3A_922, %rem3A_913 : i32
      %swap3A_924 = arith.index_cast %select_n3A_907 : i32 to index
      %swap3A_925 = arith.index_cast %select_n3A_923 : i32 to index
      %swap3A_926 = tpu.vector_load %arg9[%swap3A_924, %swap3A_925] {strides = array<i32>} : memref<80x128xf32, #tpu.memory_space<vmem>>, vector<16xf32>,
      tpu.vector_store %arg9[%swap3A_924, %swap3A_925], %broadcast_in_dim3A_883 {strides = array<i32>} : memref<80x128xf32, #tpu.memory_space<vmem>>, vector<16xf32>,
    }
    %scan3A_49 = arith.constant 40 : i32
    %mul3A_50 = arith.constant 80 : i32
    %mul3A_51 = arith.muli %arg1, %mul3A_50 : i32
    "tpu.region"() ({
      %run_scoped3A = tpu.sem_alloc : memref<!tpu.dma_semaphore, #tpu.memory_space<semaphore_mem>>
      %dma_start3A = arith.constant 0 : i32
      %dma_start3A_58 = tpu.memref_slice %arg11[%mul3A_51, %dma_start3A] : memref<1280x128xf32, #tpu.memory_space<vmem_shared>> -> memref<80x128xf32, #tpu.memory_space<vmem_shared>>
      %dma_start3A_59 = arith.constant 0 : i32
      %dma_start3A_60 = tpu.memref_slice %arg11[%mul3A_51, %dma_start3A_59] : memref<1280x128xf32, #tpu.memory_space<vmem_shared>> -> memref<80x128xf32, #tpu.memory_space<vmem_shared>>
      tpu.enqueue_dma source(%arg9 : memref<80x128xf32, #tpu.memory_space<vmem>>) target(%dma_start3A_60 : memref<80x128xf32, #tpu.memory_space<vmem_shared>>) target_semaphore(%run_scoped3A : memref<!tpu.dma_semaphore, #tpu.memory_space<semaphore_mem>>)
      %dma_wait3A = arith.constant 0 : i32
      %dma_wait3A_61 = tpu.memref_slice %arg11[%mul3A_51, %dma_wait3A] : memref<1280x128xf32, #tpu.memory_space<vmem_shared>> -> memref<80x128xf32, #tpu.memory_space<vmem_shared>>
      %dma_wait3A_62 = arith.constant 0 : i32
      %dma_wait3A_63 = tpu.memref_slice %arg11[%mul3A_51, %dma_wait3A_62] : memref<1280x128xf32, #tpu.memory_space<vmem_shared>> -> memref<80x128xf32, #tpu.memory_space<vmem_shared>>
      tpu.wait_dma2 semaphore(%run_scoped3A : memref<!tpu.dma_semaphore, #tpu.memory_space<semaphore_mem>>) src(%arg9 : memref<80x128xf32, #tpu.memory_space<vmem>>) dst(%dma_wait3A_63 : memref<80x128xf32, #tpu.memory_space<vmem_shared>>)
      tpu.yield
    }) : () -> ()
    %barrier3A_52 = arith.constant 0 : index
    tpu.barrier barrier_id(%barrier3A_52)
    %eq3A_53 = arith.constant 0 : i32
    %eq3A_54 = arith.cmpi eq, %arg1, %eq3A_53 : i32
    %convert_element_type3A_55 = arith.extui %eq3A_54 : i1 to i32
    %cond3A_56 = arith.constant 0 : i32
    %cond3A_57 = arith.cmpi ne, %convert_element_type3A_55, %cond3A_56 : i32
    scf.if %cond3A_57 {
      "tpu.region"() ({
        %run_scoped3A = tpu.sem_alloc : memref<!tpu.dma_semaphore, #tpu.memory_space<semaphore_mem>>
        %dma_start3A = arith.constant 0 : i32
        %dma_start3A_58 = arith.constant 0 : i32
        %dma_start3A_59 = tpu.memref_slice %arg4[%arg0, %dma_start3A, %dma_start3A_58] : memref<2x1280x128xf32, #tpu.memory_space<hbm>> -> memref<1x1280x128xf32, #tpu.memory_space<hbm>>
        %dma_start3A_60 = tpu.memref_squeeze %dma_start3A_59 : memref<1x1280x128xf32, #tpu.memory_space<hbm>> -> memref<1280x128xf32, #tpu.memory_space<hbm>>
        tpu.enqueue_dma source(%arg11 : memref<1280x128xf32, #tpu.memory_space<vmem_shared>>) target(%dma_start3A_60 : memref<1280x128xf32, #tpu.memory_space<hbm>>) target_semaphore(%run_scoped3A : memref<!tpu.dma_semaphore, #tpu.memory_space<semaphore_mem>>)
        %dma_wait3A = arith.constant 0 : i32
        %dma_wait3A_61 = arith.constant 0 : i32
        %dma_wait3A_62 = tpu.memref_slice %arg4[%arg0, %dma_wait3A, %dma_wait3A_61] : memref<2x1280x128xf32, #tpu.memory_space<hbm>> -> memref<1x1280x128xf32, #tpu.memory_space<hbm>>
        %dma_wait3A_63 = tpu.memref_squeeze %dma_wait3A_62 : memref<1x1280x128xf32, #tpu.memory_space<hbm>> -> memref<1280x128xf32, #tpu.memory_space<hbm>>
        tpu.wait_dma2 semaphore(%run_scoped3A : memref<!tpu.dma_semaphore, #tpu.memory_space<semaphore_mem>>) src(%arg11 : memref<1280x128xf32, #tpu.memory_space<vmem_shared>>) dst(%dma_wait3A_63 : memref<1280x128xf32, #tpu.memory_space<hbm>>)
        tpu.yield
      }) : () -> ()
    } else {
    }
    return
  }
}

#map = affine_map<(d0, d1) -> (0, 0)>
#map1 = affine_map<(d0, d1) -> (0)>
#map2 = affine_map<(d0, d1) -> (0, 0, 0)>
module attributes {stable_mosaic.version = 14 : i64} {
  func.func @_scatter_call(%arg0: i32, %arg1: i32, %arg2: memref<10000x128xf32, #tpu.memory_space<hbm>>, %arg3: memref<320000xi32, #tpu.memory_space<hbm>>, %arg4: memref<32x125x80xi32, #tpu.memory_space<hbm>>, %arg5: memref<640x128xf32, #tpu.memory_space<hbm>>, %arg6: memref<2x10240x128xf32, #tpu.memory_space<hbm>>, %arg7: memref<4x80xi32, #tpu.memory_space<vmem>>, %arg8: memref<125x80xi32, #tpu.memory_space<vmem>>, %arg9: memref<2x80x128xf32, #tpu.memory_space<vmem>>, %arg10: memref<10240x128xf32, #tpu.memory_space<vmem_shared>>, %arg11: memref<!tpu.dma_semaphore, #tpu.memory_space<semaphore_mem>>, %arg12: memref<!tpu.dma_semaphore, #tpu.memory_space<semaphore_mem>>) attributes {dimension_semantics = [#tpu.dimension_semantics<core_parallel>, #tpu.dimension_semantics<subcore_parallel>], iteration_bounds = array<i64: 2, 16>, scalar_prefetch = 0 : i64, scratch_operands = 6 : i64, tpu.core_type = #tpu.core_type<sc_vector_subcore>, window_params = [{transform_indices = #map}, {transform_indices = #map1}, {transform_indices = #map2}, {transform_indices = #map}, {transform_indices = #map2}]} {
    %mul3A = arith.constant 16 : i32
    %mul3A_0 = arith.muli %arg0, %mul3A : i32
    %add3A = arith.addi %mul3A_0, %arg1 : i32
    %mul3A_1 = arith.constant 640 : i32
    %mul3A_2 = arith.muli %arg1, %mul3A_1 : i32
    "tpu.region"() ({
      %run_scoped3A_54 = tpu.sem_alloc : memref<!tpu.dma_semaphore, #tpu.memory_space<semaphore_mem>>
      %dma_start3A_55 = arith.constant 0 : i32
      %dma_start3A_56 = tpu.memref_slice %arg10[%mul3A_2, %dma_start3A_55] : memref<10240x128xf32, #tpu.memory_space<vmem_shared>> -> memref<640x128xf32, #tpu.memory_space<vmem_shared>>
      tpu.enqueue_dma source(%arg5 : memref<640x128xf32, #tpu.memory_space<hbm>>) target(%dma_start3A_56 : memref<640x128xf32, #tpu.memory_space<vmem_shared>>) target_semaphore(%run_scoped3A_54 : memref<!tpu.dma_semaphore, #tpu.memory_space<semaphore_mem>>)
      %dma_wait3A_57 = arith.constant 0 : i32
      %dma_wait3A_58 = tpu.memref_slice %arg10[%mul3A_2, %dma_wait3A_57] : memref<10240x128xf32, #tpu.memory_space<vmem_shared>> -> memref<640x128xf32, #tpu.memory_space<vmem_shared>>
      tpu.wait_dma2 semaphore(%run_scoped3A_54 : memref<!tpu.dma_semaphore, #tpu.memory_space<semaphore_mem>>) src(%arg5 : memref<640x128xf32, #tpu.memory_space<hbm>>) dst(%dma_wait3A_58 : memref<640x128xf32, #tpu.memory_space<vmem_shared>>)
      tpu.yield
    }) : () -> ()
    "tpu.region"() ({
      %run_scoped3A_54 = tpu.sem_alloc : memref<!tpu.dma_semaphore, #tpu.memory_space<semaphore_mem>>
      %dma_start3A_55 = arith.constant 0 : i32
      %dma_start3A_56 = arith.constant 0 : i32
      %dma_start3A_57 = tpu.memref_slice %arg4[%add3A, %dma_start3A_55, %dma_start3A_56] : memref<32x125x80xi32, #tpu.memory_space<hbm>> -> memref<1x125x80xi32, #tpu.memory_space<hbm>>
      %dma_start3A_58 = tpu.memref_squeeze %dma_start3A_57 : memref<1x125x80xi32, #tpu.memory_space<hbm>> -> memref<125x80xi32, #tpu.memory_space<hbm>>
      %dma_start3A_59 = arith.constant 0 : i32
      %dma_start3A_60 = arith.constant 0 : i32
      %dma_start3A_61 = tpu.memref_slice %arg4[%add3A, %dma_start3A_59, %dma_start3A_60] : memref<32x125x80xi32, #tpu.memory_space<hbm>> -> memref<1x125x80xi32, #tpu.memory_space<hbm>>
      %dma_start3A_62 = tpu.memref_squeeze %dma_start3A_61 : memref<1x125x80xi32, #tpu.memory_space<hbm>> -> memref<125x80xi32, #tpu.memory_space<hbm>>
      tpu.enqueue_dma source(%dma_start3A_62 : memref<125x80xi32, #tpu.memory_space<hbm>>) target(%arg8 : memref<125x80xi32, #tpu.memory_space<vmem>>) target_semaphore(%run_scoped3A_54 : memref<!tpu.dma_semaphore, #tpu.memory_space<semaphore_mem>>)
      %dma_wait3A_63 = arith.constant 0 : i32
      %dma_wait3A_64 = arith.constant 0 : i32
      %dma_wait3A_65 = tpu.memref_slice %arg4[%add3A, %dma_wait3A_63, %dma_wait3A_64] : memref<32x125x80xi32, #tpu.memory_space<hbm>> -> memref<1x125x80xi32, #tpu.memory_space<hbm>>
      %dma_wait3A_66 = tpu.memref_squeeze %dma_wait3A_65 : memref<1x125x80xi32, #tpu.memory_space<hbm>> -> memref<125x80xi32, #tpu.memory_space<hbm>>
      %dma_wait3A_67 = arith.constant 0 : i32
      %dma_wait3A_68 = arith.constant 0 : i32
      %dma_wait3A_69 = tpu.memref_slice %arg4[%add3A, %dma_wait3A_67, %dma_wait3A_68] : memref<32x125x80xi32, #tpu.memory_space<hbm>> -> memref<1x125x80xi32, #tpu.memory_space<hbm>>
      %dma_wait3A_70 = tpu.memref_squeeze %dma_wait3A_69 : memref<1x125x80xi32, #tpu.memory_space<hbm>> -> memref<125x80xi32, #tpu.memory_space<hbm>>
      tpu.wait_dma2 semaphore(%run_scoped3A_54 : memref<!tpu.dma_semaphore, #tpu.memory_space<semaphore_mem>>) src(%dma_wait3A_70 : memref<125x80xi32, #tpu.memory_space<hbm>>) dst(%arg8 : memref<125x80xi32, #tpu.memory_space<vmem>>)
      tpu.yield
    }) : () -> ()
    %mul3A_3 = arith.constant 10000 : i32
    %mul3A_4 = arith.muli %add3A, %mul3A_3 : i32
    %run_scoped3A = arith.constant 0 : i32
    "tpu.region"() ({
      %run_scoped3A_54 = tpu.sem_alloc : memref<!tpu.dma_semaphore, #tpu.memory_space<semaphore_mem>>
      %dma_start3A_55 = arith.constant 0 : i32
      %dma_start3A_56 = tpu.memref_slice %arg7[%run_scoped3A, %dma_start3A_55] : memref<4x80xi32, #tpu.memory_space<vmem>> -> memref<1x80xi32, #tpu.memory_space<vmem>>
      %dma_start3A_57 = tpu.memref_squeeze %dma_start3A_56 : memref<1x80xi32, #tpu.memory_space<vmem>> -> memref<80xi32, #tpu.memory_space<vmem>>
      %dma_start3A_58 = tpu.memref_slice %arg3[%mul3A_4] : memref<320000xi32, #tpu.memory_space<hbm>> -> memref<80xi32, #tpu.memory_space<hbm>>
      %dma_start3A_59 = arith.constant 0 : i32
      %dma_start3A_60 = tpu.memref_slice %arg7[%run_scoped3A, %dma_start3A_59] : memref<4x80xi32, #tpu.memory_space<vmem>> -> memref<1x80xi32, #tpu.memory_space<vmem>>
      %dma_start3A_61 = tpu.memref_squeeze %dma_start3A_60 : memref<1x80xi32, #tpu.memory_space<vmem>> -> memref<80xi32, #tpu.memory_space<vmem>>
      %dma_start3A_62 = tpu.memref_slice %arg3[%mul3A_4] : memref<320000xi32, #tpu.memory_space<hbm>> -> memref<80xi32, #tpu.memory_space<hbm>>
      tpu.enqueue_dma source(%dma_start3A_62 : memref<80xi32, #tpu.memory_space<hbm>>) target(%dma_start3A_61 : memref<80xi32, #tpu.memory_space<vmem>>) target_semaphore(%run_scoped3A_54 : memref<!tpu.dma_semaphore, #tpu.memory_space<semaphore_mem>>)
      %dma_wait3A_63 = arith.constant 0 : i32
      %dma_wait3A_64 = tpu.memref_slice %arg7[%run_scoped3A, %dma_wait3A_63] : memref<4x80xi32, #tpu.memory_space<vmem>> -> memref<1x80xi32, #tpu.memory_space<vmem>>
      %dma_wait3A_65 = tpu.memref_squeeze %dma_wait3A_64 : memref<1x80xi32, #tpu.memory_space<vmem>> -> memref<80xi32, #tpu.memory_space<vmem>>
      %dma_wait3A_66 = tpu.memref_slice %arg3[%mul3A_4] : memref<320000xi32, #tpu.memory_space<hbm>> -> memref<80xi32, #tpu.memory_space<hbm>>
      %dma_wait3A_67 = arith.constant 0 : i32
      %dma_wait3A_68 = tpu.memref_slice %arg7[%run_scoped3A, %dma_wait3A_67] : memref<4x80xi32, #tpu.memory_space<vmem>> -> memref<1x80xi32, #tpu.memory_space<vmem>>
      %dma_wait3A_69 = tpu.memref_squeeze %dma_wait3A_68 : memref<1x80xi32, #tpu.memory_space<vmem>> -> memref<80xi32, #tpu.memory_space<vmem>>
      %dma_wait3A_70 = tpu.memref_slice %arg3[%mul3A_4] : memref<320000xi32, #tpu.memory_space<hbm>> -> memref<80xi32, #tpu.memory_space<hbm>>
      tpu.wait_dma2 semaphore(%run_scoped3A_54 : memref<!tpu.dma_semaphore, #tpu.memory_space<semaphore_mem>>) src(%dma_wait3A_70 : memref<80xi32, #tpu.memory_space<hbm>>) dst(%dma_wait3A_69 : memref<80xi32, #tpu.memory_space<vmem>>)
      tpu.yield
    }) : () -> ()
    %add3A_5 = arith.constant 80 : i32
    %add3A_6 = arith.addi %mul3A_4, %add3A_5 : i32
    %run_scoped3A_7 = arith.constant 1 : i32
    "tpu.region"() ({
      %run_scoped3A_54 = tpu.sem_alloc : memref<!tpu.dma_semaphore, #tpu.memory_space<semaphore_mem>>
      %dma_start3A_55 = arith.constant 0 : i32
      %dma_start3A_56 = tpu.memref_slice %arg7[%run_scoped3A_7, %dma_start3A_55] : memref<4x80xi32, #tpu.memory_space<vmem>> -> memref<1x80xi32, #tpu.memory_space<vmem>>
      %dma_start3A_57 = tpu.memref_squeeze %dma_start3A_56 : memref<1x80xi32, #tpu.memory_space<vmem>> -> memref<80xi32, #tpu.memory_space<vmem>>
      %dma_start3A_58 = tpu.memref_slice %arg3[%add3A_6] : memref<320000xi32, #tpu.memory_space<hbm>> -> memref<80xi32, #tpu.memory_space<hbm>>
      %dma_start3A_59 = arith.constant 0 : i32
      %dma_start3A_60 = tpu.memref_slice %arg7[%run_scoped3A_7, %dma_start3A_59] : memref<4x80xi32, #tpu.memory_space<vmem>> -> memref<1x80xi32, #tpu.memory_space<vmem>>
      %dma_start3A_61 = tpu.memref_squeeze %dma_start3A_60 : memref<1x80xi32, #tpu.memory_space<vmem>> -> memref<80xi32, #tpu.memory_space<vmem>>
      %dma_start3A_62 = tpu.memref_slice %arg3[%add3A_6] : memref<320000xi32, #tpu.memory_space<hbm>> -> memref<80xi32, #tpu.memory_space<hbm>>
      tpu.enqueue_dma source(%dma_start3A_62 : memref<80xi32, #tpu.memory_space<hbm>>) target(%dma_start3A_61 : memref<80xi32, #tpu.memory_space<vmem>>) target_semaphore(%run_scoped3A_54 : memref<!tpu.dma_semaphore, #tpu.memory_space<semaphore_mem>>)
      %dma_wait3A_63 = arith.constant 0 : i32
      %dma_wait3A_64 = tpu.memref_slice %arg7[%run_scoped3A_7, %dma_wait3A_63] : memref<4x80xi32, #tpu.memory_space<vmem>> -> memref<1x80xi32, #tpu.memory_space<vmem>>
      %dma_wait3A_65 = tpu.memref_squeeze %dma_wait3A_64 : memref<1x80xi32, #tpu.memory_space<vmem>> -> memref<80xi32, #tpu.memory_space<vmem>>
      %dma_wait3A_66 = tpu.memref_slice %arg3[%add3A_6] : memref<320000xi32, #tpu.memory_space<hbm>> -> memref<80xi32, #tpu.memory_space<hbm>>
      %dma_wait3A_67 = arith.constant 0 : i32
      %dma_wait3A_68 = tpu.memref_slice %arg7[%run_scoped3A_7, %dma_wait3A_67] : memref<4x80xi32, #tpu.memory_space<vmem>> -> memref<1x80xi32, #tpu.memory_space<vmem>>
      %dma_wait3A_69 = tpu.memref_squeeze %dma_wait3A_68 : memref<1x80xi32, #tpu.memory_space<vmem>> -> memref<80xi32, #tpu.memory_space<vmem>>
      %dma_wait3A_70 = tpu.memref_slice %arg3[%add3A_6] : memref<320000xi32, #tpu.memory_space<hbm>> -> memref<80xi32, #tpu.memory_space<hbm>>
      tpu.wait_dma2 semaphore(%run_scoped3A_54 : memref<!tpu.dma_semaphore, #tpu.memory_space<semaphore_mem>>) src(%dma_wait3A_70 : memref<80xi32, #tpu.memory_space<hbm>>) dst(%dma_wait3A_69 : memref<80xi32, #tpu.memory_space<vmem>>)
      tpu.yield
    }) : () -> ()
    %barrier3A = arith.constant 0 : index
    tpu.barrier barrier_id(%barrier3A)
    %dma_start3A = arith.constant 0 : i32
    %dma_start3A_8 = arith.constant 0 : i32
    %dma_start3A_9 = arith.constant 0 : i32
    %dma_start3A_10 = arith.constant 0 : i32
    %dma_start3A_11 = tpu.memref_slice %arg9[%dma_start3A_8, %dma_start3A_9, %dma_start3A_10] : memref<2x80x128xf32, #tpu.memory_space<vmem>> -> memref<1x80x128xf32, #tpu.memory_space<vmem>>
    %dma_start3A_12 = tpu.memref_squeeze %dma_start3A_11 : memref<1x80x128xf32, #tpu.memory_space<vmem>> -> memref<80x128xf32, #tpu.memory_space<vmem>>
    %dma_start3A_13 = arith.constant 0 : i32
    %dma_start3A_14 = tpu.memref_slice %arg7[%dma_start3A, %dma_start3A_13] : memref<4x80xi32, #tpu.memory_space<vmem>> -> memref<1x80xi32, #tpu.memory_space<vmem>>
    %dma_start3A_15 = tpu.memref_squeeze %dma_start3A_14 : memref<1x80xi32, #tpu.memory_space<vmem>> -> memref<80xi32, #tpu.memory_space<vmem>>
    %dma_start3A_16 = arith.constant 0 : i32
    %dma_start3A_17 = arith.constant 0 : i32
    %dma_start3A_18 = tpu.memref_slice %arg2[%dma_start3A_16, %dma_start3A_17] : memref<10000x128xf32, #tpu.memory_space<hbm>> -> memref<10000x128xf32, #tpu.memory_space<hbm>>
    tpu.enqueue_indirect_dma source(%dma_start3A_18 : memref<10000x128xf32, #tpu.memory_space<hbm>>) target(%dma_start3A_12 : memref<80x128xf32, #tpu.memory_space<vmem>>) offsets(%dma_start3A_15 : memref<80xi32, #tpu.memory_space<vmem>>) semaphore(%arg11 : memref<!tpu.dma_semaphore, #tpu.memory_space<semaphore_mem>>)
    %dma_start3A_19 = arith.constant 1 : i32
    %dma_start3A_20 = arith.constant 1 : i32
    %dma_start3A_21 = arith.constant 0 : i32
    %dma_start3A_22 = arith.constant 0 : i32
    %dma_start3A_23 = tpu.memref_slice %arg9[%dma_start3A_20, %dma_start3A_21, %dma_start3A_22] : memref<2x80x128xf32, #tpu.memory_space<vmem>> -> memref<1x80x128xf32, #tpu.memory_space<vmem>>
    %dma_start3A_24 = tpu.memref_squeeze %dma_start3A_23 : memref<1x80x128xf32, #tpu.memory_space<vmem>> -> memref<80x128xf32, #tpu.memory_space<vmem>>
    %dma_start3A_25 = arith.constant 0 : i32
    %dma_start3A_26 = tpu.memref_slice %arg7[%dma_start3A_19, %dma_start3A_25] : memref<4x80xi32, #tpu.memory_space<vmem>> -> memref<1x80xi32, #tpu.memory_space<vmem>>
    %dma_start3A_27 = tpu.memref_squeeze %dma_start3A_26 : memref<1x80xi32, #tpu.memory_space<vmem>> -> memref<80xi32, #tpu.memory_space<vmem>>
    %dma_start3A_28 = arith.constant 0 : i32
    %dma_start3A_29 = arith.constant 0 : i32
    %dma_start3A_30 = tpu.memref_slice %arg2[%dma_start3A_28, %dma_start3A_29] : memref<10000x128xf32, #tpu.memory_space<hbm>> -> memref<10000x128xf32, #tpu.memory_space<hbm>>
    tpu.enqueue_indirect_dma source(%dma_start3A_30 : memref<10000x128xf32, #tpu.memory_space<hbm>>) target(%dma_start3A_24 : memref<80x128xf32, #tpu.memory_space<vmem>>) offsets(%dma_start3A_27 : memref<80xi32, #tpu.memory_space<vmem>>) semaphore(%arg12 : memref<!tpu.dma_semaphore, #tpu.memory_space<semaphore_mem>>)
    %scan3A = arith.constant 0 : i32
    %scan3A_31 = arith.constant 0 : i32
    %scan3A_32 = arith.constant 31 : i32
    %scan3A_33 = arith.addi %scan3A_31, %scan3A_32 : i32
    %scan3A_34 = arith.constant 1 : i32
    scf.for %scan3A_54 = %scan3A_31 to %scan3A_33 step %scan3A_34  : i32 {
      %mul3A_55 = arith.constant 4 : i32
      %mul3A_56 = arith.muli %scan3A_54, %mul3A_55 : i32
      %add3A_57 = arith.constant 0 : i32
      %add3A_58 = arith.addi %mul3A_56, %add3A_57 : i32
      %add3A_59 = arith.constant 2 : i32
      %add3A_60 = arith.addi %add3A_58, %add3A_59 : i32
      %lt3A = arith.constant 125 : i32
      %lt3A_61 = arith.cmpi slt, %add3A_60, %lt3A : i32
      %convert_element_type3A = arith.extui %lt3A_61 : i1 to i32
      %cond3A = arith.constant 0 : i32
      %cond3A_62 = arith.cmpi ne, %convert_element_type3A, %cond3A : i32
      scf.if %cond3A_62 {
        %add3A_176 = arith.constant 2 : i32
        %add3A_177 = arith.addi %add3A_58, %add3A_176 : i32
        %mul3A_178 = arith.constant 80 : i32
        %mul3A_179 = arith.muli %add3A_177, %mul3A_178 : i32
        %add3A_180 = arith.addi %mul3A_4, %mul3A_179 : i32
        %run_scoped3A_181 = arith.constant 2 : i32
        "tpu.region"() ({
          %run_scoped3A_182 = tpu.sem_alloc : memref<!tpu.dma_semaphore, #tpu.memory_space<semaphore_mem>>
          %dma_start3A_183 = arith.constant 0 : i32
          %dma_start3A_184 = tpu.memref_slice %arg7[%run_scoped3A_181, %dma_start3A_183] : memref<4x80xi32, #tpu.memory_space<vmem>> -> memref<1x80xi32, #tpu.memory_space<vmem>>
          %dma_start3A_185 = tpu.memref_squeeze %dma_start3A_184 : memref<1x80xi32, #tpu.memory_space<vmem>> -> memref<80xi32, #tpu.memory_space<vmem>>
          %dma_start3A_186 = tpu.memref_slice %arg3[%add3A_180] : memref<320000xi32, #tpu.memory_space<hbm>> -> memref<80xi32, #tpu.memory_space<hbm>>
          %dma_start3A_187 = arith.constant 0 : i32
          %dma_start3A_188 = tpu.memref_slice %arg7[%run_scoped3A_181, %dma_start3A_187] : memref<4x80xi32, #tpu.memory_space<vmem>> -> memref<1x80xi32, #tpu.memory_space<vmem>>
          %dma_start3A_189 = tpu.memref_squeeze %dma_start3A_188 : memref<1x80xi32, #tpu.memory_space<vmem>> -> memref<80xi32, #tpu.memory_space<vmem>>
          %dma_start3A_190 = tpu.memref_slice %arg3[%add3A_180] : memref<320000xi32, #tpu.memory_space<hbm>> -> memref<80xi32, #tpu.memory_space<hbm>>
          tpu.enqueue_dma source(%dma_start3A_190 : memref<80xi32, #tpu.memory_space<hbm>>) target(%dma_start3A_189 : memref<80xi32, #tpu.memory_space<vmem>>) target_semaphore(%run_scoped3A_182 : memref<!tpu.dma_semaphore, #tpu.memory_space<semaphore_mem>>)
          %dma_wait3A_191 = arith.constant 0 : i32
          %dma_wait3A_192 = tpu.memref_slice %arg7[%run_scoped3A_181, %dma_wait3A_191] : memref<4x80xi32, #tpu.memory_space<vmem>> -> memref<1x80xi32, #tpu.memory_space<vmem>>
          %dma_wait3A_193 = tpu.memref_squeeze %dma_wait3A_192 : memref<1x80xi32, #tpu.memory_space<vmem>> -> memref<80xi32, #tpu.memory_space<vmem>>
          %dma_wait3A_194 = tpu.memref_slice %arg3[%add3A_180] : memref<320000xi32, #tpu.memory_space<hbm>> -> memref<80xi32, #tpu.memory_space<hbm>>
          %dma_wait3A_195 = arith.constant 0 : i32
          %dma_wait3A_196 = tpu.memref_slice %arg7[%run_scoped3A_181, %dma_wait3A_195] : memref<4x80xi32, #tpu.memory_space<vmem>> -> memref<1x80xi32, #tpu.memory_space<vmem>>
          %dma_wait3A_197 = tpu.memref_squeeze %dma_wait3A_196 : memref<1x80xi32, #tpu.memory_space<vmem>> -> memref<80xi32, #tpu.memory_space<vmem>>
          %dma_wait3A_198 = tpu.memref_slice %arg3[%add3A_180] : memref<320000xi32, #tpu.memory_space<hbm>> -> memref<80xi32, #tpu.memory_space<hbm>>
          tpu.wait_dma2 semaphore(%run_scoped3A_182 : memref<!tpu.dma_semaphore, #tpu.memory_space<semaphore_mem>>) src(%dma_wait3A_198 : memref<80xi32, #tpu.memory_space<hbm>>) dst(%dma_wait3A_197 : memref<80xi32, #tpu.memory_space<vmem>>)
          tpu.yield
        }) : () -> ()
      } else {
      }
      %dma_wait3A_63 = arith.constant 0 : i32
      %dma_wait3A_64 = arith.constant 0 : i32
      %dma_wait3A_65 = arith.constant 0 : i32
      %dma_wait3A_66 = arith.constant 0 : i32
      %dma_wait3A_67 = tpu.memref_slice %arg9[%dma_wait3A_64, %dma_wait3A_65, %dma_wait3A_66] : memref<2x80x128xf32, #tpu.memory_space<vmem>> -> memref<1x80x128xf32, #tpu.memory_space<vmem>>
      %dma_wait3A_68 = tpu.memref_squeeze %dma_wait3A_67 : memref<1x80x128xf32, #tpu.memory_space<vmem>> -> memref<80x128xf32, #tpu.memory_space<vmem>>
      %dma_wait3A_69 = arith.constant 0 : i32
      %dma_wait3A_70 = tpu.memref_slice %arg7[%dma_wait3A_63, %dma_wait3A_69] : memref<4x80xi32, #tpu.memory_space<vmem>> -> memref<1x80xi32, #tpu.memory_space<vmem>>
      %dma_wait3A_71 = tpu.memref_squeeze %dma_wait3A_70 : memref<1x80xi32, #tpu.memory_space<vmem>> -> memref<80xi32, #tpu.memory_space<vmem>>
      %dma_wait3A_72 = arith.constant 0 : i32
      %dma_wait3A_73 = arith.constant 0 : i32
      %dma_wait3A_74 = tpu.memref_slice %arg2[%dma_wait3A_72, %dma_wait3A_73] : memref<10000x128xf32, #tpu.memory_space<hbm>> -> memref<10000x128xf32, #tpu.memory_space<hbm>>
      tpu.wait_indirect_dma semaphore(%arg11 : memref<!tpu.dma_semaphore, #tpu.memory_space<semaphore_mem>>) src(%dma_wait3A_74 : memref<10000x128xf32, #tpu.memory_space<hbm>>) dst(%dma_wait3A_68 : memref<80x128xf32, #tpu.memory_space<vmem>>)
      %run_scoped3A_75 = arith.constant 0 : i32
      "tpu.region"() ({
        %run_scoped3A_176 = tpu.sem_alloc : memref<!tpu.dma_semaphore, #tpu.memory_space<semaphore_mem>>
        %dma_start3A_177 = arith.constant 0 : i32
        %dma_start3A_178 = arith.constant 0 : i32
        %dma_start3A_179 = tpu.memref_slice %arg9[%run_scoped3A_75, %dma_start3A_177, %dma_start3A_178] : memref<2x80x128xf32, #tpu.memory_space<vmem>> -> memref<1x80x128xf32, #tpu.memory_space<vmem>>
        %dma_start3A_180 = tpu.memref_squeeze %dma_start3A_179 : memref<1x80x128xf32, #tpu.memory_space<vmem>> -> memref<80x128xf32, #tpu.memory_space<vmem>>
        %dma_start3A_181 = arith.constant 0 : i32
        %dma_start3A_182 = tpu.memref_slice %arg8[%add3A_58, %dma_start3A_181] : memref<125x80xi32, #tpu.memory_space<vmem>> -> memref<1x80xi32, #tpu.memory_space<vmem>>
        %dma_start3A_183 = tpu.memref_squeeze %dma_start3A_182 : memref<1x80xi32, #tpu.memory_space<vmem>> -> memref<80xi32, #tpu.memory_space<vmem>>
        %dma_start3A_184 = arith.constant 0 : i32
        %dma_start3A_185 = arith.constant 0 : i32
        %dma_start3A_186 = tpu.memref_slice %arg10[%dma_start3A_184, %dma_start3A_185] : memref<10240x128xf32, #tpu.memory_space<vmem_shared>> -> memref<10240x128xf32, #tpu.memory_space<vmem_shared>>
        tpu.enqueue_indirect_dma source(%dma_start3A_180 : memref<80x128xf32, #tpu.memory_space<vmem>>) target(%dma_start3A_186 : memref<10240x128xf32, #tpu.memory_space<vmem_shared>>) offsets(%dma_start3A_183 : memref<80xi32, #tpu.memory_space<vmem>>) semaphore(%run_scoped3A_176 : memref<!tpu.dma_semaphore, #tpu.memory_space<semaphore_mem>>) {add = true}
        %dma_wait3A_187 = arith.constant 0 : i32
        %dma_wait3A_188 = arith.constant 0 : i32
        %dma_wait3A_189 = tpu.memref_slice %arg9[%run_scoped3A_75, %dma_wait3A_187, %dma_wait3A_188] : memref<2x80x128xf32, #tpu.memory_space<vmem>> -> memref<1x80x128xf32, #tpu.memory_space<vmem>>
        %dma_wait3A_190 = tpu.memref_squeeze %dma_wait3A_189 : memref<1x80x128xf32, #tpu.memory_space<vmem>> -> memref<80x128xf32, #tpu.memory_space<vmem>>
        %dma_wait3A_191 = arith.constant 0 : i32
        %dma_wait3A_192 = tpu.memref_slice %arg8[%add3A_58, %dma_wait3A_191] : memref<125x80xi32, #tpu.memory_space<vmem>> -> memref<1x80xi32, #tpu.memory_space<vmem>>
        %dma_wait3A_193 = tpu.memref_squeeze %dma_wait3A_192 : memref<1x80xi32, #tpu.memory_space<vmem>> -> memref<80xi32, #tpu.memory_space<vmem>>
        %dma_wait3A_194 = arith.constant 0 : i32
        %dma_wait3A_195 = arith.constant 0 : i32
        %dma_wait3A_196 = tpu.memref_slice %arg10[%dma_wait3A_194, %dma_wait3A_195] : memref<10240x128xf32, #tpu.memory_space<vmem_shared>> -> memref<10240x128xf32, #tpu.memory_space<vmem_shared>>
        tpu.wait_indirect_dma semaphore(%run_scoped3A_176 : memref<!tpu.dma_semaphore, #tpu.memory_space<semaphore_mem>>) src(%dma_wait3A_190 : memref<80x128xf32, #tpu.memory_space<vmem>>) dst(%dma_wait3A_196 : memref<10240x128xf32, #tpu.memory_space<vmem_shared>>)
        tpu.yield
      }) : () -> ()
      %add3A_76 = arith.constant 2 : i32
      %add3A_77 = arith.addi %add3A_58, %add3A_76 : i32
      %lt3A_78 = arith.constant 125 : i32
      %lt3A_79 = arith.cmpi slt, %add3A_77, %lt3A_78 : i32
      %convert_element_type3A_80 = arith.extui %lt3A_79 : i1 to i32
      %cond3A_81 = arith.constant 0 : i32
      %cond3A_82 = arith.cmpi ne, %convert_element_type3A_80, %cond3A_81 : i32
      scf.if %cond3A_82 {
        %dma_start3A_176 = arith.constant 2 : i32
        %dma_start3A_177 = arith.constant 0 : i32
        %dma_start3A_178 = arith.constant 0 : i32
        %dma_start3A_179 = arith.constant 0 : i32
        %dma_start3A_180 = tpu.memref_slice %arg9[%dma_start3A_177, %dma_start3A_178, %dma_start3A_179] : memref<2x80x128xf32, #tpu.memory_space<vmem>> -> memref<1x80x128xf32, #tpu.memory_space<vmem>>
        %dma_start3A_181 = tpu.memref_squeeze %dma_start3A_180 : memref<1x80x128xf32, #tpu.memory_space<vmem>> -> memref<80x128xf32, #tpu.memory_space<vmem>>
        %dma_start3A_182 = arith.constant 0 : i32
        %dma_start3A_183 = tpu.memref_slice %arg7[%dma_start3A_176, %dma_start3A_182] : memref<4x80xi32, #tpu.memory_space<vmem>> -> memref<1x80xi32, #tpu.memory_space<vmem>>
        %dma_start3A_184 = tpu.memref_squeeze %dma_start3A_183 : memref<1x80xi32, #tpu.memory_space<vmem>> -> memref<80xi32, #tpu.memory_space<vmem>>
        %dma_start3A_185 = arith.constant 0 : i32
        %dma_start3A_186 = arith.constant 0 : i32
        %dma_start3A_187 = tpu.memref_slice %arg2[%dma_start3A_185, %dma_start3A_186] : memref<10000x128xf32, #tpu.memory_space<hbm>> -> memref<10000x128xf32, #tpu.memory_space<hbm>>
        tpu.enqueue_indirect_dma source(%dma_start3A_187 : memref<10000x128xf32, #tpu.memory_space<hbm>>) target(%dma_start3A_181 : memref<80x128xf32, #tpu.memory_space<vmem>>) offsets(%dma_start3A_184 : memref<80xi32, #tpu.memory_space<vmem>>) semaphore(%arg11 : memref<!tpu.dma_semaphore, #tpu.memory_space<semaphore_mem>>)
      } else {
      }
      %mul3A_83 = arith.constant 4 : i32
      %mul3A_84 = arith.muli %scan3A_54, %mul3A_83 : i32
      %add3A_85 = arith.constant 1 : i32
      %add3A_86 = arith.addi %mul3A_84, %add3A_85 : i32
      %add3A_87 = arith.constant 2 : i32
      %add3A_88 = arith.addi %add3A_86, %add3A_87 : i32
      %lt3A_89 = arith.constant 125 : i32
      %lt3A_90 = arith.cmpi slt, %add3A_88, %lt3A_89 : i32
      %convert_element_type3A_91 = arith.extui %lt3A_90 : i1 to i32
      %cond3A_92 = arith.constant 0 : i32
      %cond3A_93 = arith.cmpi ne, %convert_element_type3A_91, %cond3A_92 : i32
      scf.if %cond3A_93 {
        %add3A_176 = arith.constant 2 : i32
        %add3A_177 = arith.addi %add3A_86, %add3A_176 : i32
        %mul3A_178 = arith.constant 80 : i32
        %mul3A_179 = arith.muli %add3A_177, %mul3A_178 : i32
        %add3A_180 = arith.addi %mul3A_4, %mul3A_179 : i32
        %run_scoped3A_181 = arith.constant 3 : i32
        "tpu.region"() ({
          %run_scoped3A_182 = tpu.sem_alloc : memref<!tpu.dma_semaphore, #tpu.memory_space<semaphore_mem>>
          %dma_start3A_183 = arith.constant 0 : i32
          %dma_start3A_184 = tpu.memref_slice %arg7[%run_scoped3A_181, %dma_start3A_183] : memref<4x80xi32, #tpu.memory_space<vmem>> -> memref<1x80xi32, #tpu.memory_space<vmem>>
          %dma_start3A_185 = tpu.memref_squeeze %dma_start3A_184 : memref<1x80xi32, #tpu.memory_space<vmem>> -> memref<80xi32, #tpu.memory_space<vmem>>
          %dma_start3A_186 = tpu.memref_slice %arg3[%add3A_180] : memref<320000xi32, #tpu.memory_space<hbm>> -> memref<80xi32, #tpu.memory_space<hbm>>
          %dma_start3A_187 = arith.constant 0 : i32
          %dma_start3A_188 = tpu.memref_slice %arg7[%run_scoped3A_181, %dma_start3A_187] : memref<4x80xi32, #tpu.memory_space<vmem>> -> memref<1x80xi32, #tpu.memory_space<vmem>>
          %dma_start3A_189 = tpu.memref_squeeze %dma_start3A_188 : memref<1x80xi32, #tpu.memory_space<vmem>> -> memref<80xi32, #tpu.memory_space<vmem>>
          %dma_start3A_190 = tpu.memref_slice %arg3[%add3A_180] : memref<320000xi32, #tpu.memory_space<hbm>> -> memref<80xi32, #tpu.memory_space<hbm>>
          tpu.enqueue_dma source(%dma_start3A_190 : memref<80xi32, #tpu.memory_space<hbm>>) target(%dma_start3A_189 : memref<80xi32, #tpu.memory_space<vmem>>) target_semaphore(%run_scoped3A_182 : memref<!tpu.dma_semaphore, #tpu.memory_space<semaphore_mem>>)
          %dma_wait3A_191 = arith.constant 0 : i32
          %dma_wait3A_192 = tpu.memref_slice %arg7[%run_scoped3A_181, %dma_wait3A_191] : memref<4x80xi32, #tpu.memory_space<vmem>> -> memref<1x80xi32, #tpu.memory_space<vmem>>
          %dma_wait3A_193 = tpu.memref_squeeze %dma_wait3A_192 : memref<1x80xi32, #tpu.memory_space<vmem>> -> memref<80xi32, #tpu.memory_space<vmem>>
          %dma_wait3A_194 = tpu.memref_slice %arg3[%add3A_180] : memref<320000xi32, #tpu.memory_space<hbm>> -> memref<80xi32, #tpu.memory_space<hbm>>
          %dma_wait3A_195 = arith.constant 0 : i32
          %dma_wait3A_196 = tpu.memref_slice %arg7[%run_scoped3A_181, %dma_wait3A_195] : memref<4x80xi32, #tpu.memory_space<vmem>> -> memref<1x80xi32, #tpu.memory_space<vmem>>
          %dma_wait3A_197 = tpu.memref_squeeze %dma_wait3A_196 : memref<1x80xi32, #tpu.memory_space<vmem>> -> memref<80xi32, #tpu.memory_space<vmem>>
          %dma_wait3A_198 = tpu.memref_slice %arg3[%add3A_180] : memref<320000xi32, #tpu.memory_space<hbm>> -> memref<80xi32, #tpu.memory_space<hbm>>
          tpu.wait_dma2 semaphore(%run_scoped3A_182 : memref<!tpu.dma_semaphore, #tpu.memory_space<semaphore_mem>>) src(%dma_wait3A_198 : memref<80xi32, #tpu.memory_space<hbm>>) dst(%dma_wait3A_197 : memref<80xi32, #tpu.memory_space<vmem>>)
          tpu.yield
        }) : () -> ()
      } else {
      }
      %dma_wait3A_94 = arith.constant 0 : i32
      %dma_wait3A_95 = arith.constant 1 : i32
      %dma_wait3A_96 = arith.constant 0 : i32
      %dma_wait3A_97 = arith.constant 0 : i32
      %dma_wait3A_98 = tpu.memref_slice %arg9[%dma_wait3A_95, %dma_wait3A_96, %dma_wait3A_97] : memref<2x80x128xf32, #tpu.memory_space<vmem>> -> memref<1x80x128xf32, #tpu.memory_space<vmem>>
      %dma_wait3A_99 = tpu.memref_squeeze %dma_wait3A_98 : memref<1x80x128xf32, #tpu.memory_space<vmem>> -> memref<80x128xf32, #tpu.memory_space<vmem>>
      %dma_wait3A_100 = arith.constant 0 : i32
      %dma_wait3A_101 = tpu.memref_slice %arg7[%dma_wait3A_94, %dma_wait3A_100] : memref<4x80xi32, #tpu.memory_space<vmem>> -> memref<1x80xi32, #tpu.memory_space<vmem>>
      %dma_wait3A_102 = tpu.memref_squeeze %dma_wait3A_101 : memref<1x80xi32, #tpu.memory_space<vmem>> -> memref<80xi32, #tpu.memory_space<vmem>>
      %dma_wait3A_103 = arith.constant 0 : i32
      %dma_wait3A_104 = arith.constant 0 : i32
      %dma_wait3A_105 = tpu.memref_slice %arg2[%dma_wait3A_103, %dma_wait3A_104] : memref<10000x128xf32, #tpu.memory_space<hbm>> -> memref<10000x128xf32, #tpu.memory_space<hbm>>
      tpu.wait_indirect_dma semaphore(%arg12 : memref<!tpu.dma_semaphore, #tpu.memory_space<semaphore_mem>>) src(%dma_wait3A_105 : memref<10000x128xf32, #tpu.memory_space<hbm>>) dst(%dma_wait3A_99 : memref<80x128xf32, #tpu.memory_space<vmem>>)
      %run_scoped3A_106 = arith.constant 1 : i32
      "tpu.region"() ({
        %run_scoped3A_176 = tpu.sem_alloc : memref<!tpu.dma_semaphore, #tpu.memory_space<semaphore_mem>>
        %dma_start3A_177 = arith.constant 0 : i32
        %dma_start3A_178 = arith.constant 0 : i32
        %dma_start3A_179 = tpu.memref_slice %arg9[%run_scoped3A_106, %dma_start3A_177, %dma_start3A_178] : memref<2x80x128xf32, #tpu.memory_space<vmem>> -> memref<1x80x128xf32, #tpu.memory_space<vmem>>
        %dma_start3A_180 = tpu.memref_squeeze %dma_start3A_179 : memref<1x80x128xf32, #tpu.memory_space<vmem>> -> memref<80x128xf32, #tpu.memory_space<vmem>>
        %dma_start3A_181 = arith.constant 0 : i32
        %dma_start3A_182 = tpu.memref_slice %arg8[%add3A_86, %dma_start3A_181] : memref<125x80xi32, #tpu.memory_space<vmem>> -> memref<1x80xi32, #tpu.memory_space<vmem>>
        %dma_start3A_183 = tpu.memref_squeeze %dma_start3A_182 : memref<1x80xi32, #tpu.memory_space<vmem>> -> memref<80xi32, #tpu.memory_space<vmem>>
        %dma_start3A_184 = arith.constant 0 : i32
        %dma_start3A_185 = arith.constant 0 : i32
        %dma_start3A_186 = tpu.memref_slice %arg10[%dma_start3A_184, %dma_start3A_185] : memref<10240x128xf32, #tpu.memory_space<vmem_shared>> -> memref<10240x128xf32, #tpu.memory_space<vmem_shared>>
        tpu.enqueue_indirect_dma source(%dma_start3A_180 : memref<80x128xf32, #tpu.memory_space<vmem>>) target(%dma_start3A_186 : memref<10240x128xf32, #tpu.memory_space<vmem_shared>>) offsets(%dma_start3A_183 : memref<80xi32, #tpu.memory_space<vmem>>) semaphore(%run_scoped3A_176 : memref<!tpu.dma_semaphore, #tpu.memory_space<semaphore_mem>>) {add = true}
        %dma_wait3A_187 = arith.constant 0 : i32
        %dma_wait3A_188 = arith.constant 0 : i32
        %dma_wait3A_189 = tpu.memref_slice %arg9[%run_scoped3A_106, %dma_wait3A_187, %dma_wait3A_188] : memref<2x80x128xf32, #tpu.memory_space<vmem>> -> memref<1x80x128xf32, #tpu.memory_space<vmem>>
        %dma_wait3A_190 = tpu.memref_squeeze %dma_wait3A_189 : memref<1x80x128xf32, #tpu.memory_space<vmem>> -> memref<80x128xf32, #tpu.memory_space<vmem>>
        %dma_wait3A_191 = arith.constant 0 : i32
        %dma_wait3A_192 = tpu.memref_slice %arg8[%add3A_86, %dma_wait3A_191] : memref<125x80xi32, #tpu.memory_space<vmem>> -> memref<1x80xi32, #tpu.memory_space<vmem>>
        %dma_wait3A_193 = tpu.memref_squeeze %dma_wait3A_192 : memref<1x80xi32, #tpu.memory_space<vmem>> -> memref<80xi32, #tpu.memory_space<vmem>>
        %dma_wait3A_194 = arith.constant 0 : i32
        %dma_wait3A_195 = arith.constant 0 : i32
        %dma_wait3A_196 = tpu.memref_slice %arg10[%dma_wait3A_194, %dma_wait3A_195] : memref<10240x128xf32, #tpu.memory_space<vmem_shared>> -> memref<10240x128xf32, #tpu.memory_space<vmem_shared>>
        tpu.wait_indirect_dma semaphore(%run_scoped3A_176 : memref<!tpu.dma_semaphore, #tpu.memory_space<semaphore_mem>>) src(%dma_wait3A_190 : memref<80x128xf32, #tpu.memory_space<vmem>>) dst(%dma_wait3A_196 : memref<10240x128xf32, #tpu.memory_space<vmem_shared>>)
        tpu.yield
      }) : () -> ()
      %add3A_107 = arith.constant 2 : i32
      %add3A_108 = arith.addi %add3A_86, %add3A_107 : i32
      %lt3A_109 = arith.constant 125 : i32
      %lt3A_110 = arith.cmpi slt, %add3A_108, %lt3A_109 : i32
      %convert_element_type3A_111 = arith.extui %lt3A_110 : i1 to i32
      %cond3A_112 = arith.constant 0 : i32
      %cond3A_113 = arith.cmpi ne, %convert_element_type3A_111, %cond3A_112 : i32
      scf.if %cond3A_113 {
        %dma_start3A_176 = arith.constant 3 : i32
        %dma_start3A_177 = arith.constant 1 : i32
        %dma_start3A_178 = arith.constant 0 : i32
        %dma_start3A_179 = arith.constant 0 : i32
        %dma_start3A_180 = tpu.memref_slice %arg9[%dma_start3A_177, %dma_start3A_178, %dma_start3A_179] : memref<2x80x128xf32, #tpu.memory_space<vmem>> -> memref<1x80x128xf32, #tpu.memory_space<vmem>>
        %dma_start3A_181 = tpu.memref_squeeze %dma_start3A_180 : memref<1x80x128xf32, #tpu.memory_space<vmem>> -> memref<80x128xf32, #tpu.memory_space<vmem>>
        %dma_start3A_182 = arith.constant 0 : i32
        %dma_start3A_183 = tpu.memref_slice %arg7[%dma_start3A_176, %dma_start3A_182] : memref<4x80xi32, #tpu.memory_space<vmem>> -> memref<1x80xi32, #tpu.memory_space<vmem>>
        %dma_start3A_184 = tpu.memref_squeeze %dma_start3A_183 : memref<1x80xi32, #tpu.memory_space<vmem>> -> memref<80xi32, #tpu.memory_space<vmem>>
        %dma_start3A_185 = arith.constant 0 : i32
        %dma_start3A_186 = arith.constant 0 : i32
        %dma_start3A_187 = tpu.memref_slice %arg2[%dma_start3A_185, %dma_start3A_186] : memref<10000x128xf32, #tpu.memory_space<hbm>> -> memref<10000x128xf32, #tpu.memory_space<hbm>>
        tpu.enqueue_indirect_dma source(%dma_start3A_187 : memref<10000x128xf32, #tpu.memory_space<hbm>>) target(%dma_start3A_181 : memref<80x128xf32, #tpu.memory_space<vmem>>) offsets(%dma_start3A_184 : memref<80xi32, #tpu.memory_space<vmem>>) semaphore(%arg12 : memref<!tpu.dma_semaphore, #tpu.memory_space<semaphore_mem>>)
      } else {
      }
      %mul3A_114 = arith.constant 4 : i32
      %mul3A_115 = arith.muli %scan3A_54, %mul3A_114 : i32
      %add3A_116 = arith.constant 2 : i32
      %add3A_117 = arith.addi %mul3A_115, %add3A_116 : i32
      %add3A_118 = arith.constant 2 : i32
      %add3A_119 = arith.addi %add3A_117, %add3A_118 : i32
      %lt3A_120 = arith.constant 125 : i32
      %lt3A_121 = arith.cmpi slt, %add3A_119, %lt3A_120 : i32
      %convert_element_type3A_122 = arith.extui %lt3A_121 : i1 to i32
      %cond3A_123 = arith.constant 0 : i32
      %cond3A_124 = arith.cmpi ne, %convert_element_type3A_122, %cond3A_123 : i32
      scf.if %cond3A_124 {
        %add3A_176 = arith.constant 2 : i32
        %add3A_177 = arith.addi %add3A_117, %add3A_176 : i32
        %mul3A_178 = arith.constant 80 : i32
        %mul3A_179 = arith.muli %add3A_177, %mul3A_178 : i32
        %add3A_180 = arith.addi %mul3A_4, %mul3A_179 : i32
        %run_scoped3A_181 = arith.constant 0 : i32
        "tpu.region"() ({
          %run_scoped3A_182 = tpu.sem_alloc : memref<!tpu.dma_semaphore, #tpu.memory_space<semaphore_mem>>
          %dma_start3A_183 = arith.constant 0 : i32
          %dma_start3A_184 = tpu.memref_slice %arg7[%run_scoped3A_181, %dma_start3A_183] : memref<4x80xi32, #tpu.memory_space<vmem>> -> memref<1x80xi32, #tpu.memory_space<vmem>>
          %dma_start3A_185 = tpu.memref_squeeze %dma_start3A_184 : memref<1x80xi32, #tpu.memory_space<vmem>> -> memref<80xi32, #tpu.memory_space<vmem>>
          %dma_start3A_186 = tpu.memref_slice %arg3[%add3A_180] : memref<320000xi32, #tpu.memory_space<hbm>> -> memref<80xi32, #tpu.memory_space<hbm>>
          %dma_start3A_187 = arith.constant 0 : i32
          %dma_start3A_188 = tpu.memref_slice %arg7[%run_scoped3A_181, %dma_start3A_187] : memref<4x80xi32, #tpu.memory_space<vmem>> -> memref<1x80xi32, #tpu.memory_space<vmem>>
          %dma_start3A_189 = tpu.memref_squeeze %dma_start3A_188 : memref<1x80xi32, #tpu.memory_space<vmem>> -> memref<80xi32, #tpu.memory_space<vmem>>
          %dma_start3A_190 = tpu.memref_slice %arg3[%add3A_180] : memref<320000xi32, #tpu.memory_space<hbm>> -> memref<80xi32, #tpu.memory_space<hbm>>
          tpu.enqueue_dma source(%dma_start3A_190 : memref<80xi32, #tpu.memory_space<hbm>>) target(%dma_start3A_189 : memref<80xi32, #tpu.memory_space<vmem>>) target_semaphore(%run_scoped3A_182 : memref<!tpu.dma_semaphore, #tpu.memory_space<semaphore_mem>>)
          %dma_wait3A_191 = arith.constant 0 : i32
          %dma_wait3A_192 = tpu.memref_slice %arg7[%run_scoped3A_181, %dma_wait3A_191] : memref<4x80xi32, #tpu.memory_space<vmem>> -> memref<1x80xi32, #tpu.memory_space<vmem>>
          %dma_wait3A_193 = tpu.memref_squeeze %dma_wait3A_192 : memref<1x80xi32, #tpu.memory_space<vmem>> -> memref<80xi32, #tpu.memory_space<vmem>>
          %dma_wait3A_194 = tpu.memref_slice %arg3[%add3A_180] : memref<320000xi32, #tpu.memory_space<hbm>> -> memref<80xi32, #tpu.memory_space<hbm>>
          %dma_wait3A_195 = arith.constant 0 : i32
          %dma_wait3A_196 = tpu.memref_slice %arg7[%run_scoped3A_181, %dma_wait3A_195] : memref<4x80xi32, #tpu.memory_space<vmem>> -> memref<1x80xi32, #tpu.memory_space<vmem>>
          %dma_wait3A_197 = tpu.memref_squeeze %dma_wait3A_196 : memref<1x80xi32, #tpu.memory_space<vmem>> -> memref<80xi32, #tpu.memory_space<vmem>>
          %dma_wait3A_198 = tpu.memref_slice %arg3[%add3A_180] : memref<320000xi32, #tpu.memory_space<hbm>> -> memref<80xi32, #tpu.memory_space<hbm>>
          tpu.wait_dma2 semaphore(%run_scoped3A_182 : memref<!tpu.dma_semaphore, #tpu.memory_space<semaphore_mem>>) src(%dma_wait3A_198 : memref<80xi32, #tpu.memory_space<hbm>>) dst(%dma_wait3A_197 : memref<80xi32, #tpu.memory_space<vmem>>)
          tpu.yield
        }) : () -> ()
      } else {
      }
      %dma_wait3A_125 = arith.constant 0 : i32
      %dma_wait3A_126 = arith.constant 0 : i32
      %dma_wait3A_127 = arith.constant 0 : i32
      %dma_wait3A_128 = arith.constant 0 : i32
      %dma_wait3A_129 = tpu.memref_slice %arg9[%dma_wait3A_126, %dma_wait3A_127, %dma_wait3A_128] : memref<2x80x128xf32, #tpu.memory_space<vmem>> -> memref<1x80x128xf32, #tpu.memory_space<vmem>>
      %dma_wait3A_130 = tpu.memref_squeeze %dma_wait3A_129 : memref<1x80x128xf32, #tpu.memory_space<vmem>> -> memref<80x128xf32, #tpu.memory_space<vmem>>
      %dma_wait3A_131 = arith.constant 0 : i32
      %dma_wait3A_132 = tpu.memref_slice %arg7[%dma_wait3A_125, %dma_wait3A_131] : memref<4x80xi32, #tpu.memory_space<vmem>> -> memref<1x80xi32, #tpu.memory_space<vmem>>
      %dma_wait3A_133 = tpu.memref_squeeze %dma_wait3A_132 : memref<1x80xi32, #tpu.memory_space<vmem>> -> memref<80xi32, #tpu.memory_space<vmem>>
      %dma_wait3A_134 = arith.constant 0 : i32
      %dma_wait3A_135 = arith.constant 0 : i32
      %dma_wait3A_136 = tpu.memref_slice %arg2[%dma_wait3A_134, %dma_wait3A_135] : memref<10000x128xf32, #tpu.memory_space<hbm>> -> memref<10000x128xf32, #tpu.memory_space<hbm>>
      tpu.wait_indirect_dma semaphore(%arg11 : memref<!tpu.dma_semaphore, #tpu.memory_space<semaphore_mem>>) src(%dma_wait3A_136 : memref<10000x128xf32, #tpu.memory_space<hbm>>) dst(%dma_wait3A_130 : memref<80x128xf32, #tpu.memory_space<vmem>>)
      %run_scoped3A_137 = arith.constant 0 : i32
      "tpu.region"() ({
        %run_scoped3A_176 = tpu.sem_alloc : memref<!tpu.dma_semaphore, #tpu.memory_space<semaphore_mem>>
        %dma_start3A_177 = arith.constant 0 : i32
        %dma_start3A_178 = arith.constant 0 : i32
        %dma_start3A_179 = tpu.memref_slice %arg9[%run_scoped3A_137, %dma_start3A_177, %dma_start3A_178] : memref<2x80x128xf32, #tpu.memory_space<vmem>> -> memref<1x80x128xf32, #tpu.memory_space<vmem>>
        %dma_start3A_180 = tpu.memref_squeeze %dma_start3A_179 : memref<1x80x128xf32, #tpu.memory_space<vmem>> -> memref<80x128xf32, #tpu.memory_space<vmem>>
        %dma_start3A_181 = arith.constant 0 : i32
        %dma_start3A_182 = tpu.memref_slice %arg8[%add3A_117, %dma_start3A_181] : memref<125x80xi32, #tpu.memory_space<vmem>> -> memref<1x80xi32, #tpu.memory_space<vmem>>
        %dma_start3A_183 = tpu.memref_squeeze %dma_start3A_182 : memref<1x80xi32, #tpu.memory_space<vmem>> -> memref<80xi32, #tpu.memory_space<vmem>>
        %dma_start3A_184 = arith.constant 0 : i32
        %dma_start3A_185 = arith.constant 0 : i32
        %dma_start3A_186 = tpu.memref_slice %arg10[%dma_start3A_184, %dma_start3A_185] : memref<10240x128xf32, #tpu.memory_space<vmem_shared>> -> memref<10240x128xf32, #tpu.memory_space<vmem_shared>>
        tpu.enqueue_indirect_dma source(%dma_start3A_180 : memref<80x128xf32, #tpu.memory_space<vmem>>) target(%dma_start3A_186 : memref<10240x128xf32, #tpu.memory_space<vmem_shared>>) offsets(%dma_start3A_183 : memref<80xi32, #tpu.memory_space<vmem>>) semaphore(%run_scoped3A_176 : memref<!tpu.dma_semaphore, #tpu.memory_space<semaphore_mem>>) {add = true}
        %dma_wait3A_187 = arith.constant 0 : i32
        %dma_wait3A_188 = arith.constant 0 : i32
        %dma_wait3A_189 = tpu.memref_slice %arg9[%run_scoped3A_137, %dma_wait3A_187, %dma_wait3A_188] : memref<2x80x128xf32, #tpu.memory_space<vmem>> -> memref<1x80x128xf32, #tpu.memory_space<vmem>>
        %dma_wait3A_190 = tpu.memref_squeeze %dma_wait3A_189 : memref<1x80x128xf32, #tpu.memory_space<vmem>> -> memref<80x128xf32, #tpu.memory_space<vmem>>
        %dma_wait3A_191 = arith.constant 0 : i32
        %dma_wait3A_192 = tpu.memref_slice %arg8[%add3A_117, %dma_wait3A_191] : memref<125x80xi32, #tpu.memory_space<vmem>> -> memref<1x80xi32, #tpu.memory_space<vmem>>
        %dma_wait3A_193 = tpu.memref_squeeze %dma_wait3A_192 : memref<1x80xi32, #tpu.memory_space<vmem>> -> memref<80xi32, #tpu.memory_space<vmem>>
        %dma_wait3A_194 = arith.constant 0 : i32
        %dma_wait3A_195 = arith.constant 0 : i32
        %dma_wait3A_196 = tpu.memref_slice %arg10[%dma_wait3A_194, %dma_wait3A_195] : memref<10240x128xf32, #tpu.memory_space<vmem_shared>> -> memref<10240x128xf32, #tpu.memory_space<vmem_shared>>
        tpu.wait_indirect_dma semaphore(%run_scoped3A_176 : memref<!tpu.dma_semaphore, #tpu.memory_space<semaphore_mem>>) src(%dma_wait3A_190 : memref<80x128xf32, #tpu.memory_space<vmem>>) dst(%dma_wait3A_196 : memref<10240x128xf32, #tpu.memory_space<vmem_shared>>)
        tpu.yield
      }) : () -> ()
      %add3A_138 = arith.constant 2 : i32
      %add3A_139 = arith.addi %add3A_117, %add3A_138 : i32
      %lt3A_140 = arith.constant 125 : i32
      %lt3A_141 = arith.cmpi slt, %add3A_139, %lt3A_140 : i32
      %convert_element_type3A_142 = arith.extui %lt3A_141 : i1 to i32
      %cond3A_143 = arith.constant 0 : i32
      %cond3A_144 = arith.cmpi ne, %convert_element_type3A_142, %cond3A_143 : i32
      scf.if %cond3A_144 {
        %dma_start3A_176 = arith.constant 0 : i32
        %dma_start3A_177 = arith.constant 0 : i32
        %dma_start3A_178 = arith.constant 0 : i32
        %dma_start3A_179 = arith.constant 0 : i32
        %dma_start3A_180 = tpu.memref_slice %arg9[%dma_start3A_177, %dma_start3A_178, %dma_start3A_179] : memref<2x80x128xf32, #tpu.memory_space<vmem>> -> memref<1x80x128xf32, #tpu.memory_space<vmem>>
        %dma_start3A_181 = tpu.memref_squeeze %dma_start3A_180 : memref<1x80x128xf32, #tpu.memory_space<vmem>> -> memref<80x128xf32, #tpu.memory_space<vmem>>
        %dma_start3A_182 = arith.constant 0 : i32
        %dma_start3A_183 = tpu.memref_slice %arg7[%dma_start3A_176, %dma_start3A_182] : memref<4x80xi32, #tpu.memory_space<vmem>> -> memref<1x80xi32, #tpu.memory_space<vmem>>
        %dma_start3A_184 = tpu.memref_squeeze %dma_start3A_183 : memref<1x80xi32, #tpu.memory_space<vmem>> -> memref<80xi32, #tpu.memory_space<vmem>>
        %dma_start3A_185 = arith.constant 0 : i32
        %dma_start3A_186 = arith.constant 0 : i32
        %dma_start3A_187 = tpu.memref_slice %arg2[%dma_start3A_185, %dma_start3A_186] : memref<10000x128xf32, #tpu.memory_space<hbm>> -> memref<10000x128xf32, #tpu.memory_space<hbm>>
        tpu.enqueue_indirect_dma source(%dma_start3A_187 : memref<10000x128xf32, #tpu.memory_space<hbm>>) target(%dma_start3A_181 : memref<80x128xf32, #tpu.memory_space<vmem>>) offsets(%dma_start3A_184 : memref<80xi32, #tpu.memory_space<vmem>>) semaphore(%arg11 : memref<!tpu.dma_semaphore, #tpu.memory_space<semaphore_mem>>)
      } else {
      }
      %mul3A_145 = arith.constant 4 : i32
      %mul3A_146 = arith.muli %scan3A_54, %mul3A_145 : i32
      %add3A_147 = arith.constant 3 : i32
      %add3A_148 = arith.addi %mul3A_146, %add3A_147 : i32
      %add3A_149 = arith.constant 2 : i32
      %add3A_150 = arith.addi %add3A_148, %add3A_149 : i32
      %lt3A_151 = arith.constant 125 : i32
      %lt3A_152 = arith.cmpi slt, %add3A_150, %lt3A_151 : i32
      %convert_element_type3A_153 = arith.extui %lt3A_152 : i1 to i32
      %cond3A_154 = arith.constant 0 : i32
      %cond3A_155 = arith.cmpi ne, %convert_element_type3A_153, %cond3A_154 : i32
      scf.if %cond3A_155 {
        %add3A_176 = arith.constant 2 : i32
        %add3A_177 = arith.addi %add3A_148, %add3A_176 : i32
        %mul3A_178 = arith.constant 80 : i32
        %mul3A_179 = arith.muli %add3A_177, %mul3A_178 : i32
        %add3A_180 = arith.addi %mul3A_4, %mul3A_179 : i32
        %run_scoped3A_181 = arith.constant 1 : i32
        "tpu.region"() ({
          %run_scoped3A_182 = tpu.sem_alloc : memref<!tpu.dma_semaphore, #tpu.memory_space<semaphore_mem>>
          %dma_start3A_183 = arith.constant 0 : i32
          %dma_start3A_184 = tpu.memref_slice %arg7[%run_scoped3A_181, %dma_start3A_183] : memref<4x80xi32, #tpu.memory_space<vmem>> -> memref<1x80xi32, #tpu.memory_space<vmem>>
          %dma_start3A_185 = tpu.memref_squeeze %dma_start3A_184 : memref<1x80xi32, #tpu.memory_space<vmem>> -> memref<80xi32, #tpu.memory_space<vmem>>
          %dma_start3A_186 = tpu.memref_slice %arg3[%add3A_180] : memref<320000xi32, #tpu.memory_space<hbm>> -> memref<80xi32, #tpu.memory_space<hbm>>
          %dma_start3A_187 = arith.constant 0 : i32
          %dma_start3A_188 = tpu.memref_slice %arg7[%run_scoped3A_181, %dma_start3A_187] : memref<4x80xi32, #tpu.memory_space<vmem>> -> memref<1x80xi32, #tpu.memory_space<vmem>>
          %dma_start3A_189 = tpu.memref_squeeze %dma_start3A_188 : memref<1x80xi32, #tpu.memory_space<vmem>> -> memref<80xi32, #tpu.memory_space<vmem>>
          %dma_start3A_190 = tpu.memref_slice %arg3[%add3A_180] : memref<320000xi32, #tpu.memory_space<hbm>> -> memref<80xi32, #tpu.memory_space<hbm>>
          tpu.enqueue_dma source(%dma_start3A_190 : memref<80xi32, #tpu.memory_space<hbm>>) target(%dma_start3A_189 : memref<80xi32, #tpu.memory_space<vmem>>) target_semaphore(%run_scoped3A_182 : memref<!tpu.dma_semaphore, #tpu.memory_space<semaphore_mem>>)
          %dma_wait3A_191 = arith.constant 0 : i32
          %dma_wait3A_192 = tpu.memref_slice %arg7[%run_scoped3A_181, %dma_wait3A_191] : memref<4x80xi32, #tpu.memory_space<vmem>> -> memref<1x80xi32, #tpu.memory_space<vmem>>
          %dma_wait3A_193 = tpu.memref_squeeze %dma_wait3A_192 : memref<1x80xi32, #tpu.memory_space<vmem>> -> memref<80xi32, #tpu.memory_space<vmem>>
          %dma_wait3A_194 = tpu.memref_slice %arg3[%add3A_180] : memref<320000xi32, #tpu.memory_space<hbm>> -> memref<80xi32, #tpu.memory_space<hbm>>
          %dma_wait3A_195 = arith.constant 0 : i32
          %dma_wait3A_196 = tpu.memref_slice %arg7[%run_scoped3A_181, %dma_wait3A_195] : memref<4x80xi32, #tpu.memory_space<vmem>> -> memref<1x80xi32, #tpu.memory_space<vmem>>
          %dma_wait3A_197 = tpu.memref_squeeze %dma_wait3A_196 : memref<1x80xi32, #tpu.memory_space<vmem>> -> memref<80xi32, #tpu.memory_space<vmem>>
          %dma_wait3A_198 = tpu.memref_slice %arg3[%add3A_180] : memref<320000xi32, #tpu.memory_space<hbm>> -> memref<80xi32, #tpu.memory_space<hbm>>
          tpu.wait_dma2 semaphore(%run_scoped3A_182 : memref<!tpu.dma_semaphore, #tpu.memory_space<semaphore_mem>>) src(%dma_wait3A_198 : memref<80xi32, #tpu.memory_space<hbm>>) dst(%dma_wait3A_197 : memref<80xi32, #tpu.memory_space<vmem>>)
          tpu.yield
        }) : () -> ()
      } else {
      }
      %dma_wait3A_156 = arith.constant 0 : i32
      %dma_wait3A_157 = arith.constant 1 : i32
      %dma_wait3A_158 = arith.constant 0 : i32
      %dma_wait3A_159 = arith.constant 0 : i32
      %dma_wait3A_160 = tpu.memref_slice %arg9[%dma_wait3A_157, %dma_wait3A_158, %dma_wait3A_159] : memref<2x80x128xf32, #tpu.memory_space<vmem>> -> memref<1x80x128xf32, #tpu.memory_space<vmem>>
      %dma_wait3A_161 = tpu.memref_squeeze %dma_wait3A_160 : memref<1x80x128xf32, #tpu.memory_space<vmem>> -> memref<80x128xf32, #tpu.memory_space<vmem>>
      %dma_wait3A_162 = arith.constant 0 : i32
      %dma_wait3A_163 = tpu.memref_slice %arg7[%dma_wait3A_156, %dma_wait3A_162] : memref<4x80xi32, #tpu.memory_space<vmem>> -> memref<1x80xi32, #tpu.memory_space<vmem>>
      %dma_wait3A_164 = tpu.memref_squeeze %dma_wait3A_163 : memref<1x80xi32, #tpu.memory_space<vmem>> -> memref<80xi32, #tpu.memory_space<vmem>>
      %dma_wait3A_165 = arith.constant 0 : i32
      %dma_wait3A_166 = arith.constant 0 : i32
      %dma_wait3A_167 = tpu.memref_slice %arg2[%dma_wait3A_165, %dma_wait3A_166] : memref<10000x128xf32, #tpu.memory_space<hbm>> -> memref<10000x128xf32, #tpu.memory_space<hbm>>
      tpu.wait_indirect_dma semaphore(%arg12 : memref<!tpu.dma_semaphore, #tpu.memory_space<semaphore_mem>>) src(%dma_wait3A_167 : memref<10000x128xf32, #tpu.memory_space<hbm>>) dst(%dma_wait3A_161 : memref<80x128xf32, #tpu.memory_space<vmem>>)
      %run_scoped3A_168 = arith.constant 1 : i32
      "tpu.region"() ({
        %run_scoped3A_176 = tpu.sem_alloc : memref<!tpu.dma_semaphore, #tpu.memory_space<semaphore_mem>>
        %dma_start3A_177 = arith.constant 0 : i32
        %dma_start3A_178 = arith.constant 0 : i32
        %dma_start3A_179 = tpu.memref_slice %arg9[%run_scoped3A_168, %dma_start3A_177, %dma_start3A_178] : memref<2x80x128xf32, #tpu.memory_space<vmem>> -> memref<1x80x128xf32, #tpu.memory_space<vmem>>
        %dma_start3A_180 = tpu.memref_squeeze %dma_start3A_179 : memref<1x80x128xf32, #tpu.memory_space<vmem>> -> memref<80x128xf32, #tpu.memory_space<vmem>>
        %dma_start3A_181 = arith.constant 0 : i32
        %dma_start3A_182 = tpu.memref_slice %arg8[%add3A_148, %dma_start3A_181] : memref<125x80xi32, #tpu.memory_space<vmem>> -> memref<1x80xi32, #tpu.memory_space<vmem>>
        %dma_start3A_183 = tpu.memref_squeeze %dma_start3A_182 : memref<1x80xi32, #tpu.memory_space<vmem>> -> memref<80xi32, #tpu.memory_space<vmem>>
        %dma_start3A_184 = arith.constant 0 : i32
        %dma_start3A_185 = arith.constant 0 : i32
        %dma_start3A_186 = tpu.memref_slice %arg10[%dma_start3A_184, %dma_start3A_185] : memref<10240x128xf32, #tpu.memory_space<vmem_shared>> -> memref<10240x128xf32, #tpu.memory_space<vmem_shared>>
        tpu.enqueue_indirect_dma source(%dma_start3A_180 : memref<80x128xf32, #tpu.memory_space<vmem>>) target(%dma_start3A_186 : memref<10240x128xf32, #tpu.memory_space<vmem_shared>>) offsets(%dma_start3A_183 : memref<80xi32, #tpu.memory_space<vmem>>) semaphore(%run_scoped3A_176 : memref<!tpu.dma_semaphore, #tpu.memory_space<semaphore_mem>>) {add = true}
        %dma_wait3A_187 = arith.constant 0 : i32
        %dma_wait3A_188 = arith.constant 0 : i32
        %dma_wait3A_189 = tpu.memref_slice %arg9[%run_scoped3A_168, %dma_wait3A_187, %dma_wait3A_188] : memref<2x80x128xf32, #tpu.memory_space<vmem>> -> memref<1x80x128xf32, #tpu.memory_space<vmem>>
        %dma_wait3A_190 = tpu.memref_squeeze %dma_wait3A_189 : memref<1x80x128xf32, #tpu.memory_space<vmem>> -> memref<80x128xf32, #tpu.memory_space<vmem>>
        %dma_wait3A_191 = arith.constant 0 : i32
        %dma_wait3A_192 = tpu.memref_slice %arg8[%add3A_148, %dma_wait3A_191] : memref<125x80xi32, #tpu.memory_space<vmem>> -> memref<1x80xi32, #tpu.memory_space<vmem>>
        %dma_wait3A_193 = tpu.memref_squeeze %dma_wait3A_192 : memref<1x80xi32, #tpu.memory_space<vmem>> -> memref<80xi32, #tpu.memory_space<vmem>>
        %dma_wait3A_194 = arith.constant 0 : i32
        %dma_wait3A_195 = arith.constant 0 : i32
        %dma_wait3A_196 = tpu.memref_slice %arg10[%dma_wait3A_194, %dma_wait3A_195] : memref<10240x128xf32, #tpu.memory_space<vmem_shared>> -> memref<10240x128xf32, #tpu.memory_space<vmem_shared>>
        tpu.wait_indirect_dma semaphore(%run_scoped3A_176 : memref<!tpu.dma_semaphore, #tpu.memory_space<semaphore_mem>>) src(%dma_wait3A_190 : memref<80x128xf32, #tpu.memory_space<vmem>>) dst(%dma_wait3A_196 : memref<10240x128xf32, #tpu.memory_space<vmem_shared>>)
        tpu.yield
      }) : () -> ()
      %add3A_169 = arith.constant 2 : i32
      %add3A_170 = arith.addi %add3A_148, %add3A_169 : i32
      %lt3A_171 = arith.constant 125 : i32
      %lt3A_172 = arith.cmpi slt, %add3A_170, %lt3A_171 : i32
      %convert_element_type3A_173 = arith.extui %lt3A_172 : i1 to i32
      %cond3A_174 = arith.constant 0 : i32
      %cond3A_175 = arith.cmpi ne, %convert_element_type3A_173, %cond3A_174 : i32
      scf.if %cond3A_175 {
        %dma_start3A_176 = arith.constant 1 : i32
        %dma_start3A_177 = arith.constant 1 : i32
        %dma_start3A_178 = arith.constant 0 : i32
        %dma_start3A_179 = arith.constant 0 : i32
        %dma_start3A_180 = tpu.memref_slice %arg9[%dma_start3A_177, %dma_start3A_178, %dma_start3A_179] : memref<2x80x128xf32, #tpu.memory_space<vmem>> -> memref<1x80x128xf32, #tpu.memory_space<vmem>>
        %dma_start3A_181 = tpu.memref_squeeze %dma_start3A_180 : memref<1x80x128xf32, #tpu.memory_space<vmem>> -> memref<80x128xf32, #tpu.memory_space<vmem>>
        %dma_start3A_182 = arith.constant 0 : i32
        %dma_start3A_183 = tpu.memref_slice %arg7[%dma_start3A_176, %dma_start3A_182] : memref<4x80xi32, #tpu.memory_space<vmem>> -> memref<1x80xi32, #tpu.memory_space<vmem>>
        %dma_start3A_184 = tpu.memref_squeeze %dma_start3A_183 : memref<1x80xi32, #tpu.memory_space<vmem>> -> memref<80xi32, #tpu.memory_space<vmem>>
        %dma_start3A_185 = arith.constant 0 : i32
        %dma_start3A_186 = arith.constant 0 : i32
        %dma_start3A_187 = tpu.memref_slice %arg2[%dma_start3A_185, %dma_start3A_186] : memref<10000x128xf32, #tpu.memory_space<hbm>> -> memref<10000x128xf32, #tpu.memory_space<hbm>>
        tpu.enqueue_indirect_dma source(%dma_start3A_187 : memref<10000x128xf32, #tpu.memory_space<hbm>>) target(%dma_start3A_181 : memref<80x128xf32, #tpu.memory_space<vmem>>) offsets(%dma_start3A_184 : memref<80xi32, #tpu.memory_space<vmem>>) semaphore(%arg12 : memref<!tpu.dma_semaphore, #tpu.memory_space<semaphore_mem>>)
      } else {
      }
    }
    %scan3A_35 = arith.constant 31 : i32
    %dma_wait3A = arith.constant 0 : i32
    %dma_wait3A_36 = arith.constant 0 : i32
    %dma_wait3A_37 = arith.constant 0 : i32
    %dma_wait3A_38 = arith.constant 0 : i32
    %dma_wait3A_39 = tpu.memref_slice %arg9[%dma_wait3A_36, %dma_wait3A_37, %dma_wait3A_38] : memref<2x80x128xf32, #tpu.memory_space<vmem>> -> memref<1x80x128xf32, #tpu.memory_space<vmem>>
    %dma_wait3A_40 = tpu.memref_squeeze %dma_wait3A_39 : memref<1x80x128xf32, #tpu.memory_space<vmem>> -> memref<80x128xf32, #tpu.memory_space<vmem>>
    %dma_wait3A_41 = arith.constant 0 : i32
    %dma_wait3A_42 = tpu.memref_slice %arg7[%dma_wait3A, %dma_wait3A_41] : memref<4x80xi32, #tpu.memory_space<vmem>> -> memref<1x80xi32, #tpu.memory_space<vmem>>
    %dma_wait3A_43 = tpu.memref_squeeze %dma_wait3A_42 : memref<1x80xi32, #tpu.memory_space<vmem>> -> memref<80xi32, #tpu.memory_space<vmem>>
    %dma_wait3A_44 = arith.constant 0 : i32
    %dma_wait3A_45 = arith.constant 0 : i32
    %dma_wait3A_46 = tpu.memref_slice %arg2[%dma_wait3A_44, %dma_wait3A_45] : memref<10000x128xf32, #tpu.memory_space<hbm>> -> memref<10000x128xf32, #tpu.memory_space<hbm>>
    tpu.wait_indirect_dma semaphore(%arg11 : memref<!tpu.dma_semaphore, #tpu.memory_space<semaphore_mem>>) src(%dma_wait3A_46 : memref<10000x128xf32, #tpu.memory_space<hbm>>) dst(%dma_wait3A_40 : memref<80x128xf32, #tpu.memory_space<vmem>>)
    %run_scoped3A_47 = arith.constant 0 : i32
    %run_scoped3A_48 = arith.constant 124 : i32
    "tpu.region"() ({
      %run_scoped3A_54 = tpu.sem_alloc : memref<!tpu.dma_semaphore, #tpu.memory_space<semaphore_mem>>
      %dma_start3A_55 = arith.constant 0 : i32
      %dma_start3A_56 = arith.constant 0 : i32
      %dma_start3A_57 = tpu.memref_slice %arg9[%run_scoped3A_47, %dma_start3A_55, %dma_start3A_56] : memref<2x80x128xf32, #tpu.memory_space<vmem>> -> memref<1x80x128xf32, #tpu.memory_space<vmem>>
      %dma_start3A_58 = tpu.memref_squeeze %dma_start3A_57 : memref<1x80x128xf32, #tpu.memory_space<vmem>> -> memref<80x128xf32, #tpu.memory_space<vmem>>
      %dma_start3A_59 = arith.constant 0 : i32
      %dma_start3A_60 = tpu.memref_slice %arg8[%run_scoped3A_48, %dma_start3A_59] : memref<125x80xi32, #tpu.memory_space<vmem>> -> memref<1x80xi32, #tpu.memory_space<vmem>>
      %dma_start3A_61 = tpu.memref_squeeze %dma_start3A_60 : memref<1x80xi32, #tpu.memory_space<vmem>> -> memref<80xi32, #tpu.memory_space<vmem>>
      %dma_start3A_62 = arith.constant 0 : i32
      %dma_start3A_63 = arith.constant 0 : i32
      %dma_start3A_64 = tpu.memref_slice %arg10[%dma_start3A_62, %dma_start3A_63] : memref<10240x128xf32, #tpu.memory_space<vmem_shared>> -> memref<10240x128xf32, #tpu.memory_space<vmem_shared>>
      tpu.enqueue_indirect_dma source(%dma_start3A_58 : memref<80x128xf32, #tpu.memory_space<vmem>>) target(%dma_start3A_64 : memref<10240x128xf32, #tpu.memory_space<vmem_shared>>) offsets(%dma_start3A_61 : memref<80xi32, #tpu.memory_space<vmem>>) semaphore(%run_scoped3A_54 : memref<!tpu.dma_semaphore, #tpu.memory_space<semaphore_mem>>) {add = true}
      %dma_wait3A_65 = arith.constant 0 : i32
      %dma_wait3A_66 = arith.constant 0 : i32
      %dma_wait3A_67 = tpu.memref_slice %arg9[%run_scoped3A_47, %dma_wait3A_65, %dma_wait3A_66] : memref<2x80x128xf32, #tpu.memory_space<vmem>> -> memref<1x80x128xf32, #tpu.memory_space<vmem>>
      %dma_wait3A_68 = tpu.memref_squeeze %dma_wait3A_67 : memref<1x80x128xf32, #tpu.memory_space<vmem>> -> memref<80x128xf32, #tpu.memory_space<vmem>>
      %dma_wait3A_69 = arith.constant 0 : i32
      %dma_wait3A_70 = tpu.memref_slice %arg8[%run_scoped3A_48, %dma_wait3A_69] : memref<125x80xi32, #tpu.memory_space<vmem>> -> memref<1x80xi32, #tpu.memory_space<vmem>>
      %dma_wait3A_71 = tpu.memref_squeeze %dma_wait3A_70 : memref<1x80xi32, #tpu.memory_space<vmem>> -> memref<80xi32, #tpu.memory_space<vmem>>
      %dma_wait3A_72 = arith.constant 0 : i32
      %dma_wait3A_73 = arith.constant 0 : i32
      %dma_wait3A_74 = tpu.memref_slice %arg10[%dma_wait3A_72, %dma_wait3A_73] : memref<10240x128xf32, #tpu.memory_space<vmem_shared>> -> memref<10240x128xf32, #tpu.memory_space<vmem_shared>>
      tpu.wait_indirect_dma semaphore(%run_scoped3A_54 : memref<!tpu.dma_semaphore, #tpu.memory_space<semaphore_mem>>) src(%dma_wait3A_68 : memref<80x128xf32, #tpu.memory_space<vmem>>) dst(%dma_wait3A_74 : memref<10240x128xf32, #tpu.memory_space<vmem_shared>>)
      tpu.yield
    }) : () -> ()
    %barrier3A_49 = arith.constant 0 : index
    tpu.barrier barrier_id(%barrier3A_49)
    %mul3A_50 = arith.constant 640 : i32
    %mul3A_51 = arith.muli %arg1, %mul3A_50 : i32
    %mul3A_52 = arith.constant 640 : i32
    %mul3A_53 = arith.muli %arg1, %mul3A_52 : i32
    "tpu.region"() ({
      %run_scoped3A_54 = tpu.sem_alloc : memref<!tpu.dma_semaphore, #tpu.memory_space<semaphore_mem>>
      %dma_start3A_55 = arith.constant 0 : i32
      %dma_start3A_56 = tpu.memref_slice %arg6[%arg0, %mul3A_53, %dma_start3A_55] : memref<2x10240x128xf32, #tpu.memory_space<hbm>> -> memref<1x640x128xf32, #tpu.memory_space<hbm>>
      %dma_start3A_57 = tpu.memref_squeeze %dma_start3A_56 : memref<1x640x128xf32, #tpu.memory_space<hbm>> -> memref<640x128xf32, #tpu.memory_space<hbm>>
      %dma_start3A_58 = arith.constant 0 : i32
      %dma_start3A_59 = tpu.memref_slice %arg10[%mul3A_51, %dma_start3A_58] : memref<10240x128xf32, #tpu.memory_space<vmem_shared>> -> memref<640x128xf32, #tpu.memory_space<vmem_shared>>
      tpu.enqueue_dma source(%dma_start3A_59 : memref<640x128xf32, #tpu.memory_space<vmem_shared>>) target(%dma_start3A_57 : memref<640x128xf32, #tpu.memory_space<hbm>>) target_semaphore(%run_scoped3A_54 : memref<!tpu.dma_semaphore, #tpu.memory_space<semaphore_mem>>)
      %dma_wait3A_60 = arith.constant 0 : i32
      %dma_wait3A_61 = tpu.memref_slice %arg6[%arg0, %mul3A_53, %dma_wait3A_60] : memref<2x10240x128xf32, #tpu.memory_space<hbm>> -> memref<1x640x128xf32, #tpu.memory_space<hbm>>
      %dma_wait3A_62 = tpu.memref_squeeze %dma_wait3A_61 : memref<1x640x128xf32, #tpu.memory_space<hbm>> -> memref<640x128xf32, #tpu.memory_space<hbm>>
      %dma_wait3A_63 = arith.constant 0 : i32
      %dma_wait3A_64 = tpu.memref_slice %arg10[%mul3A_51, %dma_wait3A_63] : memref<10240x128xf32, #tpu.memory_space<vmem_shared>> -> memref<640x128xf32, #tpu.memory_space<vmem_shared>>
      tpu.wait_dma2 semaphore(%run_scoped3A_54 : memref<!tpu.dma_semaphore, #tpu.memory_space<semaphore_mem>>) src(%dma_wait3A_64 : memref<640x128xf32, #tpu.memory_space<vmem_shared>>) dst(%dma_wait3A_62 : memref<640x128xf32, #tpu.memory_space<hbm>>)
      tpu.yield
    }) : () -> ()
    return
  }
}

module attributes {stable_mosaic.version = 14 : i64} {
  func.func @_mm_scale_body(%arg0: i32, %arg1: memref<400x128xf32, #tpu.memory_space<vmem>>, %arg2: memref<128x128xf32, #tpu.memory_space<vmem>>, %arg3: memref<2x400x16xf32, #tpu.memory_space<vmem>>, %arg4: memref<400x128xf32, #tpu.memory_space<vmem>>) attributes {dimension_semantics = [#tpu.dimension_semantics<arbitrary>], iteration_bounds = array<i64: 25>, scalar_prefetch = 0 : i64, scratch_operands = 0 : i64, tpu.core_type = #tpu.core_type<tc>, window_params = [{transform_indices = @transform_0, window_bounds = array<i64: 400, 128>}, {pipeline_mode = #tpu.pipeline_mode<synchronous>, transform_indices = @transform_1, window_bounds = array<i64: 128, 128>}, {transform_indices = @transform_2, window_bounds = array<i64: 2, 400, 16>}, {transform_indices = @transform_3, window_bounds = array<i64: 400, 128>}]} {
    %get3A = arith.constant 0 : index
    %get3A_0 = arith.constant 0 : index
    %get3A_1 = arith.constant 0 : index
    %get3A_2 = vector.load %arg3[%get3A, %get3A_0, %get3A_1] : memref<2x400x16xf32, #tpu.memory_space<vmem>>, vector<1x400x1xf32>
    %get3A_3 = vector.shape_cast %get3A_2 : vector<1x400x1xf32> to vector<400x1xf32>
    %get3A_4 = arith.constant 1 : index
    %get3A_5 = arith.constant 0 : index
    %get3A_6 = arith.constant 0 : index
    %get3A_7 = vector.load %arg3[%get3A_4, %get3A_5, %get3A_6] : memref<2x400x16xf32, #tpu.memory_space<vmem>>, vector<1x400x1xf32>
    %get3A_8 = vector.shape_cast %get3A_7 : vector<1x400x1xf32> to vector<400x1xf32>
    %add3A = arith.addf %get3A_3, %get3A_8 : vector<400x1xf32>
    %gt3A = arith.constant 0.000000e+00 : f32
    %gt3A_9 = vector.broadcast %gt3A : f32 to vector<400x1xf32>
    %gt3A_10 = arith.cmpf ogt, %add3A, %gt3A_9 : vector<400x1xf32>
    %rsqrt3A = math.rsqrt %add3A : vector<400x1xf32>
    %jit3A = arith.constant 0.000000e+00 : f32
    %broadcast_in_dim3A = vector.broadcast %jit3A : f32 to vector<400x1xf32>
    %select_n3A = arith.select %gt3A_10, %rsqrt3A, %broadcast_in_dim3A : vector<400x1xi1>, vector<400x1xf32>
    %get3A_11 = arith.constant 0 : index
    %get3A_12 = arith.constant 0 : index
    %get3A_13 = vector.load %arg1[%get3A_11, %get3A_12] : memref<400x128xf32, #tpu.memory_space<vmem>>, vector<400x128xf32>
    %get3A_14 = arith.constant 0 : index
    %get3A_15 = arith.constant 0 : index
    %get3A_16 = vector.load %arg2[%get3A_14, %get3A_15] : memref<128x128xf32, #tpu.memory_space<vmem>>, vector<128x128xf32>
    %dot_general3A = arith.constant dense<0.000000e+00> : vector<400x128xf32>
    %dot_general3A_17 = tpu.matmul %get3A_13, %get3A_16, %dot_general3A {dimension_numbers = #tpu.dot_dimension_numbers<[1], [0], [0], [1], [0, 0, 1, 1], [], []>, precision = #tpu.contract_precision<fp32>, transpose_lhs_hint = false} : vector<400x128xf32>, vector<128x128xf32>, vector<400x128xf32> -> vector<400x128xf32>
    %mul3A = vector.broadcast %select_n3A : vector<400x1xf32> to vector<400x128xf32>
    %mul3A_18 = arith.mulf %dot_general3A_17, %mul3A : vector<400x128xf32>
    %swap3A = arith.constant 0 : index
    %swap3A_19 = arith.constant 0 : index
    %swap3A_20 = vector.load %arg4[%swap3A, %swap3A_19] : memref<400x128xf32, #tpu.memory_space<vmem>>, vector<400x128xf32>
    tpu.vector_store %arg4[%swap3A, %swap3A_19], %mul3A_18 {strides = array<i32>} : memref<400x128xf32, #tpu.memory_space<vmem>>, vector<400x128xf32>,
    return
  }
  func.func @transform_0(%arg0: i32) -> (i32, i32) {
    %c0_i32 = arith.constant 0 : i32
    %c0_i32_0 = arith.constant 0 : i32
    return %arg0, %c0_i32 : i32, i32
  }
  func.func @transform_1(%arg0: i32) -> (i32, i32) {
    %c0_i32 = arith.constant 0 : i32
    %c0_i32_0 = arith.constant 0 : i32
    %c0_i32_1 = arith.constant 0 : i32
    return %c0_i32, %c0_i32_0 : i32, i32
  }
  func.func @transform_2(%arg0: i32) -> (i32, i32, i32) {
    %c0_i32 = arith.constant 0 : i32
    %c0_i32_0 = arith.constant 0 : i32
    %c0_i32_1 = arith.constant 0 : i32
    return %c0_i32, %arg0, %c0_i32_0 : i32, i32, i32
  }
  func.func @transform_3(%arg0: i32) -> (i32, i32) {
    %c0_i32 = arith.constant 0 : i32
    %c0_i32_0 = arith.constant 0 : i32
    return %arg0, %c0_i32 : i32, i32
  }
}

module attributes {stable_mosaic.version = 14 : i64} {
  func.func @_combine_mm_body(%arg0: i32, %arg1: memref<2x400x128xf32, #tpu.memory_space<vmem>>, %arg2: memref<2x400x16xf32, #tpu.memory_space<vmem>>, %arg3: memref<1x128xf32, #tpu.memory_space<vmem>>, %arg4: memref<128x128xf32, #tpu.memory_space<vmem>>, %arg5: memref<400x128xf32, #tpu.memory_space<vmem>>) attributes {dimension_semantics = [#tpu.dimension_semantics<arbitrary>], iteration_bounds = array<i64: 25>, scalar_prefetch = 0 : i64, scratch_operands = 0 : i64, tpu.core_type = #tpu.core_type<tc>, window_params = [{transform_indices = @transform_0, window_bounds = array<i64: 2, 400, 128>}, {transform_indices = @transform_1, window_bounds = array<i64: 2, 400, 16>}, {pipeline_mode = #tpu.pipeline_mode<synchronous>, transform_indices = @transform_2, window_bounds = array<i64: 1, 128>}, {pipeline_mode = #tpu.pipeline_mode<synchronous>, transform_indices = @transform_3, window_bounds = array<i64: 128, 128>}, {transform_indices = @transform_4, window_bounds = array<i64: 400, 128>}]} {
    %get3A = arith.constant 0 : index
    %get3A_0 = arith.constant 0 : index
    %get3A_1 = arith.constant 0 : index
    %get3A_2 = vector.load %arg2[%get3A, %get3A_0, %get3A_1] : memref<2x400x16xf32, #tpu.memory_space<vmem>>, vector<1x400x1xf32>
    %get3A_3 = vector.shape_cast %get3A_2 : vector<1x400x1xf32> to vector<400x1xf32>
    %get3A_4 = arith.constant 1 : index
    %get3A_5 = arith.constant 0 : index
    %get3A_6 = arith.constant 0 : index
    %get3A_7 = vector.load %arg2[%get3A_4, %get3A_5, %get3A_6] : memref<2x400x16xf32, #tpu.memory_space<vmem>>, vector<1x400x1xf32>
    %get3A_8 = vector.shape_cast %get3A_7 : vector<1x400x1xf32> to vector<400x1xf32>
    %add3A = arith.addf %get3A_3, %get3A_8 : vector<400x1xf32>
    %gt3A = arith.constant 0.000000e+00 : f32
    %gt3A_9 = vector.broadcast %gt3A : f32 to vector<400x1xf32>
    %gt3A_10 = arith.cmpf ogt, %add3A, %gt3A_9 : vector<400x1xf32>
    %rsqrt3A = math.rsqrt %add3A : vector<400x1xf32>
    %jit3A = arith.constant 0.000000e+00 : f32
    %broadcast_in_dim3A = vector.broadcast %jit3A : f32 to vector<400x1xf32>
    %select_n3A = arith.select %gt3A_10, %rsqrt3A, %broadcast_in_dim3A : vector<400x1xi1>, vector<400x1xf32>
    %get3A_11 = arith.constant 0 : index
    %get3A_12 = arith.constant 0 : index
    %get3A_13 = arith.constant 0 : index
    %get3A_14 = vector.load %arg1[%get3A_11, %get3A_12, %get3A_13] : memref<2x400x128xf32, #tpu.memory_space<vmem>>, vector<1x400x128xf32>
    %get3A_15 = vector.shape_cast %get3A_14 : vector<1x400x128xf32> to vector<400x128xf32>
    %get3A_16 = arith.constant 1 : index
    %get3A_17 = arith.constant 0 : index
    %get3A_18 = arith.constant 0 : index
    %get3A_19 = vector.load %arg1[%get3A_16, %get3A_17, %get3A_18] : memref<2x400x128xf32, #tpu.memory_space<vmem>>, vector<1x400x128xf32>
    %get3A_20 = vector.shape_cast %get3A_19 : vector<1x400x128xf32> to vector<400x128xf32>
    %add3A_21 = arith.addf %get3A_15, %get3A_20 : vector<400x128xf32>
    %mul3A = vector.broadcast %select_n3A : vector<400x1xf32> to vector<400x128xf32>
    %mul3A_22 = arith.mulf %add3A_21, %mul3A : vector<400x128xf32>
    %get3A_23 = arith.constant 0 : index
    %get3A_24 = arith.constant 0 : index
    %get3A_25 = vector.load %arg3[%get3A_23, %get3A_24] : memref<1x128xf32, #tpu.memory_space<vmem>>, vector<1x128xf32>
    %add3A_26 = vector.broadcast %get3A_25 : vector<1x128xf32> to vector<400x128xf32>
    %add3A_27 = arith.addf %mul3A_22, %add3A_26 : vector<400x128xf32>
    %max3A = arith.constant 0.000000e+00 : f32
    %max3A_28 = vector.broadcast %max3A : f32 to vector<400x128xf32>
    %max3A_29 = arith.maximumf %add3A_27, %max3A_28 : vector<400x128xf32>
    %get3A_30 = arith.constant 0 : index
    %get3A_31 = arith.constant 0 : index
    %get3A_32 = vector.load %arg4[%get3A_30, %get3A_31] : memref<128x128xf32, #tpu.memory_space<vmem>>, vector<128x128xf32>
    %dot_general3A = arith.constant dense<0.000000e+00> : vector<400x128xf32>
    %dot_general3A_33 = tpu.matmul %max3A_29, %get3A_32, %dot_general3A {dimension_numbers = #tpu.dot_dimension_numbers<[1], [0], [0], [1], [0, 0, 1, 1], [], []>, precision = #tpu.contract_precision<fp32>, transpose_lhs_hint = false} : vector<400x128xf32>, vector<128x128xf32>, vector<400x128xf32> -> vector<400x128xf32>
    %mul3A_34 = vector.broadcast %select_n3A : vector<400x1xf32> to vector<400x128xf32>
    %mul3A_35 = arith.mulf %dot_general3A_33, %mul3A_34 : vector<400x128xf32>
    %swap3A = arith.constant 0 : index
    %swap3A_36 = arith.constant 0 : index
    %swap3A_37 = vector.load %arg5[%swap3A, %swap3A_36] : memref<400x128xf32, #tpu.memory_space<vmem>>, vector<400x128xf32>
    tpu.vector_store %arg5[%swap3A, %swap3A_36], %mul3A_35 {strides = array<i32>} : memref<400x128xf32, #tpu.memory_space<vmem>>, vector<400x128xf32>,
    return
  }
  func.func @transform_0(%arg0: i32) -> (i32, i32, i32) {
    %c0_i32 = arith.constant 0 : i32
    %c0_i32_0 = arith.constant 0 : i32
    %c0_i32_1 = arith.constant 0 : i32
    return %c0_i32, %arg0, %c0_i32_0 : i32, i32, i32
  }
  func.func @transform_1(%arg0: i32) -> (i32, i32, i32) {
    %c0_i32 = arith.constant 0 : i32
    %c0_i32_0 = arith.constant 0 : i32
    %c0_i32_1 = arith.constant 0 : i32
    return %c0_i32, %arg0, %c0_i32_0 : i32, i32, i32
  }
  func.func @transform_2(%arg0: i32) -> (i32, i32) {
    %c0_i32 = arith.constant 0 : i32
    %c0_i32_0 = arith.constant 0 : i32
    %c0_i32_1 = arith.constant 0 : i32
    return %c0_i32, %c0_i32_0 : i32, i32
  }
  func.func @transform_3(%arg0: i32) -> (i32, i32) {
    %c0_i32 = arith.constant 0 : i32
    %c0_i32_0 = arith.constant 0 : i32
    %c0_i32_1 = arith.constant 0 : i32
    return %c0_i32, %c0_i32_0 : i32, i32
  }
  func.func @transform_4(%arg0: i32) -> (i32, i32) {
    %c0_i32 = arith.constant 0 : i32
    %c0_i32_0 = arith.constant 0 : i32
    return %arg0, %c0_i32 : i32, i32
  }
}

module attributes {stable_mosaic.version = 14 : i64} {
  func.func @_final_body(%arg0: i32, %arg1: memref<2x400x128xf32, #tpu.memory_space<vmem>>, %arg2: memref<2x400x16xf32, #tpu.memory_space<vmem>>, %arg3: memref<1x128xf32, #tpu.memory_space<vmem>>, %arg4: memref<400x128xf32, #tpu.memory_space<vmem>>) attributes {dimension_semantics = [#tpu.dimension_semantics<arbitrary>], iteration_bounds = array<i64: 25>, scalar_prefetch = 0 : i64, scratch_operands = 0 : i64, tpu.core_type = #tpu.core_type<tc>, window_params = [{transform_indices = @transform_0, window_bounds = array<i64: 2, 400, 128>}, {transform_indices = @transform_1, window_bounds = array<i64: 2, 400, 16>}, {pipeline_mode = #tpu.pipeline_mode<synchronous>, transform_indices = @transform_2, window_bounds = array<i64: 1, 128>}, {transform_indices = @transform_3, window_bounds = array<i64: 400, 128>}]} {
    %get3A = arith.constant 0 : index
    %get3A_0 = arith.constant 0 : index
    %get3A_1 = arith.constant 0 : index
    %get3A_2 = vector.load %arg2[%get3A, %get3A_0, %get3A_1] : memref<2x400x16xf32, #tpu.memory_space<vmem>>, vector<1x400x1xf32>
    %get3A_3 = vector.shape_cast %get3A_2 : vector<1x400x1xf32> to vector<400x1xf32>
    %get3A_4 = arith.constant 1 : index
    %get3A_5 = arith.constant 0 : index
    %get3A_6 = arith.constant 0 : index
    %get3A_7 = vector.load %arg2[%get3A_4, %get3A_5, %get3A_6] : memref<2x400x16xf32, #tpu.memory_space<vmem>>, vector<1x400x1xf32>
    %get3A_8 = vector.shape_cast %get3A_7 : vector<1x400x1xf32> to vector<400x1xf32>
    %add3A = arith.addf %get3A_3, %get3A_8 : vector<400x1xf32>
    %gt3A = arith.constant 0.000000e+00 : f32
    %gt3A_9 = vector.broadcast %gt3A : f32 to vector<400x1xf32>
    %gt3A_10 = arith.cmpf ogt, %add3A, %gt3A_9 : vector<400x1xf32>
    %rsqrt3A = math.rsqrt %add3A : vector<400x1xf32>
    %jit3A = arith.constant 0.000000e+00 : f32
    %broadcast_in_dim3A = vector.broadcast %jit3A : f32 to vector<400x1xf32>
    %select_n3A = arith.select %gt3A_10, %rsqrt3A, %broadcast_in_dim3A : vector<400x1xi1>, vector<400x1xf32>
    %get3A_11 = arith.constant 0 : index
    %get3A_12 = arith.constant 0 : index
    %get3A_13 = arith.constant 0 : index
    %get3A_14 = vector.load %arg1[%get3A_11, %get3A_12, %get3A_13] : memref<2x400x128xf32, #tpu.memory_space<vmem>>, vector<1x400x128xf32>
    %get3A_15 = vector.shape_cast %get3A_14 : vector<1x400x128xf32> to vector<400x128xf32>
    %get3A_16 = arith.constant 1 : index
    %get3A_17 = arith.constant 0 : index
    %get3A_18 = arith.constant 0 : index
    %get3A_19 = vector.load %arg1[%get3A_16, %get3A_17, %get3A_18] : memref<2x400x128xf32, #tpu.memory_space<vmem>>, vector<1x400x128xf32>
    %get3A_20 = vector.shape_cast %get3A_19 : vector<1x400x128xf32> to vector<400x128xf32>
    %add3A_21 = arith.addf %get3A_15, %get3A_20 : vector<400x128xf32>
    %mul3A = vector.broadcast %select_n3A : vector<400x1xf32> to vector<400x128xf32>
    %mul3A_22 = arith.mulf %add3A_21, %mul3A : vector<400x128xf32>
    %get3A_23 = arith.constant 0 : index
    %get3A_24 = arith.constant 0 : index
    %get3A_25 = vector.load %arg3[%get3A_23, %get3A_24] : memref<1x128xf32, #tpu.memory_space<vmem>>, vector<1x128xf32>
    %add3A_26 = vector.broadcast %get3A_25 : vector<1x128xf32> to vector<400x128xf32>
    %add3A_27 = arith.addf %mul3A_22, %add3A_26 : vector<400x128xf32>
    %swap3A = arith.constant 0 : index
    %swap3A_28 = arith.constant 0 : index
    %swap3A_29 = vector.load %arg4[%swap3A, %swap3A_28] : memref<400x128xf32, #tpu.memory_space<vmem>>, vector<400x128xf32>
    tpu.vector_store %arg4[%swap3A, %swap3A_28], %add3A_27 {strides = array<i32>} : memref<400x128xf32, #tpu.memory_space<vmem>>, vector<400x128xf32>,
    return
  }
  func.func @transform_0(%arg0: i32) -> (i32, i32, i32) {
    %c0_i32 = arith.constant 0 : i32
    %c0_i32_0 = arith.constant 0 : i32
    %c0_i32_1 = arith.constant 0 : i32
    return %c0_i32, %arg0, %c0_i32_0 : i32, i32, i32
  }
  func.func @transform_1(%arg0: i32) -> (i32, i32, i32) {
    %c0_i32 = arith.constant 0 : i32
    %c0_i32_0 = arith.constant 0 : i32
    %c0_i32_1 = arith.constant 0 : i32
    return %c0_i32, %arg0, %c0_i32_0 : i32, i32, i32
  }
  func.func @transform_2(%arg0: i32) -> (i32, i32) {
    %c0_i32 = arith.constant 0 : i32
    %c0_i32_0 = arith.constant 0 : i32
    %c0_i32_1 = arith.constant 0 : i32
    return %c0_i32, %c0_i32_0 : i32, i32
  }
  func.func @transform_3(%arg0: i32) -> (i32, i32) {
    %c0_i32 = arith.constant 0 : i32
    %c0_i32_0 = arith.constant 0 : i32
    return %arg0, %c0_i32 : i32, i32
  }
}

</mosaic_0001>

<sc_bundles>
// kernel: kernel.11.cloned.1.call-start
scs
__scs_entry_jumppad:
0x0: {  	(pc) =	sbr.rel $0x88, $3  }
0x1: {  	(tag) =	ssettag $0x0;
	lr =	simm.s32 $0x1  }
0x2: {  	[smem:$0x3F9B] =	sst lr;
	_ =	strace $0xD0000000  }
0x3: {  	_ = 	snop  }
0x4: {  	_ = 	snop  }
0x5: {  	_ = 	snop  }
0x6: {  	_ = 	snop  }
0x7: {  	_ = 	snop  }
__scs_overlays_trampoline_lowered:
0x8: {  	[smem:$0x3FAA] =	sst s0  }
0x9: {  	[smem:$0x3FAB] =	sst s1  }
0xa: {  	[smem:$0x3FAC] =	sst s2  }
0xb: {  	[smem:$0x3FAD] =	sst s3  }
0xc: {  	[smem:$0x3FAE] =	sst s4  }
0xd: {  	[smem:$0x3FAF] =	sst s5  }
0xe: {  	[smem:$0x3FB0] =	sst s6  }
0xf: {  	[smem:$0x3FB1] =	sst s7  }
0x10: {  	[smem:$0x3FB2] =	sst s8  }
0x11: {  	[smem:$0x3FB3] =	sst s9;
	s0 =	simm.s32 @!p0 $0x0  }
0x12: {  	s1 =	sld [smem:$0x3F99];
	s0 =	simm.s32 @p0 $0x1  }
0x13: {  	[smem:$0x3FB4] =	sst s0;
	s0 =	simm.s32 @!p1 $0x0  }
0x14: {  	s2 =	sld [smem:$0x3F98];
	s0 =	simm.s32 @p1 $0x1  }
0x15: {  	[smem:$0x3FB5] =	sst s0;
	s0 =	simm.s32 @!p2 $0x0  }
0x16: {  	s3 =	sld [smem:$0x3FDB];
	s0 =	simm.s32 @p2 $0x1  }
0x17: {  	s4 =	simm.s32 $0x1BF5;
	[smem:$0x3FB7] =	sst s0  }
0x18: {  	s0 =	sld [smem:$0x3F9A];
	_ =	swait.ge [sflag:s4], $0x0  }
0x19: {  	s7 =	sld [smem:$0x3F9B]  }
0x1a: {  	s8 =	sadd.s32 $0xFFFFE003, lr  }
0x1b: {  	s9 =	sadd.s32 $0xFFFFFEF7, lr;
	s5 =	simm.s32 $0xFFFFFFFF;
	p2 =	slt.u32 s8, $0xFFFFF086  }
0x1c: {  	p1 =	slt.u32 s9, $0xF7A;
	s5 =	simm.s32 @!p2 $0x0  }
0x1d: {  	s5 =	simm.s32 @p1 $0x1;
	p0 =	seq.s32 s7, s2  }
0x1e: {  	s7 =	smul.u32 @!p0 $0xF7A, s2;
	p2 =	seq.s32 @!p0 s5, $0x0  }
0x1f: {  	s9 =	smul.u32 $0xF7A, s1;
	s8 =	simm.s32 @!p0 $0x1BF5;
	p2 =	por !p2, p0  }
0x20: {  	[sflag:s8] =	ssyncset.s32 @!p0 $0xFFFFF086;
	s6 =	sadd.s32 @!p0 s3, s7;
	s7 =	simm.s32 @!p0 $0x108  }
0x21: {  	s3 =	sadd.s32 s3, s9;
	s6 =	sadd.s32 @!p0 $0x88, s6;
	s7 =	simm.s32 @p2 $0x1082  }
0x22: {  	[simem:s7], [sflag:s8] =	dma.local @!p0 [hbm:s6], $0xF7A  }
0x23: {  	s9 =	sor.u32 $0xD0000000, s2;
	s6 =	simm.s32 $0x108;
	_ =	swait.ge @!p0 [sflag:s8], $0x0  }
0x24: {  	s3 =	sadd.s32 $0x88, s3;
	s6 =	simm.s32 @!p1 $0x1082;
	[sflag:s4] =	ssyncset.s32 $0xFFFFF086  }
0x25: {  	[simem:s6], [sflag:s4] =	dma.local [hbm:s3], $0xF7A  }
0x26: {  	[smem:$0x3F9B] =	sst s1;
	(tag) =	ssettag s2;
	_ =	strace s9  }
0x27: {  	s1 =	sld [smem:$0x3FAB]  }
0x28: {  	s2 =	sld [smem:$0x3FAC]  }
0x29: {  	s4 =	sld [smem:$0x3FAE]  }
0x2a: {  	p0 =	seq.s32 s5, $0x0;
	s5 =	sld [smem:$0x3FAF]  }
0x2b: {  	s6 =	sld [smem:$0x3FB0]  }
0x2c: {  	s7 =	sld [smem:$0x3FB1]  }
0x2d: {  	s3 =	simm.s32 $0x108;
	s8 =	sld [smem:$0x3FB2]  }
0x2e: {  	s3 =	simm.s32 @!p0 $0x1082;
	s9 =	sld [smem:$0x3FB3]  }
0x2f: {  	lr =	sadd.s32 s0, s3;
	s0 =	sld [smem:$0x3FAA]  }
0x30: {  	s3 =	sld [smem:$0x3FAD]  }
0x31: {  	[smem:$0x3FB6] =	sst s10  }
0x32: {  	s10 =	sld [smem:$0x3FB4];
	_ =	sdelay $0x3  }
0x33: {  	p0 =	seq.s32 s10, $0x1;
	s10 =	sld [smem:$0x3FB6];
	_ =	sdelay $0x3  }
0x34: {  	[smem:$0x3FB6] =	sst s10  }
0x35: {  	s10 =	sld [smem:$0x3FB5];
	_ =	sdelay $0x3  }
0x36: {  	p1 =	seq.s32 s10, $0x1;
	s10 =	sld [smem:$0x3FB6];
	_ =	sdelay $0x3  }
0x37: {  	[smem:$0x3FB6] =	sst s10  }
0x38: {  	s10 =	sld [smem:$0x3FB7]  }
0x39: {  	_ = 	snop;
	(pc) =	sbr.ind lr, $3  }
0x3a: {  	_ = 	snop  }
0x3b: {  	_ = 	snop  }
0x3c: {  	p2 =	seq.s32 s10, $0x1;
	s10 =	sld [smem:$0x3FB6]  }
0x3d: {  	_ =	shalt  }
0x3e: {  	_ =	shalt  }
0x3f: {  	_ =	shalt  }
0x40: {  	_ =	shalt  }
0x41: {  	_ =	shalt  }
0x42: {  	_ =	shalt  }
0x43: {  	_ =	shalt  }
0x44: {  	_ =	shalt  }
0x45: {  	_ =	shalt  }
0x46: {  	_ =	shalt  }
0x47: {  	_ =	shalt  }
0x48: {  	_ =	shalt  }
0x49: {  	_ =	shalt  }
0x4a: {  	_ =	shalt  }
0x4b: {  	_ =	shalt  }
0x4c: {  	_ =	shalt  }
0x4d: {  	_ =	shalt  }
0x4e: {  	_ =	shalt  }
0x4f: {  	_ =	shalt  }
0x50: {  	_ =	shalt  }
0x51: {  	_ =	shalt  }
0x52: {  	_ =	shalt  }
0x53: {  	_ =	shalt  }
0x54: {  	_ =	shalt  }
0x55: {  	_ =	shalt  }
0x56: {  	_ =	shalt  }
0x57: {  	_ =	shalt  }
0x58: {  	_ =	shalt  }
0x59: {  	_ =	shalt  }
0x5a: {  	_ =	shalt  }
0x5b: {  	_ =	shalt  }
0x5c: {  	_ =	shalt  }
0x5d: {  	_ =	shalt  }
0x5e: {  	_ =	shalt  }
0x5f: {  	_ =	shalt  }
0x60: {  	_ =	shalt  }
0x61: {  	_ =	shalt  }
0x62: {  	_ =	shalt  }
0x63: {  	_ =	shalt  }
0x64: {  	_ =	shalt  }
0x65: {  	_ =	shalt  }
0x66: {  	_ =	shalt  }
0x67: {  	_ =	shalt  }
0x68: {  	_ =	shalt  }
0x69: {  	_ =	shalt  }
0x6a: {  	_ =	shalt  }
0x6b: {  	_ =	shalt  }
0x6c: {  	_ =	shalt  }
0x6d: {  	_ =	shalt  }
0x6e: {  	_ =	shalt  }
0x6f: {  	_ =	shalt  }
0x70: {  	_ =	shalt  }
0x71: {  	_ =	shalt  }
0x72: {  	_ =	shalt  }
0x73: {  	_ =	shalt  }
0x74: {  	_ =	shalt  }
0x75: {  	_ =	shalt  }
0x76: {  	_ =	shalt  }
0x77: {  	_ =	shalt  }
0x78: {  	_ =	shalt  }
0x79: {  	_ =	shalt  }
0x7a: {  	_ =	shalt  }
0x7b: {  	_ =	shalt  }
0x7c: {  	_ =	shalt  }
0x7d: {  	_ =	shalt  }
0x7e: {  	_ =	shalt  }
0x7f: {  	_ =	shalt  }
0x80: {  	_ =	shalt  }
0x81: {  	_ =	shalt  }
0x82: {  	_ =	shalt  }
0x83: {  	_ =	shalt  }
0x84: {  	_ =	shalt  }
0x85: {  	_ =	shalt  }
0x86: {  	_ =	shalt  }
0x87: {  	_ =	shalt  }
.Lfunc_end0:
.L_simem_size_0:
called_computation.1_lowered:
.L_overlay_start_0:
0x88: {  	s2 =	sld [smem:$0x3FD9]  }
0x89: {  	s3 =	sld [smem:$0x3FFE];
	_ =	sdelay $0x1  }
0x8a: {  	s1 =	srdreg.scid  }
0x8b: {  	s0 =	sand.u32 $0x1, s1  }
0x8c: {  	s17 =	sshll.u32 s0, $0xA;
	s2 =	sadd.s32 s3, s2  }
0x8d: {  	s2 =	sadd.s32 s2, s17  }
0x8e: {  	[smem:$0x3FC2] =	sst s2  }
0x8f: {  	_ = 	snop  }
0x90: {  	s2 =	sld [smem:$0x3FD0];
	(tm) =	ssettm $0x1  }
0x91: {  	s18 =	sld [smem:$0x3FFB];
	_ =	sdelay $0x3  }
0x92: {  	_ =	strace s18  }
0x93: {  	s3 =	sld [smem:$0x3FFC];
	_ =	sdelay $0x3  }
0x94: {  	_ =	strace s3  }
0x95: {  	s3 =	sld [smem:$0x3FFD];
	_ =	sdelay $0x3  }
0x96: {  	_ =	strace s3  }
0x97: {  	_ =	strace $0x8FFFFFFF  }
0x98: {  	s19 =	sld [smem:$0x3FDB];
	_ =	sdelay $0x1  }
0x99: {  	s4 =	simm.s32 $_scs_section_size  }
0x9a: {  	s5 =	simm.s32 $_size__tile_overlayer_lowered;
	s6 =	simm.s32 $_tile_overlayer_lowered  }
0x9b: {  	s22 =	simm.s32 $0x1BFF;
	s21 =	sshll.u32 s6, $0x1;
	s3 =	sadd.s32 s4, s19  }
0x9c: {  	s7 =	simm.s32 $0x0;
	s20 =	sshll.u32 s5, $0x1;
	s5 =	sadd.s32 s21, s3  }
0x9d: {  	[timem:s7], [sflag:s22] =	dma.local [hbm:s5], s20  }
0x9e: {  	_ =	swait.ge [sflag:s22], s20  }
0x9f: {  	s4 =	ssub.s32 $0x0, s20;
	[sflag:s22] =	ssyncset.done $0x0  }
0xa0: {  	[sflag:s22] =	ssyncadd.s32 s4;
	_ =	sdelay $0x1  }
0xa1: {  	s23 =	simm.s32 $0x1B8B  }
0xa2: {  	_ =	swait.ge [sflag:s23], $0x1  }
0xa3: {  	[sflag:s23] =	ssyncset.done $0x0  }
0xa4: {  	s25 =	simm.s32 $0x1B8E;
	s24 =	sld [smem:$0x3FFE];
	[sflag:s23] =	ssyncadd.s32 $0xFFFFFFFF  }
0xa5: {  	s26 =	simm.s32 $execute0_lowered;
	[smem:$0x3FD2] =	sst s25  }
0xa6: {  	s5 =	sshll.u32 s26, $0x1;
	_ =	strace $0x80000049;
	[dreg:$0x1] =	wrdreg $0xFFFFFFFF  }
0xa7: {  	s28 =	simm.s32 $_size_execute0_lowered;
	s3 =	sadd.s32 s3, s5;
	[dreg:$0x0] =	wrdreg $0x0  }
0xa8: {  	s5 =	sshll.u32 s28, $0x1;
	[dreg:$0x2] =	wrdreg s3  }
0xa9: {  	[dreg:$0x3] =	wrdreg s5  }
0xaa: {  	[dreg:$0x4] =	wrdreg $0xC0  }
0xab: {  	_ =	task [dreg:s7], $0x5FFFF  }
0xac: {  	[dreg:$0x1] =	wrdreg $0xFFFFFFFF  }
0xad: {  	[dreg:$0x0] =	wrdreg $0x60  }
0xae: {  	[dreg:$0x2] =	wrdreg s2  }
0xaf: {  	[dreg:$0x3] =	wrdreg s24  }
0xb0: {  	[dreg:$0x4] =	wrdreg $0x92000  }
0xb1: {  	[dreg:$0x5] =	wrdreg $0x9  }
0xb2: {  	_ =	task.clear_ibuf [dreg:s7], $0x6FFFF;
	_ =	strace $0x90000049  }
0xb3: {  	s29 =	simm.s32 $0x9;
	_ =	strace $0x8000004B  }
0xb4: {  	_ =	swait.ge [sflag:s29], $0x1  }
0xb5: {  	[sflag:s29] =	ssyncadd.s32 $0xFFFFFFFF  }
0xb6: {  	_ =	strace $0x9000004B  }
0xb7: {  	_ =	sfence  }
0xb8: {  	s30 =	sld [smem:$0x0];
	_ =	sdelay $0x2  }
0xb9: {  	s31 =	sshll.u32 s1, $0xD;
	s1 =	sshrl.u32 s1, $0x2  }
0xba: {  	s3 =	sand.u32 $0x4000, s31;
	s1 =	sadd.s32 s1, s30  }
0xbb: {  	s0 =	sor.u32 s3, s0;
	s1 =	sshll.u32 s1, $0x11  }
0xbc: {  	s0 =	sor.u32 s1, s0  }
0xbd: {  	s0 =	sadd.s32 $0x8F2B, s0  }
0xbe: {  	[sflag:s0] =	ssyncadd.remote.s32 $0x1  }
0xbf: {  	_ =	sfence.sel $0xFFFF  }
0xc0: {  	[dreg:$0x0] =	wrdreg $0xFFFFFFFF;
	(pc) =	sbr.abs _section_cstart, $3  }
0xc1: {  	[dreg:$0x1] =	wrdreg $0xFFFFFFFF  }
0xc2: {  	_ =	task.clear_ibuf [dreg:s7], $0x2FFFF;
	_ =	strace $0x9FFFFFFF  }
0xc3: {  	(tm) =	ssettm $0x7FFFFFFF  }
tec
execute0_lowered:
.L_overlay_start_1:
0x0: {  	(tag) =	ssettag $0x1  }
0x1: {  	s1 =	rddreg [dreg:$0x0]  }
0x2: {  	s0 =	rddreg [dreg:$0x1]  }
0x3: {  	s2 =	rddreg [dreg:$0x2];
	s3 =	srdreg.scid;
	s4 =	simm.s32 $0x0  }
0x4: {  	s14 =	stileid.u32;
	s18 =	simm.s32 $0x3;
	s28 =	simm.s32 $0x2  }
0x5: {  	s31 =	simm.s32 $0x0;
	s3 =	sand.u32 $0x1, s3;
	s9 =	smul.u32 $0x14000, s14  }
0x6: {  	[smem:$0x7FF] =	sst s4;
	s19 =	sadd.s32 $0xC800, s0;
	s21 =	smul.u32 $0x50000, s14  }
0x7: {  	s23 =	sshll.u32 s14, $0x6;
	s24 =	smul.u32 $0x2710, s14;
	s5 =	sshll.u32 s3, $0x4  }
0x8: {  	s7 =	smul.u32 $0x140000, s3;
	_ =	strace $0x8000004A;
	[dreg:$0x4] =	wrdreg s19  }
0x9: {  	s20 =	ssub.s32 $0x2, s3;
	s3 =	smul.u32 $0x27100, s3;
	s6 =	sor.u32 s14, s5  }
0xa: {  	s5 =	sadd.s32 $0x2A00, s0;
	s11 =	sshrl.u32 s20, $0x1;
	s22 =	sshrl.u32 s21, $0x2  }
0xb: {  	s21 =	simm.s32 $0x50;
	s8 =	sshll.u32 s6, $0xB;
	s7 =	sadd.s32 s9, s7  }
0xc: {  	s6 =	smul.u32 $0x2710, s6;
	s12 =	ssub.s32 s20, s11;
	s13 =	sadd.s32 s22, s2  }
0xd: {  	s26 =	sadd.s32 s24, s3;
	s20 =	simm.s32 $0x80;
	s22 =	simm.s32 $0x4200  }
0xe: {  	s24 =	simm.s32 $0x100;
	s10 =	sadd.s32 s8, s0;
	s7 =	sshrl.u32 s7, $0x3  }
0xf: {  	s8 =	sor.u32 $0x1C03, s23;
	s12 =	smax.u32 s12, $0x1;
	s3 =	sadd.s32 $0xF0, s26  }
0x10: {  	s30 =	sadd.s32 $0x190, s26;
	s17 =	sshrl.u32 s13, $0x3;
	s23 =	simm.s32 $0x6A00  }
0x11: {  	s0 =	sadd.s32 s7, s0;
	s6 =	sshrl.u32 s6, $0x3;
	s25 =	sadd.s32 $0x19000, s10  }
.Ltmp0:
0x12: {  	s3 =	sshrl.u32 s3, $0x3;
	s14 =	sshrl.u32 s30, $0x3;
	(pc) =	sbr.rel .LBB2_1-.Ltmp0, $4  }
0x13: {  	s7 =	sadd.s32 s5, s6;
	[dreg:$0x5] =	wrdreg s25;
	s11 =	sadd.s32 $0x79000, s0  }
0x14: {  	s6 =	sadd.s32 $0xA0, s26;
	s29 =	sadd.s32 s3, s5;
	s3 =	sadd.s32 s14, s5  }
0x15: {  	s0 =	sadd.s32 $0x140, s26;
	s25 =	simm.s32 $0x1;
	s6 =	sshrl.u32 s6, $0x3  }
0x16: {  	s26 =	simm.s32 $0x180;
	s10 =	sadd.s32 $0xA, s7;
	s19 =	sadd.s32 s6, s5  }
.LBB2_4:
0x17: {  	_ =	swait.ge [sflag:s28], $0x2800  }
0x18: {  	[sflag:s28] =	ssyncset.done $0x0  }
0x19: {  	s6 =	simm.s32 $0x3F80;
	[sflag:s28] =	ssyncadd.s32 $0xFFFFD800  }
0x1a: {  	[spmem:s2] =	stream.indirect.scatter.add.f32 [tilespmem:s23], [sflag:$0x3], $0x80, s6, s21, $0xb8;
	[tilespmem:$0x1D200] =	vst v63  }
0x1b: {  	_ =	swait.ge [sflag:s18], $0x2800  }
0x1c: {  	[sflag:s18] =	ssyncset.done $0x0  }
0x1d: {  	[sflag:s18] =	ssyncadd.s32 $0xFFFFD800  }
0x1e: {  	_ =	swait.ge [sflag:s25], $0x2800  }
0x1f: {  	[sflag:s25] =	ssyncset.done $0x0  }
0x20: {  	s30 =	simm.s32 $0x4000;
	[sflag:s25] =	ssyncadd.s32 $0xFFFFD800  }
0x21: {  	[spmem:s2] =	stream.indirect.scatter.add.f32 [tilespmem:s22], [sflag:$0x3], $0x80, s30, s21, $0xb8;
	[tilespmem:$0x1D200] =	vst v63  }
0x22: {  	_ =	swait.ge [sflag:s18], $0x2800  }
0x23: {  	s31 =	sadd.s32 $0x1, s31;
	[sflag:s18] =	ssyncset.done $0x0  }
0x24: {  	p0 =	sne.s32 s31, s12;
	[sflag:s18] =	ssyncadd.s32 $0xFFFFD800  }
.Ltmp1:
0x25: {  	[bflag:$0x0] =	sbarrier.arrive $0xFFFF;
	(pc) =	sbr.rel @!p0 .LBB2_5-.Ltmp1, $4  }
0x26: {  	[hbm:s11], [sflag:s8] =	dma.local [spmem:s17], $0x2800  }
0x27: {  	_ =	swait.ge [sflag:s18], $0x2800  }
0x28: {  	[sflag:s18] =	ssyncset.done $0x0  }
0x29: {  	[sflag:s18] =	ssyncadd.s32 $0xFFFFD800  }
.LBB2_1:
0x2a: {  	s6 =	rddreg [dreg:$0x4]  }
0x2b: {  	[spmem:s17], [sflag:s8] =	dma.local [hbm:s6], $0x2800  }
0x2c: {  	_ =	swait.ge [sflag:s18], $0x2800  }
0x2d: {  	[sflag:s18] =	ssyncset.done $0x0  }
0x2e: {  	s9 =	simm.s32 $0x200;
	s16 =	rddreg [dreg:$0x5];
	[sflag:s18] =	ssyncadd.s32 $0xFFFFD800  }
0x2f: {  	[tilespmem:s9], [sflag:$0x3] =	stream.linear.gather [hbm4b:s16+s4], $0x3E80, $0x38;
	[tilespmem:$0x1D200] =	vst v63  }
0x30: {  	_ =	swait.ge [sflag:s18], $0x3E80  }
0x31: {  	[sflag:s18] =	ssyncset.done $0x0  }
0x32: {  	[sflag:s18] =	ssyncadd.s32 $0xFFFFC180  }
0x33: {  	[tilespmem:s4], [sflag:$0x3] =	stream.linear.gather [hbm4b:s7+s4], $0x50, $0x38;
	[tilespmem:$0x1D200] =	vst v63  }
0x34: {  	_ =	swait.ge [sflag:s18], $0x50  }
0x35: {  	[sflag:s18] =	ssyncset.done $0x0  }
0x36: {  	[sflag:s18] =	ssyncadd.s32 $0xFFFFFFB0  }
0x37: {  	[tilespmem:s20], [sflag:$0x3] =	stream.linear.gather [hbm4b:s10+s4], $0x50, $0x38;
	[tilespmem:$0x1D200] =	vst v63  }
0x38: {  	_ =	swait.ge [sflag:s18], $0x50  }
0x39: {  	[sflag:s18] =	ssyncset.done $0x0  }
0x3a: {  	[sflag:s18] =	ssyncadd.s32 $0xFFFFFFB0  }
0x3b: {  	s15 =	smov.u32 s3;
	s14 =	smov.u32 s19;
	[bflag:$0x0] =	sbarrier.arrive $0xFFFF  }
0x3c: {  	[tilespmem:s22], [sflag:$0x1] =	stream.indirect.gather [hbm4b:s1+s21], $0x80, s4, s21, $0xb8;
	[tilespmem:$0x1D200] =	vst v63  }
0x3d: {  	s13 =	smov.u32 s29;
	s30 =	simm.s32 $0x0;
	s16 =	smov.u32 s0  }
0x3e: {  	[tilespmem:s23], [sflag:$0x2] =	stream.indirect.gather [hbm4b:s1+s21], $0x80, s20, s21, $0xb8;
	[tilespmem:$0x1D200] =	vst v63  }
.LBB2_2:
0x3f: {  	[tilespmem:s24], [sflag:$0x3] =	stream.linear.gather [hbm4b:s14+s4], $0x50, $0x38;
	[tilespmem:$0x1D200] =	vst v63  }
0x40: {  	_ =	swait.ge [sflag:s18], $0x50  }
0x41: {  	[sflag:s18] =	ssyncset.done $0x0  }
0x42: {  	[sflag:s18] =	ssyncadd.s32 $0xFFFFFFB0  }
0x43: {  	_ =	swait.ge [sflag:s25], $0x2800  }
0x44: {  	s6 =	sshra.s32 s30, $0x2;
	[sflag:s25] =	ssyncset.done $0x0  }
0x45: {  	s9 =	sadd.s32 $0x200, s6;
	[sflag:s25] =	ssyncadd.s32 $0xFFFFD800  }
0x46: {  	[spmem:s2] =	stream.indirect.scatter.add.f32 [tilespmem:s22], [sflag:$0x3], $0x80, s9, s21, $0xb8;
	[tilespmem:$0x1D200] =	vst v63  }
0x47: {  	_ =	swait.ge [sflag:s18], $0x2800  }
0x48: {  	[sflag:s18] =	ssyncset.done $0x0  }
0x49: {  	[sflag:s18] =	ssyncadd.s32 $0xFFFFD800  }
0x4a: {  	[tilespmem:s22], [sflag:$0x1] =	stream.indirect.gather [hbm4b:s1+s21], $0x80, s24, s21, $0xb8;
	[tilespmem:$0x1D200] =	vst v63  }
0x4b: {  	_ = 	snop  }
0x4c: {  	[tilespmem:s26], [sflag:$0x3] =	stream.linear.gather [hbm4b:s13+s4], $0x50, $0x38;
	[tilespmem:$0x1D200] =	vst v63  }
0x4d: {  	_ =	swait.ge [sflag:s18], $0x50  }
0x4e: {  	[sflag:s18] =	ssyncset.done $0x0  }
0x4f: {  	[sflag:s18] =	ssyncadd.s32 $0xFFFFFFB0  }
0x50: {  	_ =	swait.ge [sflag:s28], $0x2800  }
0x51: {  	[sflag:s28] =	ssyncset.done $0x0  }
0x52: {  	s9 =	sadd.s32 $0x280, s6;
	[sflag:s28] =	ssyncadd.s32 $0xFFFFD800  }
0x53: {  	[spmem:s2] =	stream.indirect.scatter.add.f32 [tilespmem:s23], [sflag:$0x3], $0x80, s9, s21, $0xb8;
	[tilespmem:$0x1D200] =	vst v63  }
0x54: {  	_ =	swait.ge [sflag:s18], $0x2800  }
0x55: {  	[sflag:s18] =	ssyncset.done $0x0  }
0x56: {  	s9 =	sshrl.u32 s16, $0x3;
	[sflag:s18] =	ssyncadd.s32 $0xFFFFD800  }
0x57: {  	[tilespmem:s23], [sflag:$0x2] =	stream.indirect.gather [hbm4b:s1+s21], $0x80, s26, s21, $0xb8;
	[tilespmem:$0x1D200] =	vst v63  }
0x58: {  	s9 =	sadd.s32 s5, s9  }
0x59: {  	[tilespmem:s4], [sflag:$0x3] =	stream.linear.gather [hbm4b:s9+s4], $0x50, $0x38;
	[tilespmem:$0x1D200] =	vst v63  }
0x5a: {  	_ =	swait.ge [sflag:s18], $0x50  }
0x5b: {  	[sflag:s18] =	ssyncset.done $0x0  }
0x5c: {  	[sflag:s18] =	ssyncadd.s32 $0xFFFFFFB0  }
0x5d: {  	_ =	swait.ge [sflag:s25], $0x2800  }
0x5e: {  	[sflag:s25] =	ssyncset.done $0x0  }
0x5f: {  	p0 =	seq.s32 s30, $0xF000;
	s9 =	sadd.s32 $0x300, s6;
	[sflag:s25] =	ssyncadd.s32 $0xFFFFD800  }
0x60: {  	[spmem:s2] =	stream.indirect.scatter.add.f32 [tilespmem:s22], [sflag:$0x3], $0x80, s9, s21, $0xb8;
	[tilespmem:$0x1D200] =	vst v63  }
.Ltmp2:
0x61: {  	_ = 	snop;
	(pc) =	sbr.rel @p0 .LBB2_4-.Ltmp2, $4  }
0x62: {  	_ =	swait.ge [sflag:s18], $0x2800  }
0x63: {  	[sflag:s18] =	ssyncset.done $0x0  }
0x64: {  	[sflag:s18] =	ssyncadd.s32 $0xFFFFD800  }
0x65: {  	[tilespmem:s22], [sflag:$0x1] =	stream.indirect.gather [hbm4b:s1+s21], $0x80, s4, s21, $0xb8;
	[tilespmem:$0x1D200] =	vst v63  }
0x66: {  	[tilespmem:s20], [sflag:$0x3] =	stream.linear.gather [hbm4b:s15+s4], $0x50, $0x38;
	[tilespmem:$0x1D200] =	vst v63  }
0x67: {  	_ =	swait.ge [sflag:s18], $0x50  }
0x68: {  	[sflag:s18] =	ssyncset.done $0x0  }
0x69: {  	[sflag:s18] =	ssyncadd.s32 $0xFFFFFFB0  }
0x6a: {  	_ =	swait.ge [sflag:s28], $0x2800  }
0x6b: {  	[sflag:s28] =	ssyncset.done $0x0  }
0x6c: {  	s6 =	sadd.s32 $0x380, s6;
	[sflag:s28] =	ssyncadd.s32 $0xFFFFD800  }
0x6d: {  	[spmem:s2] =	stream.indirect.scatter.add.f32 [tilespmem:s23], [sflag:$0x3], $0x80, s6, s21, $0xb8;
	[tilespmem:$0x1D200] =	vst v63  }
.Ltmp3:
0x6e: {  	_ = 	snop;
	(pc) =	sbr.rel .LBB2_2-.Ltmp3, $4  }
0x6f: {  	s30 =	sadd.s32 $0x800, s30;
	_ =	swait.ge [sflag:s18], $0x2800  }
0x70: {  	s13 =	sadd.s32 $0x28, s13;
	s14 =	sadd.s32 $0x28, s14;
	[sflag:s18] =	ssyncset.done $0x0  }
0x71: {  	s15 =	sadd.s32 $0x28, s15;
	s16 =	sadd.s32 $0x140, s16;
	[sflag:s18] =	ssyncadd.s32 $0xFFFFD800  }
0x72: {  	[tilespmem:s23], [sflag:$0x2] =	stream.indirect.gather [hbm4b:s1+s21], $0x80, s20, s21, $0xb8;
	[tilespmem:$0x1D200] =	vst v63  }
.LBB2_5:
0x73: {  	_ =	sfence.sel $0x180000  }
0x74: {  	[bflag:$0x0] =	sbarrier.arrive $0xFFFF  }
0x75: {  	_ =	strace $0x9000004A  }
0x76: {  	s0 =	stileid.u32;
	[bflag:$0x2] =	sbarrier.arrive $0xFFFF  }
0x77: {  	p0 =	sne.s32 s0, $0x0;
	s0 =	rddreg [dreg:$0x3]  }
0x78: {  	s0 =	sadd.s32 @!p0 $0x100000, s0  }
0x79: {  	[sflag:s0] =	ssyncadd.tile.s32 @!p0 $0x1;
	_ =	shalt  }
.Lfunc_end2:
_tile_overlayer_lowered:
.L_overlay_start_2:
0x7a: {  	(tag) =	ssettag $0x2  }
0x7b: {  	s0 =	rddreg [dreg:$0x0];
	s2 =	stileid.u32  }
0x7c: {  	s1 =	rddreg [dreg:$0x1];
	p0 =	sne.s32 s2, $0x0  }
0x7d: {  	s3 =	rddreg [dreg:$0x2];
	[bflag:$0x3] =	sbarrier.arrive $0xFFFF;
	s2 =	simm.s32 @!p0 $0x1C03  }
0x7e: {  	[timem:s3], [sflag:s2] =	dma.local @!p0 [hbm:s0], s1  }
0x7f: {  	s0 =	simm.s32 @!p0 $0x3  }
0x80: {  	_ =	swait.ge @!p0 [sflag:s0], s1  }
0x81: {  	s1 =	ssub.s32 @!p0 $0x0, s1;
	[sflag:s0] =	ssyncset.done @!p0 $0x0  }
0x82: {  	[sflag:s0] =	ssyncadd.s32 @!p0 s1  }
0x83: {  	[bflag:$0x3] =	sbarrier.arrive $0xFFFF  }
0x84: {  	_ =	shalt  }

// kernel: kernel.14.cloned.1.call-start
scs
__scs_entry_jumppad:
0x0: {  	(pc) =	sbr.rel $0x88, $3  }
0x1: {  	(tag) =	ssettag $0x0;
	lr =	simm.s32 $0x1  }
0x2: {  	[smem:$0x3F9B] =	sst lr;
	_ =	strace $0xD0000000  }
0x3: {  	_ = 	snop  }
0x4: {  	_ = 	snop  }
0x5: {  	_ = 	snop  }
0x6: {  	_ = 	snop  }
0x7: {  	_ = 	snop  }
__scs_overlays_trampoline_lowered:
0x8: {  	[smem:$0x3FAA] =	sst s0  }
0x9: {  	[smem:$0x3FAB] =	sst s1  }
0xa: {  	[smem:$0x3FAC] =	sst s2  }
0xb: {  	[smem:$0x3FAD] =	sst s3  }
0xc: {  	[smem:$0x3FAE] =	sst s4  }
0xd: {  	[smem:$0x3FAF] =	sst s5  }
0xe: {  	[smem:$0x3FB0] =	sst s6  }
0xf: {  	[smem:$0x3FB1] =	sst s7  }
0x10: {  	[smem:$0x3FB2] =	sst s8  }
0x11: {  	[smem:$0x3FB3] =	sst s9;
	s0 =	simm.s32 @!p0 $0x0  }
0x12: {  	s1 =	sld [smem:$0x3F99];
	s0 =	simm.s32 @p0 $0x1  }
0x13: {  	[smem:$0x3FB4] =	sst s0;
	s0 =	simm.s32 @!p1 $0x0  }
0x14: {  	s2 =	sld [smem:$0x3F98];
	s0 =	simm.s32 @p1 $0x1  }
0x15: {  	[smem:$0x3FB5] =	sst s0;
	s0 =	simm.s32 @!p2 $0x0  }
0x16: {  	s3 =	sld [smem:$0x3FDB];
	s0 =	simm.s32 @p2 $0x1  }
0x17: {  	s4 =	simm.s32 $0x1BF5;
	[smem:$0x3FB7] =	sst s0  }
0x18: {  	s0 =	sld [smem:$0x3F9A];
	_ =	swait.ge [sflag:s4], $0x0  }
0x19: {  	s7 =	sld [smem:$0x3F9B]  }
0x1a: {  	s8 =	sadd.s32 $0xFFFFE003, lr  }
0x1b: {  	s9 =	sadd.s32 $0xFFFFFEF7, lr;
	s5 =	simm.s32 $0xFFFFFFFF;
	p2 =	slt.u32 s8, $0xFFFFF086  }
0x1c: {  	p1 =	slt.u32 s9, $0xF7A;
	s5 =	simm.s32 @!p2 $0x0  }
0x1d: {  	s5 =	simm.s32 @p1 $0x1;
	p0 =	seq.s32 s7, s2  }
0x1e: {  	s7 =	smul.u32 @!p0 $0xF7A, s2;
	p2 =	seq.s32 @!p0 s5, $0x0  }
0x1f: {  	s9 =	smul.u32 $0xF7A, s1;
	s8 =	simm.s32 @!p0 $0x1BF5;
	p2 =	por !p2, p0  }
0x20: {  	[sflag:s8] =	ssyncset.s32 @!p0 $0xFFFFF086;
	s6 =	sadd.s32 @!p0 s3, s7;
	s7 =	simm.s32 @!p0 $0x108  }
0x21: {  	s3 =	sadd.s32 s3, s9;
	s6 =	sadd.s32 @!p0 $0x88, s6;
	s7 =	simm.s32 @p2 $0x1082  }
0x22: {  	[simem:s7], [sflag:s8] =	dma.local @!p0 [hbm:s6], $0xF7A  }
0x23: {  	s9 =	sor.u32 $0xD0000000, s2;
	s6 =	simm.s32 $0x108;
	_ =	swait.ge @!p0 [sflag:s8], $0x0  }
0x24: {  	s3 =	sadd.s32 $0x88, s3;
	s6 =	simm.s32 @!p1 $0x1082;
	[sflag:s4] =	ssyncset.s32 $0xFFFFF086  }
0x25: {  	[simem:s6], [sflag:s4] =	dma.local [hbm:s3], $0xF7A  }
0x26: {  	[smem:$0x3F9B] =	sst s1;
	(tag) =	ssettag s2;
	_ =	strace s9  }
0x27: {  	s1 =	sld [smem:$0x3FAB]  }
0x28: {  	s2 =	sld [smem:$0x3FAC]  }
0x29: {  	s4 =	sld [smem:$0x3FAE]  }
0x2a: {  	p0 =	seq.s32 s5, $0x0;
	s5 =	sld [smem:$0x3FAF]  }
0x2b: {  	s6 =	sld [smem:$0x3FB0]  }
0x2c: {  	s7 =	sld [smem:$0x3FB1]  }
0x2d: {  	s3 =	simm.s32 $0x108;
	s8 =	sld [smem:$0x3FB2]  }
0x2e: {  	s3 =	simm.s32 @!p0 $0x1082;
	s9 =	sld [smem:$0x3FB3]  }
0x2f: {  	lr =	sadd.s32 s0, s3;
	s0 =	sld [smem:$0x3FAA]  }
0x30: {  	s3 =	sld [smem:$0x3FAD]  }
0x31: {  	[smem:$0x3FB6] =	sst s10  }
0x32: {  	s10 =	sld [smem:$0x3FB4];
	_ =	sdelay $0x3  }
0x33: {  	p0 =	seq.s32 s10, $0x1;
	s10 =	sld [smem:$0x3FB6];
	_ =	sdelay $0x3  }
0x34: {  	[smem:$0x3FB6] =	sst s10  }
0x35: {  	s10 =	sld [smem:$0x3FB5];
	_ =	sdelay $0x3  }
0x36: {  	p1 =	seq.s32 s10, $0x1;
	s10 =	sld [smem:$0x3FB6];
	_ =	sdelay $0x3  }
0x37: {  	[smem:$0x3FB6] =	sst s10  }
0x38: {  	s10 =	sld [smem:$0x3FB7]  }
0x39: {  	_ = 	snop;
	(pc) =	sbr.ind lr, $3  }
0x3a: {  	_ = 	snop  }
0x3b: {  	_ = 	snop  }
0x3c: {  	p2 =	seq.s32 s10, $0x1;
	s10 =	sld [smem:$0x3FB6]  }
0x3d: {  	_ =	shalt  }
0x3e: {  	_ =	shalt  }
0x3f: {  	_ =	shalt  }
0x40: {  	_ =	shalt  }
0x41: {  	_ =	shalt  }
0x42: {  	_ =	shalt  }
0x43: {  	_ =	shalt  }
0x44: {  	_ =	shalt  }
0x45: {  	_ =	shalt  }
0x46: {  	_ =	shalt  }
0x47: {  	_ =	shalt  }
0x48: {  	_ =	shalt  }
0x49: {  	_ =	shalt  }
0x4a: {  	_ =	shalt  }
0x4b: {  	_ =	shalt  }
0x4c: {  	_ =	shalt  }
0x4d: {  	_ =	shalt  }
0x4e: {  	_ =	shalt  }
0x4f: {  	_ =	shalt  }
0x50: {  	_ =	shalt  }
0x51: {  	_ =	shalt  }
0x52: {  	_ =	shalt  }
0x53: {  	_ =	shalt  }
0x54: {  	_ =	shalt  }
0x55: {  	_ =	shalt  }
0x56: {  	_ =	shalt  }
0x57: {  	_ =	shalt  }
0x58: {  	_ =	shalt  }
0x59: {  	_ =	shalt  }
0x5a: {  	_ =	shalt  }
0x5b: {  	_ =	shalt  }
0x5c: {  	_ =	shalt  }
0x5d: {  	_ =	shalt  }
0x5e: {  	_ =	shalt  }
0x5f: {  	_ =	shalt  }
0x60: {  	_ =	shalt  }
0x61: {  	_ =	shalt  }
0x62: {  	_ =	shalt  }
0x63: {  	_ =	shalt  }
0x64: {  	_ =	shalt  }
0x65: {  	_ =	shalt  }
0x66: {  	_ =	shalt  }
0x67: {  	_ =	shalt  }
0x68: {  	_ =	shalt  }
0x69: {  	_ =	shalt  }
0x6a: {  	_ =	shalt  }
0x6b: {  	_ =	shalt  }
0x6c: {  	_ =	shalt  }
0x6d: {  	_ =	shalt  }
0x6e: {  	_ =	shalt  }
0x6f: {  	_ =	shalt  }
0x70: {  	_ =	shalt  }
0x71: {  	_ =	shalt  }
0x72: {  	_ =	shalt  }
0x73: {  	_ =	shalt  }
0x74: {  	_ =	shalt  }
0x75: {  	_ =	shalt  }
0x76: {  	_ =	shalt  }
0x77: {  	_ =	shalt  }
0x78: {  	_ =	shalt  }
0x79: {  	_ =	shalt  }
0x7a: {  	_ =	shalt  }
0x7b: {  	_ =	shalt  }
0x7c: {  	_ =	shalt  }
0x7d: {  	_ =	shalt  }
0x7e: {  	_ =	shalt  }
0x7f: {  	_ =	shalt  }
0x80: {  	_ =	shalt  }
0x81: {  	_ =	shalt  }
0x82: {  	_ =	shalt  }
0x83: {  	_ =	shalt  }
0x84: {  	_ =	shalt  }
0x85: {  	_ =	shalt  }
0x86: {  	_ =	shalt  }
0x87: {  	_ =	shalt  }
.Lfunc_end0:
.L_simem_size_0:
called_computation.2_lowered:
.L_overlay_start_0:
0x88: {  	s2 =	sld [smem:$0x3FD9]  }
0x89: {  	s3 =	sld [smem:$0x3FFE];
	_ =	sdelay $0x1  }
0x8a: {  	s1 =	srdreg.scid  }
0x8b: {  	s0 =	sand.u32 $0x1, s1  }
0x8c: {  	s17 =	sshll.u32 s0, $0xA;
	s2 =	sadd.s32 s3, s2  }
0x8d: {  	s2 =	sadd.s32 s2, s17  }
0x8e: {  	[smem:$0x3FC2] =	sst s2  }
0x8f: {  	_ = 	snop  }
0x90: {  	s2 =	sld [smem:$0x3FD0];
	(tm) =	ssettm $0x1  }
0x91: {  	s18 =	sld [smem:$0x3FFB];
	_ =	sdelay $0x3  }
0x92: {  	_ =	strace s18  }
0x93: {  	s3 =	sld [smem:$0x3FFC];
	_ =	sdelay $0x3  }
0x94: {  	_ =	strace s3  }
0x95: {  	s3 =	sld [smem:$0x3FFD];
	_ =	sdelay $0x3  }
0x96: {  	_ =	strace s3  }
0x97: {  	_ =	strace $0x8FFFFFFF  }
0x98: {  	s19 =	sld [smem:$0x3FDB];
	_ =	sdelay $0x1  }
0x99: {  	s4 =	simm.s32 $_scs_section_size  }
0x9a: {  	s5 =	simm.s32 $_size__tile_overlayer_lowered;
	s6 =	simm.s32 $_tile_overlayer_lowered  }
0x9b: {  	s22 =	simm.s32 $0x1BFF;
	s21 =	sshll.u32 s6, $0x1;
	s3 =	sadd.s32 s4, s19  }
0x9c: {  	s7 =	simm.s32 $0x0;
	s20 =	sshll.u32 s5, $0x1;
	s5 =	sadd.s32 s21, s3  }
0x9d: {  	[timem:s7], [sflag:s22] =	dma.local [hbm:s5], s20  }
0x9e: {  	_ =	swait.ge [sflag:s22], s20  }
0x9f: {  	s4 =	ssub.s32 $0x0, s20;
	[sflag:s22] =	ssyncset.done $0x0  }
0xa0: {  	[sflag:s22] =	ssyncadd.s32 s4;
	_ =	sdelay $0x1  }
0xa1: {  	s23 =	simm.s32 $0x1B8B  }
0xa2: {  	_ =	swait.ge [sflag:s23], $0x1  }
0xa3: {  	[sflag:s23] =	ssyncset.done $0x0  }
0xa4: {  	s25 =	simm.s32 $0x1B8E;
	s24 =	sld [smem:$0x3FFE];
	[sflag:s23] =	ssyncadd.s32 $0xFFFFFFFF  }
0xa5: {  	s26 =	simm.s32 $execute0_lowered;
	[smem:$0x3FD2] =	sst s25  }
0xa6: {  	s5 =	sshll.u32 s26, $0x1;
	_ =	strace $0x8000004C;
	[dreg:$0x1] =	wrdreg $0xFFFFFFFF  }
0xa7: {  	s28 =	simm.s32 $_size_execute0_lowered;
	s3 =	sadd.s32 s3, s5;
	[dreg:$0x0] =	wrdreg $0x0  }
0xa8: {  	s5 =	sshll.u32 s28, $0x1;
	[dreg:$0x2] =	wrdreg s3  }
0xa9: {  	[dreg:$0x3] =	wrdreg s5  }
0xaa: {  	[dreg:$0x4] =	wrdreg $0xC0  }
0xab: {  	_ =	task [dreg:s7], $0x5FFFF  }
0xac: {  	[dreg:$0x1] =	wrdreg $0xFFFFFFFF  }
0xad: {  	[dreg:$0x0] =	wrdreg $0x60  }
0xae: {  	[dreg:$0x2] =	wrdreg s2  }
0xaf: {  	[dreg:$0x3] =	wrdreg s24  }
0xb0: {  	[dreg:$0x4] =	wrdreg $0x92000  }
0xb1: {  	[dreg:$0x5] =	wrdreg $0x9  }
0xb2: {  	_ =	task.clear_ibuf [dreg:s7], $0x6FFFF;
	_ =	strace $0x9000004C  }
0xb3: {  	s29 =	simm.s32 $0x9;
	_ =	strace $0x8000004E  }
0xb4: {  	_ =	swait.ge [sflag:s29], $0x1  }
0xb5: {  	[sflag:s29] =	ssyncadd.s32 $0xFFFFFFFF  }
0xb6: {  	_ =	strace $0x9000004E  }
0xb7: {  	_ =	sfence  }
0xb8: {  	s30 =	sld [smem:$0x0];
	_ =	sdelay $0x2  }
0xb9: {  	s31 =	sshll.u32 s1, $0xD;
	s1 =	sshrl.u32 s1, $0x2  }
0xba: {  	s3 =	sand.u32 $0x4000, s31;
	s1 =	sadd.s32 s1, s30  }
0xbb: {  	s0 =	sor.u32 s3, s0;
	s1 =	sshll.u32 s1, $0x11  }
0xbc: {  	s0 =	sor.u32 s1, s0  }
0xbd: {  	s0 =	sadd.s32 $0x8F2B, s0  }
0xbe: {  	[sflag:s0] =	ssyncadd.remote.s32 $0x1  }
0xbf: {  	_ =	sfence.sel $0xFFFF  }
0xc0: {  	[dreg:$0x0] =	wrdreg $0xFFFFFFFF;
	(pc) =	sbr.abs _section_cstart, $3  }
0xc1: {  	[dreg:$0x1] =	wrdreg $0xFFFFFFFF  }
0xc2: {  	_ =	task.clear_ibuf [dreg:s7], $0x2FFFF;
	_ =	strace $0x9FFFFFFF  }
0xc3: {  	(tm) =	ssettm $0x7FFFFFFF  }
tec
execute0_lowered:
.L_overlay_start_1:
0x0: {  	(tag) =	ssettag $0x1  }
0x1: {  	s1 =	rddreg [dreg:$0x0]  }
0x2: {  	s0 =	rddreg [dreg:$0x1]  }
0x3: {  	s2 =	rddreg [dreg:$0x2];
	s3 =	srdreg.scid;
	s4 =	simm.s32 $0x0  }
0x4: {  	s14 =	stileid.u32;
	s18 =	simm.s32 $0x3;
	s28 =	simm.s32 $0x2  }
0x5: {  	s31 =	simm.s32 $0x0;
	s3 =	sand.u32 $0x1, s3;
	s9 =	smul.u32 $0x14000, s14  }
0x6: {  	[smem:$0x7FF] =	sst s4;
	s19 =	sadd.s32 $0xC800, s0;
	s21 =	smul.u32 $0x50000, s14  }
0x7: {  	s23 =	sshll.u32 s14, $0x6;
	s24 =	smul.u32 $0x2710, s14;
	s5 =	sshll.u32 s3, $0x4  }
0x8: {  	s7 =	smul.u32 $0x140000, s3;
	_ =	strace $0x8000004D;
	[dreg:$0x4] =	wrdreg s19  }
0x9: {  	s20 =	ssub.s32 $0x2, s3;
	s3 =	smul.u32 $0x27100, s3;
	s6 =	sor.u32 s14, s5  }
0xa: {  	s5 =	sadd.s32 $0x2A00, s0;
	s11 =	sshrl.u32 s20, $0x1;
	s22 =	sshrl.u32 s21, $0x2  }
0xb: {  	s21 =	simm.s32 $0x50;
	s8 =	sshll.u32 s6, $0xB;
	s7 =	sadd.s32 s9, s7  }
0xc: {  	s6 =	smul.u32 $0x2710, s6;
	s12 =	ssub.s32 s20, s11;
	s13 =	sadd.s32 s22, s2  }
0xd: {  	s26 =	sadd.s32 s24, s3;
	s20 =	simm.s32 $0x80;
	s22 =	simm.s32 $0x4200  }
0xe: {  	s24 =	simm.s32 $0x100;
	s10 =	sadd.s32 s8, s0;
	s7 =	sshrl.u32 s7, $0x3  }
0xf: {  	s8 =	sor.u32 $0x1C03, s23;
	s12 =	smax.u32 s12, $0x1;
	s3 =	sadd.s32 $0xF0, s26  }
0x10: {  	s30 =	sadd.s32 $0x190, s26;
	s17 =	sshrl.u32 s13, $0x3;
	s23 =	simm.s32 $0x6A00  }
0x11: {  	s0 =	sadd.s32 s7, s0;
	s6 =	sshrl.u32 s6, $0x3;
	s25 =	sadd.s32 $0x19000, s10  }
.Ltmp0:
0x12: {  	s3 =	sshrl.u32 s3, $0x3;
	s14 =	sshrl.u32 s30, $0x3;
	(pc) =	sbr.rel .LBB2_1-.Ltmp0, $4  }
0x13: {  	s7 =	sadd.s32 s5, s6;
	[dreg:$0x5] =	wrdreg s25;
	s11 =	sadd.s32 $0x79000, s0  }
0x14: {  	s6 =	sadd.s32 $0xA0, s26;
	s29 =	sadd.s32 s3, s5;
	s3 =	sadd.s32 s14, s5  }
0x15: {  	s0 =	sadd.s32 $0x140, s26;
	s25 =	simm.s32 $0x1;
	s6 =	sshrl.u32 s6, $0x3  }
0x16: {  	s26 =	simm.s32 $0x180;
	s10 =	sadd.s32 $0xA, s7;
	s19 =	sadd.s32 s6, s5  }
.LBB2_4:
0x17: {  	_ =	swait.ge [sflag:s28], $0x2800  }
0x18: {  	[sflag:s28] =	ssyncset.done $0x0  }
0x19: {  	s6 =	simm.s32 $0x3F80;
	[sflag:s28] =	ssyncadd.s32 $0xFFFFD800  }
0x1a: {  	[spmem:s2] =	stream.indirect.scatter.add.f32 [tilespmem:s23], [sflag:$0x3], $0x80, s6, s21, $0xb8;
	[tilespmem:$0x1D200] =	vst v63  }
0x1b: {  	_ =	swait.ge [sflag:s18], $0x2800  }
0x1c: {  	[sflag:s18] =	ssyncset.done $0x0  }
0x1d: {  	[sflag:s18] =	ssyncadd.s32 $0xFFFFD800  }
0x1e: {  	_ =	swait.ge [sflag:s25], $0x2800  }
0x1f: {  	[sflag:s25] =	ssyncset.done $0x0  }
0x20: {  	s30 =	simm.s32 $0x4000;
	[sflag:s25] =	ssyncadd.s32 $0xFFFFD800  }
0x21: {  	[spmem:s2] =	stream.indirect.scatter.add.f32 [tilespmem:s22], [sflag:$0x3], $0x80, s30, s21, $0xb8;
	[tilespmem:$0x1D200] =	vst v63  }
0x22: {  	_ =	swait.ge [sflag:s18], $0x2800  }
0x23: {  	s31 =	sadd.s32 $0x1, s31;
	[sflag:s18] =	ssyncset.done $0x0  }
0x24: {  	p0 =	sne.s32 s31, s12;
	[sflag:s18] =	ssyncadd.s32 $0xFFFFD800  }
.Ltmp1:
0x25: {  	[bflag:$0x0] =	sbarrier.arrive $0xFFFF;
	(pc) =	sbr.rel @!p0 .LBB2_5-.Ltmp1, $4  }
0x26: {  	[hbm:s11], [sflag:s8] =	dma.local [spmem:s17], $0x2800  }
0x27: {  	_ =	swait.ge [sflag:s18], $0x2800  }
0x28: {  	[sflag:s18] =	ssyncset.done $0x0  }
0x29: {  	[sflag:s18] =	ssyncadd.s32 $0xFFFFD800  }
.LBB2_1:
0x2a: {  	s6 =	rddreg [dreg:$0x4]  }
0x2b: {  	[spmem:s17], [sflag:s8] =	dma.local [hbm:s6], $0x2800  }
0x2c: {  	_ =	swait.ge [sflag:s18], $0x2800  }
0x2d: {  	[sflag:s18] =	ssyncset.done $0x0  }
0x2e: {  	s9 =	simm.s32 $0x200;
	s16 =	rddreg [dreg:$0x5];
	[sflag:s18] =	ssyncadd.s32 $0xFFFFD800  }
0x2f: {  	[tilespmem:s9], [sflag:$0x3] =	stream.linear.gather [hbm4b:s16+s4], $0x3E80, $0x38;
	[tilespmem:$0x1D200] =	vst v63  }
0x30: {  	_ =	swait.ge [sflag:s18], $0x3E80  }
0x31: {  	[sflag:s18] =	ssyncset.done $0x0  }
0x32: {  	[sflag:s18] =	ssyncadd.s32 $0xFFFFC180  }
0x33: {  	[tilespmem:s4], [sflag:$0x3] =	stream.linear.gather [hbm4b:s7+s4], $0x50, $0x38;
	[tilespmem:$0x1D200] =	vst v63  }
0x34: {  	_ =	swait.ge [sflag:s18], $0x50  }
0x35: {  	[sflag:s18] =	ssyncset.done $0x0  }
0x36: {  	[sflag:s18] =	ssyncadd.s32 $0xFFFFFFB0  }
0x37: {  	[tilespmem:s20], [sflag:$0x3] =	stream.linear.gather [hbm4b:s10+s4], $0x50, $0x38;
	[tilespmem:$0x1D200] =	vst v63  }
0x38: {  	_ =	swait.ge [sflag:s18], $0x50  }
0x39: {  	[sflag:s18] =	ssyncset.done $0x0  }
0x3a: {  	[sflag:s18] =	ssyncadd.s32 $0xFFFFFFB0  }
0x3b: {  	s15 =	smov.u32 s3;
	s14 =	smov.u32 s19;
	[bflag:$0x0] =	sbarrier.arrive $0xFFFF  }
0x3c: {  	[tilespmem:s22], [sflag:$0x1] =	stream.indirect.gather [hbm4b:s1+s21], $0x80, s4, s21, $0xb8;
	[tilespmem:$0x1D200] =	vst v63  }
0x3d: {  	s13 =	smov.u32 s29;
	s30 =	simm.s32 $0x0;
	s16 =	smov.u32 s0  }
0x3e: {  	[tilespmem:s23], [sflag:$0x2] =	stream.indirect.gather [hbm4b:s1+s21], $0x80, s20, s21, $0xb8;
	[tilespmem:$0x1D200] =	vst v63  }
.LBB2_2:
0x3f: {  	[tilespmem:s24], [sflag:$0x3] =	stream.linear.gather [hbm4b:s14+s4], $0x50, $0x38;
	[tilespmem:$0x1D200] =	vst v63  }
0x40: {  	_ =	swait.ge [sflag:s18], $0x50  }
0x41: {  	[sflag:s18] =	ssyncset.done $0x0  }
0x42: {  	[sflag:s18] =	ssyncadd.s32 $0xFFFFFFB0  }
0x43: {  	_ =	swait.ge [sflag:s25], $0x2800  }
0x44: {  	s6 =	sshra.s32 s30, $0x2;
	[sflag:s25] =	ssyncset.done $0x0  }
0x45: {  	s9 =	sadd.s32 $0x200, s6;
	[sflag:s25] =	ssyncadd.s32 $0xFFFFD800  }
0x46: {  	[spmem:s2] =	stream.indirect.scatter.add.f32 [tilespmem:s22], [sflag:$0x3], $0x80, s9, s21, $0xb8;
	[tilespmem:$0x1D200] =	vst v63  }
0x47: {  	_ =	swait.ge [sflag:s18], $0x2800  }
0x48: {  	[sflag:s18] =	ssyncset.done $0x0  }
0x49: {  	[sflag:s18] =	ssyncadd.s32 $0xFFFFD800  }
0x4a: {  	[tilespmem:s22], [sflag:$0x1] =	stream.indirect.gather [hbm4b:s1+s21], $0x80, s24, s21, $0xb8;
	[tilespmem:$0x1D200] =	vst v63  }
0x4b: {  	_ = 	snop  }
0x4c: {  	[tilespmem:s26], [sflag:$0x3] =	stream.linear.gather [hbm4b:s13+s4], $0x50, $0x38;
	[tilespmem:$0x1D200] =	vst v63  }
0x4d: {  	_ =	swait.ge [sflag:s18], $0x50  }
0x4e: {  	[sflag:s18] =	ssyncset.done $0x0  }
0x4f: {  	[sflag:s18] =	ssyncadd.s32 $0xFFFFFFB0  }
0x50: {  	_ =	swait.ge [sflag:s28], $0x2800  }
0x51: {  	[sflag:s28] =	ssyncset.done $0x0  }
0x52: {  	s9 =	sadd.s32 $0x280, s6;
	[sflag:s28] =	ssyncadd.s32 $0xFFFFD800  }
0x53: {  	[spmem:s2] =	stream.indirect.scatter.add.f32 [tilespmem:s23], [sflag:$0x3], $0x80, s9, s21, $0xb8;
	[tilespmem:$0x1D200] =	vst v63  }
0x54: {  	_ =	swait.ge [sflag:s18], $0x2800  }
0x55: {  	[sflag:s18] =	ssyncset.done $0x0  }
0x56: {  	s9 =	sshrl.u32 s16, $0x3;
	[sflag:s18] =	ssyncadd.s32 $0xFFFFD800  }
0x57: {  	[tilespmem:s23], [sflag:$0x2] =	stream.indirect.gather [hbm4b:s1+s21], $0x80, s26, s21, $0xb8;
	[tilespmem:$0x1D200] =	vst v63  }
0x58: {  	s9 =	sadd.s32 s5, s9  }
0x59: {  	[tilespmem:s4], [sflag:$0x3] =	stream.linear.gather [hbm4b:s9+s4], $0x50, $0x38;
	[tilespmem:$0x1D200] =	vst v63  }
0x5a: {  	_ =	swait.ge [sflag:s18], $0x50  }
0x5b: {  	[sflag:s18] =	ssyncset.done $0x0  }
0x5c: {  	[sflag:s18] =	ssyncadd.s32 $0xFFFFFFB0  }
0x5d: {  	_ =	swait.ge [sflag:s25], $0x2800  }
0x5e: {  	[sflag:s25] =	ssyncset.done $0x0  }
0x5f: {  	p0 =	seq.s32 s30, $0xF000;
	s9 =	sadd.s32 $0x300, s6;
	[sflag:s25] =	ssyncadd.s32 $0xFFFFD800  }
0x60: {  	[spmem:s2] =	stream.indirect.scatter.add.f32 [tilespmem:s22], [sflag:$0x3], $0x80, s9, s21, $0xb8;
	[tilespmem:$0x1D200] =	vst v63  }
.Ltmp2:
0x61: {  	_ = 	snop;
	(pc) =	sbr.rel @p0 .LBB2_4-.Ltmp2, $4  }
0x62: {  	_ =	swait.ge [sflag:s18], $0x2800  }
0x63: {  	[sflag:s18] =	ssyncset.done $0x0  }
0x64: {  	[sflag:s18] =	ssyncadd.s32 $0xFFFFD800  }
0x65: {  	[tilespmem:s22], [sflag:$0x1] =	stream.indirect.gather [hbm4b:s1+s21], $0x80, s4, s21, $0xb8;
	[tilespmem:$0x1D200] =	vst v63  }
0x66: {  	[tilespmem:s20], [sflag:$0x3] =	stream.linear.gather [hbm4b:s15+s4], $0x50, $0x38;
	[tilespmem:$0x1D200] =	vst v63  }
0x67: {  	_ =	swait.ge [sflag:s18], $0x50  }
0x68: {  	[sflag:s18] =	ssyncset.done $0x0  }
0x69: {  	[sflag:s18] =	ssyncadd.s32 $0xFFFFFFB0  }
0x6a: {  	_ =	swait.ge [sflag:s28], $0x2800  }
0x6b: {  	[sflag:s28] =	ssyncset.done $0x0  }
0x6c: {  	s6 =	sadd.s32 $0x380, s6;
	[sflag:s28] =	ssyncadd.s32 $0xFFFFD800  }
0x6d: {  	[spmem:s2] =	stream.indirect.scatter.add.f32 [tilespmem:s23], [sflag:$0x3], $0x80, s6, s21, $0xb8;
	[tilespmem:$0x1D200] =	vst v63  }
.Ltmp3:
0x6e: {  	_ = 	snop;
	(pc) =	sbr.rel .LBB2_2-.Ltmp3, $4  }
0x6f: {  	s30 =	sadd.s32 $0x800, s30;
	_ =	swait.ge [sflag:s18], $0x2800  }
0x70: {  	s13 =	sadd.s32 $0x28, s13;
	s14 =	sadd.s32 $0x28, s14;
	[sflag:s18] =	ssyncset.done $0x0  }
0x71: {  	s15 =	sadd.s32 $0x28, s15;
	s16 =	sadd.s32 $0x140, s16;
	[sflag:s18] =	ssyncadd.s32 $0xFFFFD800  }
0x72: {  	[tilespmem:s23], [sflag:$0x2] =	stream.indirect.gather [hbm4b:s1+s21], $0x80, s20, s21, $0xb8;
	[tilespmem:$0x1D200] =	vst v63  }
.LBB2_5:
0x73: {  	_ =	sfence.sel $0x180000  }
0x74: {  	[bflag:$0x0] =	sbarrier.arrive $0xFFFF  }
0x75: {  	_ =	strace $0x9000004D  }
0x76: {  	s0 =	stileid.u32;
	[bflag:$0x2] =	sbarrier.arrive $0xFFFF  }
0x77: {  	p0 =	sne.s32 s0, $0x0;
	s0 =	rddreg [dreg:$0x3]  }
0x78: {  	s0 =	sadd.s32 @!p0 $0x100000, s0  }
0x79: {  	[sflag:s0] =	ssyncadd.tile.s32 @!p0 $0x1;
	_ =	shalt  }
.Lfunc_end2:
_tile_overlayer_lowered:
.L_overlay_start_2:
0x7a: {  	(tag) =	ssettag $0x2  }
0x7b: {  	s0 =	rddreg [dreg:$0x0];
	s2 =	stileid.u32  }
0x7c: {  	s1 =	rddreg [dreg:$0x1];
	p0 =	sne.s32 s2, $0x0  }
0x7d: {  	s3 =	rddreg [dreg:$0x2];
	[bflag:$0x3] =	sbarrier.arrive $0xFFFF;
	s2 =	simm.s32 @!p0 $0x1C03  }
0x7e: {  	[timem:s3], [sflag:s2] =	dma.local @!p0 [hbm:s0], s1  }
0x7f: {  	s0 =	simm.s32 @!p0 $0x3  }
0x80: {  	_ =	swait.ge @!p0 [sflag:s0], s1  }
0x81: {  	s1 =	ssub.s32 @!p0 $0x0, s1;
	[sflag:s0] =	ssyncset.done @!p0 $0x0  }
0x82: {  	[sflag:s0] =	ssyncadd.s32 @!p0 s1  }
0x83: {  	[bflag:$0x3] =	sbarrier.arrive $0xFFFF  }
0x84: {  	_ =	shalt  }

// kernel: kernel.8.cloned.1.call-start
scs
__scs_entry_jumppad:
0x0: {  	(pc) =	sbr.rel $0x88, $3  }
0x1: {  	(tag) =	ssettag $0x0;
	lr =	simm.s32 $0x1  }
0x2: {  	[smem:$0x3F9B] =	sst lr;
	_ =	strace $0xD0000000  }
0x3: {  	_ = 	snop  }
0x4: {  	_ = 	snop  }
0x5: {  	_ = 	snop  }
0x6: {  	_ = 	snop  }
0x7: {  	_ = 	snop  }
__scs_overlays_trampoline_lowered:
0x8: {  	[smem:$0x3FAA] =	sst s0  }
0x9: {  	[smem:$0x3FAB] =	sst s1  }
0xa: {  	[smem:$0x3FAC] =	sst s2  }
0xb: {  	[smem:$0x3FAD] =	sst s3  }
0xc: {  	[smem:$0x3FAE] =	sst s4  }
0xd: {  	[smem:$0x3FAF] =	sst s5  }
0xe: {  	[smem:$0x3FB0] =	sst s6  }
0xf: {  	[smem:$0x3FB1] =	sst s7  }
0x10: {  	[smem:$0x3FB2] =	sst s8  }
0x11: {  	[smem:$0x3FB3] =	sst s9;
	s0 =	simm.s32 @!p0 $0x0  }
0x12: {  	s1 =	sld [smem:$0x3F99];
	s0 =	simm.s32 @p0 $0x1  }
0x13: {  	[smem:$0x3FB4] =	sst s0;
	s0 =	simm.s32 @!p1 $0x0  }
0x14: {  	s2 =	sld [smem:$0x3F98];
	s0 =	simm.s32 @p1 $0x1  }
0x15: {  	[smem:$0x3FB5] =	sst s0;
	s0 =	simm.s32 @!p2 $0x0  }
0x16: {  	s3 =	sld [smem:$0x3FDB];
	s0 =	simm.s32 @p2 $0x1  }
0x17: {  	s4 =	simm.s32 $0x1BF5;
	[smem:$0x3FB7] =	sst s0  }
0x18: {  	s0 =	sld [smem:$0x3F9A];
	_ =	swait.ge [sflag:s4], $0x0  }
0x19: {  	s7 =	sld [smem:$0x3F9B]  }
0x1a: {  	s8 =	sadd.s32 $0xFFFFE003, lr  }
0x1b: {  	s9 =	sadd.s32 $0xFFFFFEF7, lr;
	s5 =	simm.s32 $0xFFFFFFFF;
	p2 =	slt.u32 s8, $0xFFFFF086  }
0x1c: {  	p1 =	slt.u32 s9, $0xF7A;
	s5 =	simm.s32 @!p2 $0x0  }
0x1d: {  	s5 =	simm.s32 @p1 $0x1;
	p0 =	seq.s32 s7, s2  }
0x1e: {  	s7 =	smul.u32 @!p0 $0xF7A, s2;
	p2 =	seq.s32 @!p0 s5, $0x0  }
0x1f: {  	s9 =	smul.u32 $0xF7A, s1;
	s8 =	simm.s32 @!p0 $0x1BF5;
	p2 =	por !p2, p0  }
0x20: {  	[sflag:s8] =	ssyncset.s32 @!p0 $0xFFFFF086;
	s6 =	sadd.s32 @!p0 s3, s7;
	s7 =	simm.s32 @!p0 $0x108  }
0x21: {  	s3 =	sadd.s32 s3, s9;
	s6 =	sadd.s32 @!p0 $0x88, s6;
	s7 =	simm.s32 @p2 $0x1082  }
0x22: {  	[simem:s7], [sflag:s8] =	dma.local @!p0 [hbm:s6], $0xF7A  }
0x23: {  	s9 =	sor.u32 $0xD0000000, s2;
	s6 =	simm.s32 $0x108;
	_ =	swait.ge @!p0 [sflag:s8], $0x0  }
0x24: {  	s3 =	sadd.s32 $0x88, s3;
	s6 =	simm.s32 @!p1 $0x1082;
	[sflag:s4] =	ssyncset.s32 $0xFFFFF086  }
0x25: {  	[simem:s6], [sflag:s4] =	dma.local [hbm:s3], $0xF7A  }
0x26: {  	[smem:$0x3F9B] =	sst s1;
	(tag) =	ssettag s2;
	_ =	strace s9  }
0x27: {  	s1 =	sld [smem:$0x3FAB]  }
0x28: {  	s2 =	sld [smem:$0x3FAC]  }
0x29: {  	s4 =	sld [smem:$0x3FAE]  }
0x2a: {  	p0 =	seq.s32 s5, $0x0;
	s5 =	sld [smem:$0x3FAF]  }
0x2b: {  	s6 =	sld [smem:$0x3FB0]  }
0x2c: {  	s7 =	sld [smem:$0x3FB1]  }
0x2d: {  	s3 =	simm.s32 $0x108;
	s8 =	sld [smem:$0x3FB2]  }
0x2e: {  	s3 =	simm.s32 @!p0 $0x1082;
	s9 =	sld [smem:$0x3FB3]  }
0x2f: {  	lr =	sadd.s32 s0, s3;
	s0 =	sld [smem:$0x3FAA]  }
0x30: {  	s3 =	sld [smem:$0x3FAD]  }
0x31: {  	[smem:$0x3FB6] =	sst s10  }
0x32: {  	s10 =	sld [smem:$0x3FB4];
	_ =	sdelay $0x3  }
0x33: {  	p0 =	seq.s32 s10, $0x1;
	s10 =	sld [smem:$0x3FB6];
	_ =	sdelay $0x3  }
0x34: {  	[smem:$0x3FB6] =	sst s10  }
0x35: {  	s10 =	sld [smem:$0x3FB5];
	_ =	sdelay $0x3  }
0x36: {  	p1 =	seq.s32 s10, $0x1;
	s10 =	sld [smem:$0x3FB6];
	_ =	sdelay $0x3  }
0x37: {  	[smem:$0x3FB6] =	sst s10  }
0x38: {  	s10 =	sld [smem:$0x3FB7]  }
0x39: {  	_ = 	snop;
	(pc) =	sbr.ind lr, $3  }
0x3a: {  	_ = 	snop  }
0x3b: {  	_ = 	snop  }
0x3c: {  	p2 =	seq.s32 s10, $0x1;
	s10 =	sld [smem:$0x3FB6]  }
0x3d: {  	_ =	shalt  }
0x3e: {  	_ =	shalt  }
0x3f: {  	_ =	shalt  }
0x40: {  	_ =	shalt  }
0x41: {  	_ =	shalt  }
0x42: {  	_ =	shalt  }
0x43: {  	_ =	shalt  }
0x44: {  	_ =	shalt  }
0x45: {  	_ =	shalt  }
0x46: {  	_ =	shalt  }
0x47: {  	_ =	shalt  }
0x48: {  	_ =	shalt  }
0x49: {  	_ =	shalt  }
0x4a: {  	_ =	shalt  }
0x4b: {  	_ =	shalt  }
0x4c: {  	_ =	shalt  }
0x4d: {  	_ =	shalt  }
0x4e: {  	_ =	shalt  }
0x4f: {  	_ =	shalt  }
0x50: {  	_ =	shalt  }
0x51: {  	_ =	shalt  }
0x52: {  	_ =	shalt  }
0x53: {  	_ =	shalt  }
0x54: {  	_ =	shalt  }
0x55: {  	_ =	shalt  }
0x56: {  	_ =	shalt  }
0x57: {  	_ =	shalt  }
0x58: {  	_ =	shalt  }
0x59: {  	_ =	shalt  }
0x5a: {  	_ =	shalt  }
0x5b: {  	_ =	shalt  }
0x5c: {  	_ =	shalt  }
0x5d: {  	_ =	shalt  }
0x5e: {  	_ =	shalt  }
0x5f: {  	_ =	shalt  }
0x60: {  	_ =	shalt  }
0x61: {  	_ =	shalt  }
0x62: {  	_ =	shalt  }
0x63: {  	_ =	shalt  }
0x64: {  	_ =	shalt  }
0x65: {  	_ =	shalt  }
0x66: {  	_ =	shalt  }
0x67: {  	_ =	shalt  }
0x68: {  	_ =	shalt  }
0x69: {  	_ =	shalt  }
0x6a: {  	_ =	shalt  }
0x6b: {  	_ =	shalt  }
0x6c: {  	_ =	shalt  }
0x6d: {  	_ =	shalt  }
0x6e: {  	_ =	shalt  }
0x6f: {  	_ =	shalt  }
0x70: {  	_ =	shalt  }
0x71: {  	_ =	shalt  }
0x72: {  	_ =	shalt  }
0x73: {  	_ =	shalt  }
0x74: {  	_ =	shalt  }
0x75: {  	_ =	shalt  }
0x76: {  	_ =	shalt  }
0x77: {  	_ =	shalt  }
0x78: {  	_ =	shalt  }
0x79: {  	_ =	shalt  }
0x7a: {  	_ =	shalt  }
0x7b: {  	_ =	shalt  }
0x7c: {  	_ =	shalt  }
0x7d: {  	_ =	shalt  }
0x7e: {  	_ =	shalt  }
0x7f: {  	_ =	shalt  }
0x80: {  	_ =	shalt  }
0x81: {  	_ =	shalt  }
0x82: {  	_ =	shalt  }
0x83: {  	_ =	shalt  }
0x84: {  	_ =	shalt  }
0x85: {  	_ =	shalt  }
0x86: {  	_ =	shalt  }
0x87: {  	_ =	shalt  }
.Lfunc_end0:
.L_simem_size_0:
called_computation_lowered:
.L_overlay_start_0:
0x88: {  	s2 =	sld [smem:$0x3FD9]  }
0x89: {  	s3 =	sld [smem:$0x3FFE];
	_ =	sdelay $0x1  }
0x8a: {  	s1 =	srdreg.scid  }
0x8b: {  	s0 =	sand.u32 $0x1, s1  }
0x8c: {  	s17 =	sshll.u32 s0, $0xA;
	s2 =	sadd.s32 s3, s2  }
0x8d: {  	s2 =	sadd.s32 s2, s17  }
0x8e: {  	[smem:$0x3FC2] =	sst s2  }
0x8f: {  	_ = 	snop  }
0x90: {  	s2 =	sld [smem:$0x3FD0];
	(tm) =	ssettm $0x1  }
0x91: {  	s18 =	sld [smem:$0x3FFB];
	_ =	sdelay $0x3  }
0x92: {  	_ =	strace s18  }
0x93: {  	s3 =	sld [smem:$0x3FFC];
	_ =	sdelay $0x3  }
0x94: {  	_ =	strace s3  }
0x95: {  	s3 =	sld [smem:$0x3FFD];
	_ =	sdelay $0x3  }
0x96: {  	_ =	strace s3  }
0x97: {  	_ =	strace $0x8FFFFFFF  }
0x98: {  	s19 =	sld [smem:$0x3FDB];
	_ =	sdelay $0x1  }
0x99: {  	s4 =	simm.s32 $_scs_section_size  }
0x9a: {  	s5 =	simm.s32 $_size__tile_overlayer_lowered;
	s6 =	simm.s32 $_tile_overlayer_lowered  }
0x9b: {  	s22 =	simm.s32 $0x1BFF;
	s21 =	sshll.u32 s6, $0x1;
	s3 =	sadd.s32 s4, s19  }
0x9c: {  	s7 =	simm.s32 $0x0;
	s20 =	sshll.u32 s5, $0x1;
	s5 =	sadd.s32 s21, s3  }
0x9d: {  	[timem:s7], [sflag:s22] =	dma.local [hbm:s5], s20  }
0x9e: {  	_ =	swait.ge [sflag:s22], s20  }
0x9f: {  	s4 =	ssub.s32 $0x0, s20;
	[sflag:s22] =	ssyncset.done $0x0  }
0xa0: {  	[sflag:s22] =	ssyncadd.s32 s4;
	_ =	sdelay $0x1  }
0xa1: {  	s23 =	simm.s32 $0x1B8B  }
0xa2: {  	_ =	swait.ge [sflag:s23], $0x1  }
0xa3: {  	[sflag:s23] =	ssyncset.done $0x0  }
0xa4: {  	s25 =	simm.s32 $0x1B8E;
	s24 =	sld [smem:$0x3FFE];
	[sflag:s23] =	ssyncadd.s32 $0xFFFFFFFF  }
0xa5: {  	s26 =	simm.s32 $execute0_lowered;
	[smem:$0x3FD2] =	sst s25  }
0xa6: {  	s5 =	sshll.u32 s26, $0x1;
	_ =	strace $0x80000046;
	[dreg:$0x1] =	wrdreg $0xFFFFFFFF  }
0xa7: {  	s28 =	simm.s32 $_size_execute0_lowered;
	s3 =	sadd.s32 s3, s5;
	[dreg:$0x0] =	wrdreg $0x0  }
0xa8: {  	s5 =	sshll.u32 s28, $0x1;
	[dreg:$0x2] =	wrdreg s3  }
0xa9: {  	[dreg:$0x3] =	wrdreg s5  }
0xaa: {  	[dreg:$0x4] =	wrdreg $0xC0  }
0xab: {  	_ =	task [dreg:s7], $0x5FFFF  }
0xac: {  	[dreg:$0x1] =	wrdreg $0xFFFFFFFF  }
0xad: {  	[dreg:$0x0] =	wrdreg $0x60  }
0xae: {  	[dreg:$0x2] =	wrdreg s2  }
0xaf: {  	[dreg:$0x3] =	wrdreg s24  }
0xb0: {  	[dreg:$0x4] =	wrdreg $0xA0800  }
0xb1: {  	[dreg:$0x5] =	wrdreg $0xA3000  }
0xb2: {  	[dreg:$0x6] =	wrdreg $0x9  }
0xb3: {  	_ =	task.clear_ibuf [dreg:s7], $0x7FFFF;
	_ =	strace $0x90000046  }
0xb4: {  	s29 =	simm.s32 $0x9;
	_ =	strace $0x80000048  }
0xb5: {  	_ =	swait.ge [sflag:s29], $0x1  }
0xb6: {  	[sflag:s29] =	ssyncadd.s32 $0xFFFFFFFF  }
0xb7: {  	_ =	strace $0x90000048  }
0xb8: {  	_ =	sfence  }
0xb9: {  	s30 =	sld [smem:$0x0];
	_ =	sdelay $0x2  }
0xba: {  	s31 =	sshll.u32 s1, $0xD;
	s1 =	sshrl.u32 s1, $0x2  }
0xbb: {  	s3 =	sand.u32 $0x4000, s31;
	s1 =	sadd.s32 s1, s30  }
0xbc: {  	s0 =	sor.u32 s3, s0;
	s1 =	sshll.u32 s1, $0x11  }
0xbd: {  	s0 =	sor.u32 s1, s0  }
0xbe: {  	s0 =	sadd.s32 $0x8F2B, s0  }
0xbf: {  	[sflag:s0] =	ssyncadd.remote.s32 $0x1  }
0xc0: {  	_ =	sfence.sel $0xFFFF  }
0xc1: {  	[dreg:$0x0] =	wrdreg $0xFFFFFFFF;
	(pc) =	sbr.abs _section_cstart, $3  }
0xc2: {  	[dreg:$0x1] =	wrdreg $0xFFFFFFFF  }
0xc3: {  	_ =	task.clear_ibuf [dreg:s7], $0x2FFFF;
	_ =	strace $0x9FFFFFFF  }
0xc4: {  	(tm) =	ssettm $0x7FFFFFFF  }
0xc5: {  	_ =	shalt  }
tec
execute0_lowered:
.L_overlay_start_1:
0x0: {  	(tag) =	ssettag $0x1  }
0x1: {  	s5 =	rddreg [dreg:$0x0]  }
0x2: {  	s6 =	rddreg [dreg:$0x1]  }
0x3: {  	s1 =	rddreg [dreg:$0x2];
	s0 =	srdreg.scid  }
0x4: {  	s2 =	rddreg [dreg:$0x3];
	s9 =	stileid.u32  }
0x5: {  	s3 =	simm.s32 $0x0;
	s13 =	simm.s32 $0x50;
	s14 =	simm.s32 $0x5000  }
0x6: {  	s15 =	simm.s32 $0x5080;
	s4 =	sand.u32 $0x1, s0;
	s0 =	rddreg [dreg:$0x4]  }
0x7: {  	s16 =	simm.s32 $0x7880;
	s17 =	simm.s32 $0x0;
	[smem:$0x7FF] =	sst s3  }
0x8: {  	s12 =	smul.u32 $0xA000, s9;
	p0 =	sne.s32 s9, $0x0;
	s7 =	sshll.u32 s4, $0x4  }
0x9: {  	s8 =	smul.u32 $0x5000, s4;
	s10 =	ssub.s32 $0x2, s4;
	_ =	strace $0x80000047  }
0xa: {  	s4 =	sadd.s32 $0xC800, s6;
	s7 =	sor.u32 s9, s7;
	s11 =	sshrl.u32 s10, $0x1  }
0xb: {  	s31 =	sshrl.u32 s12, $0x2;
	s12 =	simm.s32 $0x2800;
	s7 =	smul.u32 $0x500, s7  }
0xc: {  	v0 =	vlaneseq.u32;
	s8 =	sadd.s32 s8, s6;
	s10 =	ssub.s32 s10, s11;
	s6 =	smul.u32 $0x280, s9  }
0xd: {  	v5 =	vimm.f32 $0.0e+00;
	v6 =	vimm.f32 $1.000000000e+00;
	v1 =	vor.u32 $0x10, v0;
	s11 =	sshrl.u32 @!p0 s1, $0x3;
	s8 =	sadd.s32 $0xF000, s8;
	s9 =	smax.u32 s10, $0x1  }
0xe: {  	v2 =	vor.u32 $0x20, v0;
	v3 =	vor.u32 $0x30, v0;
	v4 =	vor.u32 $0x40, v0;
	s10 =	simm.s32 $0x1;
	s5 =	sadd.s32 s5, s7;
	s7 =	sadd.s32 s31, s2  }
.LBB2_1:
0xf: {  	[tilespmem:s3], [sflag:$0x1] =	stream.linear.gather [hbm4b:s5+s3], $0x2800, $0x38;
	[tilespmem:$0xCB00] =	vst v63  }
0x10: {  	_ =	swait.ge [sflag:s10], $0x2800  }
0x11: {  	[sflag:s10] =	ssyncset.done $0x0  }
0x12: {  	s18 =	simm.s32 @!p0 $0x1C01;
	[sflag:s10] =	ssyncadd.s32 $0xFFFFD800  }
0x13: {  	[spmem:s11], [sflag:s18] =	dma.local @!p0 [hbm:s4], $0x500  }
0x14: {  	s18 =	simm.s32 @!p0 $0x1  }
0x15: {  	_ =	swait.ge @!p0 [sflag:s18], $0x500  }
0x16: {  	[sflag:s18] =	ssyncset.done @!p0 $0x0  }
0x17: {  	[sflag:s18] =	ssyncadd.s32 @!p0 $0xFFFFFB00  }
0x18: {  	[tilespmem:$0x5000] =	vst v0  }
0x19: {  	[tilespmem:$0x5010] =	vst v1  }
0x1a: {  	[tilespmem:$0x5020] =	vst v2  }
0x1b: {  	[tilespmem:$0x5030] =	vst v3  }
0x1c: {  	s19 =	simm.s32 $0x200;
	s18 =	simm.s32 $0x0;
	[tilespmem:$0x5040] =	vst v4  }
.LBB2_2:
0x1d: {  	p1 =	sne.s32 s19, $0x9E00;
	[tilespmem:s18+$0x2870] =	vst v5  }
0x1e: {  	[tilespmem:s18+$0x2800] =	vst v5  }
0x1f: {  	[tilespmem:s18+$0x2810] =	vst v5  }
.Ltmp0:
0x20: {  	[tilespmem:s18+$0x2820] =	vst v5;
	(pc) =	sbr.rel @p1 .LBB2_2-.Ltmp0, $4  }
0x21: {  	[tilespmem:s18+$0x2830] =	vst v5  }
0x22: {  	[tilespmem:s18+$0x2840] =	vst v5  }
0x23: {  	[tilespmem:s18+$0x2850] =	vst v5  }
0x24: {  	[tilespmem:s18+$0x2860] =	vst v5;
	s18 =	sshra.s32 s19, $0x2;
	s19 =	sadd.s32 $0x200, s19  }
0x25: {  	[tilespmem:s18+$0x2870] =	vst v5  }
0x26: {  	[tilespmem:s18+$0x2800] =	vst v5  }
0x27: {  	[tilespmem:s18+$0x2810] =	vst v5  }
0x28: {  	[tilespmem:s18+$0x2820] =	vst v5  }
0x29: {  	[tilespmem:s18+$0x2830] =	vst v5  }
0x2a: {  	[tilespmem:s18+$0x2840] =	vst v5  }
0x2b: {  	[tilespmem:s18+$0x2850] =	vst v5  }
0x2c: {  	[tilespmem:s18+$0x2860] =	vst v5;
	s18 =	simm.s32 $0x0  }
.LBB2_4:
0x2d: {  	s19 =	sshra.s32 s18, $0x2  }
0x2e: {  	v7 =	vld [tilespmem:s19+$0x0];
	_ =	sdelay $0x7  }
0x2f: {  	[tilespmem:v7+s12+$0x0] =	vst.idx.add.f32.msk $0xffff, v6  }
0x30: {  	v7 =	vld [tilespmem:s19+$0x10];
	_ =	sdelay $0x7  }
0x31: {  	[tilespmem:v7+s12+$0x0] =	vst.idx.add.f32.msk $0xffff, v6  }
0x32: {  	v7 =	vld [tilespmem:s19+$0x20];
	_ =	sdelay $0x7  }
0x33: {  	[tilespmem:v7+s12+$0x0] =	vst.idx.add.f32.msk $0xffff, v6  }
0x34: {  	v7 =	vld [tilespmem:s19+$0x30];
	_ =	sdelay $0x7  }
0x35: {  	[tilespmem:v7+s12+$0x0] =	vst.idx.add.f32.msk $0xffff, v6  }
0x36: {  	v7 =	vld [tilespmem:s19+$0x40];
	_ =	sdelay $0x7  }
0x37: {  	[tilespmem:v7+s12+$0x0] =	vst.idx.add.f32.msk $0xffff, v6  }
0x38: {  	v7 =	vld [tilespmem:s19+$0x50];
	_ =	sdelay $0x7  }
0x39: {  	[tilespmem:v7+s12+$0x0] =	vst.idx.add.f32.msk $0xffff, v6  }
0x3a: {  	v7 =	vld [tilespmem:s19+$0x60];
	_ =	sdelay $0x7  }
0x3b: {  	[tilespmem:v7+s12+$0x0] =	vst.idx.add.f32.msk $0xffff, v6  }
0x3c: {  	v7 =	vld [tilespmem:s19+$0x70];
	_ =	sdelay $0x2  }
0x3d: {  	p1 =	sne.s32 s18, $0x9E00  }
.Ltmp1:
0x3e: {  	_ = 	snop;
	(pc) =	sbr.rel @p1 .LBB2_4-.Ltmp1, $2  }
0x3f: {  	_ =	sdelay $0x2  }
0x40: {  	s18 =	sadd.s32 $0x200, s18;
	[tilespmem:v7+s12+$0x0] =	vst.idx.add.f32.msk $0xffff, v6  }
0x41: {  	[bflag:$0x0] =	sbarrier.arrive $0xFFFF;
	s18 =	simm.s32 $0x0  }
0x42: {  	[spmem:s1] =	stream.indirect.scatter.add.f32 [tilespmem:s12], [sflag:$0x1], $0x80, s14, s13, $0xb8;
	[tilespmem:$0xCB00] =	vst v63  }
0x43: {  	s19 =	sadd.s32 $0x0, s6;
	s18 =	sand.u32 $0x70, s18  }
0x44: {  	p1 =	seq.s32 s19, $0x0;
	_ =	swait.ge [sflag:s10], $0x2800;
	p2 =	sne.s32 s18, $0x0  }
0x45: {  	[sflag:s10] =	ssyncset.done $0x0;
	p1 =	por !p1, !p2  }
0x46: {  	s20 =	simm.s32 $0x1;
	[sflag:s10] =	ssyncadd.s32 $0xFFFFD800;
	p1 =	por !p1, !p1  }
0x47: {  	s19 =	sshrl.u32 s19, $0x7;
	[bflag:$0x0] =	sbarrier.arrive $0xFFFF;
	s20 =	simm.s32 @!p1 $0x0  }
0x48: {  	[tilespmem:s15], [sflag:$0x1] =	stream.linear.gather [spmem:s1], $0x2800, $0x38;
	[tilespmem:$0xCB00] =	vst v63  }
0x49: {  	s19 =	ssub.s32 s19, s20  }
0x4a: {  	_ =	swait.ge [sflag:s10], $0x2800;
	s19 =	sshll.u32 s19, $0x9  }
0x4b: {  	[sflag:s10] =	ssyncset.done $0x0;
	s19 =	sshra.s32 s19, $0x2  }
0x4c: {  	[sflag:s10] =	ssyncadd.s32 $0xFFFFD800;
	s18 =	sor.u32 s18, s19  }
0x4d: {  	v7 =	vld [tilespmem:s18+$0x5080];
	_ =	sdelay $0x4  }
0x4e: {  	v8 =	vbroadcast v7, $0x0  }
0x4f: {  	s18 =	simm.s32 $0x7900;
	v9 =	vbroadcast v7, $0x1  }
0x50: {  	v10 =	vbroadcast v7, $0x2;
	[tilespmem:s18+$0xFFFFFF80] =	vst v8  }
0x51: {  	v11 =	vbroadcast v7, $0x5;
	[tilespmem:s18+$0xFFFFFF90] =	vst v9  }
0x52: {  	v15 =	vbroadcast v7, $0x6;
	v16 =	vbroadcast v7, $0x7;
	[tilespmem:s18+$0xFFFFFFA0] =	vst v10  }
0x53: {  	v14 =	vbroadcast v7, $0x8;
	v12 =	vbroadcast v7, $0x9;
	[tilespmem:s18+$0xFFFFFFD0] =	vst v11  }
0x54: {  	v13 =	vbroadcast v7, $0xA;
	v8 =	vbroadcast v7, $0x3;
	[tilespmem:s18+$0xFFFFFFE0] =	vst v15  }
0x55: {  	v9 =	vbroadcast v7, $0x4;
	v10 =	vbroadcast v7, $0xB;
	[tilespmem:s18+$0xFFFFFFF0] =	vst v16  }
0x56: {  	s31 =	simm.s32 $0x10;
	v11 =	vbroadcast v7, $0xC;
	[tilespmem:s18+$0xFFFFFFB0] =	vst v8;
	v8 =	vbroadcast v7, $0xD  }
0x57: {  	s21 =	sadd.s32 $0x10, s6;
	s20 =	sand.u32 $0x70, s31;
	s19 =	simm.s32 $0x20;
	[tilespmem:s18+$0xFFFFFFC0] =	vst v9;
	v9 =	vbroadcast v7, $0xE;
	v7 =	vbroadcast v7, $0xF  }
.LBB2_6:
0x58: {  	p1 =	sne.s32 s19, $0x270;
	p2 =	seq.s32 s21, $0x0;
	p3 =	sne.s32 s20, $0x0;
	[tilespmem:s18+$0x0] =	vst v14  }
0x59: {  	p2 =	por !p2, !p3;
	[tilespmem:s18+$0x10] =	vst v12  }
0x5a: {  	s22 =	simm.s32 $0x1;
	p2 =	por !p2, !p2;
	[tilespmem:s18+$0x20] =	vst v13  }
0x5b: {  	s21 =	sshrl.u32 s21, $0x7;
	s22 =	simm.s32 @!p2 $0x0;
	[tilespmem:s18+$0x30] =	vst v10  }
0x5c: {  	s21 =	ssub.s32 s21, s22;
	[tilespmem:s18+$0x40] =	vst v11  }
0x5d: {  	s21 =	sshll.u32 s21, $0x9;
	[tilespmem:s18+$0x50] =	vst v8  }
0x5e: {  	s21 =	sshra.s32 s21, $0x2;
	[tilespmem:s18+$0x60] =	vst v9  }
0x5f: {  	s20 =	sor.u32 s20, s21;
	[tilespmem:s18+$0x70] =	vst v7  }
0x60: {  	v7 =	vld [tilespmem:s20+$0x5080];
	_ =	sdelay $0x4  }
0x61: {  	v8 =	vbroadcast v7, $0x0;
	v9 =	vbroadcast v7, $0x1  }
0x62: {  	s18 =	sadd.s32 $0x100, s18;
	v10 =	vbroadcast v7, $0x2;
	v11 =	vbroadcast v7, $0x3  }
0x63: {  	v15 =	vbroadcast v7, $0x5;
	[tilespmem:s18+$0xFFFFFF80] =	vst v8;
	v8 =	vbroadcast v7, $0x4  }
0x64: {  	v16 =	vbroadcast v7, $0x6;
	v17 =	vbroadcast v7, $0x7;
	[tilespmem:s18+$0xFFFFFF90] =	vst v9  }
0x65: {  	v14 =	vbroadcast v7, $0x8;
	v12 =	vbroadcast v7, $0x9;
	[tilespmem:s18+$0xFFFFFFA0] =	vst v10  }
.Ltmp2:
0x66: {  	v13 =	vbroadcast v7, $0xA;
	v10 =	vbroadcast v7, $0xB;
	[tilespmem:s18+$0xFFFFFFB0] =	vst v11;
	(pc) =	sbr.rel @p1 .LBB2_6-.Ltmp2, $4  }
0x67: {  	v11 =	vbroadcast v7, $0xC;
	[tilespmem:s18+$0xFFFFFFC0] =	vst v8;
	v8 =	vbroadcast v7, $0xD  }
0x68: {  	v9 =	vbroadcast v7, $0xE;
	v7 =	vbroadcast v7, $0xF;
	[tilespmem:s18+$0xFFFFFFD0] =	vst v15  }
0x69: {  	[tilespmem:s18+$0xFFFFFFE0] =	vst v16  }
0x6a: {  	s21 =	sadd.s32 s19, s6;
	s20 =	sand.u32 $0x70, s19;
	s19 =	sadd.s32 $0x10, s19;
	[tilespmem:s18+$0xFFFFFFF0] =	vst v17  }
0x6b: {  	p1 =	seq.s32 s21, $0x0;
	p2 =	sne.s32 s20, $0x0;
	[tilespmem:s18+$0x0] =	vst v14  }
0x6c: {  	[tilespmem:s18+$0x10] =	vst v12;
	p1 =	por !p1, !p2  }
0x6d: {  	[tilespmem:s18+$0x20] =	vst v13;
	s19 =	simm.s32 $0x1;
	p1 =	por !p1, !p1  }
0x6e: {  	s30 =	sshrl.u32 s21, $0x7;
	[tilespmem:s18+$0x30] =	vst v10;
	s19 =	simm.s32 @!p1 $0x0  }
0x6f: {  	[tilespmem:s18+$0x40] =	vst v11;
	s19 =	ssub.s32 s30, s19  }
0x70: {  	[tilespmem:s18+$0x50] =	vst v8;
	s19 =	sshll.u32 s19, $0x9  }
0x71: {  	[tilespmem:s18+$0x60] =	vst v9;
	s19 =	sshra.s32 s19, $0x2  }
0x72: {  	[tilespmem:s18+$0x70] =	vst v7;
	s19 =	sor.u32 s20, s19  }
0x73: {  	v7 =	vld [tilespmem:s19+$0x5080];
	_ =	sdelay $0x4  }
0x74: {  	v8 =	vbroadcast v7, $0x0  }
0x75: {  	s31 =	sadd.s32 $0x100, s18;
	v54 =	vbroadcast v7, $0x1  }
0x76: {  	v55 =	vbroadcast v7, $0x2;
	[tilespmem:s31+$0xFFFFFF80] =	vst v8  }
0x77: {  	v56 =	vbroadcast v7, $0x4;
	[tilespmem:s31+$0xFFFFFF90] =	vst v54  }
0x78: {  	v57 =	vbroadcast v7, $0x5;
	[tilespmem:s31+$0xFFFFFFA0] =	vst v55  }
0x79: {  	v58 =	vbroadcast v7, $0x7;
	[tilespmem:s31+$0xFFFFFFC0] =	vst v56  }
0x7a: {  	v59 =	vbroadcast v7, $0x8;
	[tilespmem:s31+$0xFFFFFFD0] =	vst v57  }
0x7b: {  	v60 =	vbroadcast v7, $0xA;
	[tilespmem:s31+$0xFFFFFFF0] =	vst v58  }
0x7c: {  	v8 =	vbroadcast v7, $0x3;
	[tilespmem:s31+$0x0] =	vst v59  }
0x7d: {  	v61 =	vbroadcast v7, $0xB;
	[tilespmem:s31+$0x20] =	vst v60  }
0x7e: {  	[tilespmem:s31+$0xFFFFFFB0] =	vst v8;
	v8 =	vbroadcast v7, $0x6  }
0x7f: {  	v62 =	vbroadcast v7, $0xD;
	[tilespmem:s31+$0x30] =	vst v61  }
0x80: {  	[tilespmem:s31+$0xFFFFFFE0] =	vst v8;
	v8 =	vbroadcast v7, $0x9  }
0x81: {  	v63 =	vbroadcast v7, $0xE;
	[tilespmem:s31+$0x50] =	vst v62  }
0x82: {  	[tilespmem:s31+$0x10] =	vst v8;
	v8 =	vbroadcast v7, $0xC  }
0x83: {  	[tilespmem:s31+$0x60] =	vst v63;
	v7 =	vbroadcast v7, $0xF  }
0x84: {  	[tilespmem:s31+$0x40] =	vst v8  }
0x85: {  	[tilespmem:s31+$0x70] =	vst v7  }
0x86: {  	[spmem:s7] =	stream.linear.scatter [tilespmem:s16], [sflag:$0x1], $0x2800, $0x38;
	[tilespmem:$0xCB00] =	vst v63  }
0x87: {  	_ =	swait.ge [sflag:s10], $0x2800  }
0x88: {  	[sflag:s10] =	ssyncset.done $0x0  }
0x89: {  	s18 =	sshrl.u32 @!p0 s2, $0x3;
	s17 =	sadd.s32 $0x1, s17;
	[sflag:s10] =	ssyncadd.s32 $0xFFFFD800  }
0x8a: {  	p1 =	sne.s32 s17, s9;
	s19 =	simm.s32 @!p0 $0x1C01;
	[bflag:$0x0] =	sbarrier.arrive $0xFFFF  }
0x8b: {  	[hbm:s8], [sflag:s19] =	dma.local @!p0 [spmem:s18], $0x5000  }
.Ltmp3:
0x8c: {  	_ = 	snop;
	(pc) =	sbr.rel @p1 .LBB2_1-.Ltmp3, $4  }
0x8d: {  	s18 =	simm.s32 @!p0 $0x1  }
0x8e: {  	_ =	swait.ge @!p0 [sflag:s18], $0x5000  }
0x8f: {  	[sflag:s18] =	ssyncset.done @!p0 $0x0  }
0x90: {  	[sflag:s18] =	ssyncadd.s32 @!p0 $0xFFFFB000  }
0x91: {  	_ =	sfence.sel $0x180000  }
0x92: {  	[bflag:$0x0] =	sbarrier.arrive $0xFFFF  }
0x93: {  	_ =	strace $0x90000047  }
0x94: {  	s0 =	sadd.s32 @!p0 $0x100000, s0;
	[bflag:$0x2] =	sbarrier.arrive $0xFFFF  }
0x95: {  	[sflag:s0] =	ssyncadd.tile.s32 @!p0 $0x1;
	_ =	shalt  }
.Lfunc_end2:
_tile_overlayer_lowered:
.L_overlay_start_2:
0x96: {  	(tag) =	ssettag $0x2  }
0x97: {  	s0 =	rddreg [dreg:$0x0];
	s2 =	stileid.u32  }
0x98: {  	s1 =	rddreg [dreg:$0x1];
	p0 =	sne.s32 s2, $0x0  }
0x99: {  	s3 =	rddreg [dreg:$0x2];
	[bflag:$0x3] =	sbarrier.arrive $0xFFFF;
	s2 =	simm.s32 @!p0 $0x1C01  }
0x9a: {  	[timem:s3], [sflag:s2] =	dma.local @!p0 [hbm:s0], s1  }
0x9b: {  	s0 =	simm.s32 @!p0 $0x1  }
0x9c: {  	_ =	swait.ge @!p0 [sflag:s0], s1  }
0x9d: {  	s1 =	ssub.s32 @!p0 $0x0, s1;
	[sflag:s0] =	ssyncset.done @!p0 $0x0  }
0x9e: {  	[sflag:s0] =	ssyncadd.s32 @!p0 s1  }
0x9f: {  	[bflag:$0x3] =	sbarrier.arrive $0xFFFF  }
0xa0: {  	_ =	shalt  }

</sc_bundles>
